<compile_context>
chip_gen: v7x
topology: tpu7x:2x2x1
jax: 0.10.2.dev20260603
libtpu: 0.0.44.dev20260713+nightly
codegen_flags: <defaults>
</compile_context>

<pallas_src>
import functools

import jax
import jax.numpy as jnp
from jax import lax
from jax.experimental import pallas as pl
from jax.experimental.pallas import tpu as pltpu
from jax.experimental.pallas import tpu_sc as plsc

NC = 2
NS = 16
LW = 128
F = 16
KROWS = 4
ZROWS = 512

_SC_PARAMS = pltpu.CompilerParams(use_tc_tiling_on_sc=False)


def _sc_geometry(n, r):
    cap = ((n + 256 + NS - 1) // NS) * NS
    stripe_z = cap // NS
    nzc = (stripe_z + ZROWS - 1) // ZROWS
    ws0 = ((n + NS - 1) // NS + 7) // 8 * 8
    ws_last = n - (NS - 1) * ws0
    rs = r // (NC * NS)
    nb = rs // KROWS
    assert n % NS == 0 and r % (NC * NS) == 0 and rs % KROWS == 0
    assert nb % 2 == 0 and stripe_z >= ZROWS
    assert 0 < ws_last <= ws0 and (NS - 1) * ws0 + ws_last == n
    assert cap >= (NS - 1) * ws0 + ws0
    return cap, stripe_z, nzc, ws0, ws_last, rs, nb


def _zero_acc(acc, zsrc, s, stripe_z, nzc):
    z0 = s * stripe_z

    @pl.loop(0, nzc - 1)
    def _(i):
        pltpu.sync_copy(zsrc, acc.at[pl.ds(z0 + i * ZROWS, ZROWS)])

    pltpu.sync_copy(zsrc, acc.at[pl.ds(z0 + stripe_z - ZROWS, ZROWS)])


def _readout(acc, out_hbm, s, ws0, ws_last):
    w0 = pl.multiple_of(s * ws0, 8)

    @pl.when(s < NS - 1)
    def _():
        pltpu.sync_copy(acc.at[pl.ds(w0, ws0)], out_hbm.at[pl.ds(w0, ws0)])

    @pl.when(s == NS - 1)
    def _():
        pltpu.sync_copy(acc.at[pl.ds(w0, ws_last)],
                        out_hbm.at[pl.ds(w0, ws_last)])


def _sc_segsum(n, r, table, edges_r, zeros):
    cap, stripe_z, nzc, ws0, ws_last, rs, nb = _sc_geometry(n, r)
    mesh = plsc.VectorSubcoreMesh(core_axis_name="c", subcore_axis_name="s")
    out_t = jax.ShapeDtypeStruct((n, F), jnp.float32)

    @functools.partial(
        pl.kernel,
        out_type=[out_t, out_t],
        mesh=mesh,
        scratch_types=[
            pltpu.VMEM((KROWS * LW, F), jnp.float32),
            pltpu.VMEM((KROWS * LW, F), jnp.float32),
            pltpu.VMEM((2 * KROWS, LW), jnp.int32),
            pltpu.VMEM((2 * KROWS, LW), jnp.int32),
            pltpu.VMEM_SHARED((cap, F), jnp.float32),
            pltpu.SemaphoreType.DMA,
            pltpu.SemaphoreType.DMA,
            pltpu.SemaphoreType.DMA,
            pltpu.SemaphoreType.DMA,
            pltpu.SemaphoreType.DMA,
            pltpu.SemaphoreType.DMA,
        ],
        compiler_params=_SC_PARAMS,
    )
    def seg_kernel(table_hbm, edges_hbm, zeros_hbm, out0_hbm, out1_hbm,
                   rows0, rows1, ev0, ev1, acc,
                   isem0, isem1, gsem0, gsem1, ssem0, ssem1):
        c = lax.axis_index("c")
        s = lax.axis_index("s")

        zsrc = rows0.at[pl.ds(0, ZROWS)]
        pltpu.sync_copy(zeros_hbm, zsrc)
        _zero_acc(acc, zsrc, s, stripe_z, nzc)
        plsc.subcore_barrier()

        row0 = (c * NS + s) * rs
        bufs = ((rows0, ev0, isem0, gsem0, ssem0),
                (rows1, ev1, isem1, gsem1, ssem1))

        def fire_idx(t, b):
            pltpu.async_copy(
                edges_hbm.at[pl.ds(2 * (row0 + t * KROWS), 2 * KROWS)],
                b[1], b[2])

        def wait_idx(t, b):
            pltpu.make_async_copy(
                edges_hbm.at[pl.ds(2 * (row0 + t * KROWS), 2 * KROWS)],
                b[1], b[2]).wait()

        def fire_gathers(b):
            @pl.loop(0, KROWS)
            def _(j):
                pltpu.async_copy(table_hbm.at[b[1].at[2 * j]],
                                 b[0].at[pl.ds(j * LW, LW)], b[3])

        def drain_gathers(b):
            @pl.loop(0, KROWS)
            def _(j):
                pltpu.make_async_copy(table_hbm.at[b[1].at[2 * j]],
                                      b[0].at[pl.ds(j * LW, LW)], b[3]).wait()

        def fire_scatters(b):
            @pl.loop(0, KROWS)
            def _(j):
                pltpu.async_copy(b[0].at[pl.ds(j * LW, LW)],
                                 acc.at[b[1].at[2 * j + 1]], b[4], add=True)

        def wait_scatters(b):
            @pl.loop(0, KROWS)
            def _(j):
                pltpu.make_async_copy(b[0].at[pl.ds(j * LW, LW)],
                                      acc.at[b[1].at[2 * j + 1]], b[4]).wait()

        def half_step(t, cur, nxt):
            drain_gathers(cur)
            fire_scatters(cur)

            @pl.when(t + 1 < nb)
            def _():
                wait_idx(t + 1, nxt)
                fire_gathers(nxt)

            wait_scatters(cur)

            @pl.when(t + 2 < nb)
            def _():
                fire_idx(t + 2, cur)

        fire_idx(0, bufs[0])
        fire_idx(1, bufs[1])
        wait_idx(0, bufs[0])
        fire_gathers(bufs[0])

        @pl.loop(0, nb // 2)
        def _(tt):
            half_step(2 * tt, bufs[0], bufs[1])
            half_step(2 * tt + 1, bufs[1], bufs[0])

        plsc.subcore_barrier()

        @pl.when(c == 0)
        def _():
            _readout(acc, out0_hbm, s, ws0, ws_last)

        @pl.when(c == 1)
        def _():
            _readout(acc, out1_hbm, s, ws0, ws_last)

    return seg_kernel(table, edges_r, zeros)


def _sc_deg(n, r, edges_r, ones, zeros):
    cap, stripe_z, nzc, ws0, ws_last, rs, nb = _sc_geometry(n, r)
    mesh = plsc.VectorSubcoreMesh(core_axis_name="c", subcore_axis_name="s")
    out_t = jax.ShapeDtypeStruct((n, F), jnp.float32)

    @functools.partial(
        pl.kernel,
        out_type=[out_t, out_t],
        mesh=mesh,
        scratch_types=[
            pltpu.VMEM((ZROWS, F), jnp.float32),
            pltpu.VMEM((LW, F), jnp.float32),
            pltpu.VMEM((2 * KROWS, LW), jnp.int32),
            pltpu.VMEM((2 * KROWS, LW), jnp.int32),
            pltpu.VMEM_SHARED((cap, F), jnp.float32),
            pltpu.SemaphoreType.DMA,
            pltpu.SemaphoreType.DMA,
            pltpu.SemaphoreType.DMA,
            pltpu.SemaphoreType.DMA,
        ],
        compiler_params=_SC_PARAMS,
    )
    def deg_kernel(edges_hbm, ones_hbm, zeros_hbm, out0_hbm, out1_hbm,
                   zero_v, ones_v, ev0, ev1, acc,
                   isem0, isem1, ssem0, ssem1):
        c = lax.axis_index("c")
        s = lax.axis_index("s")

        pltpu.sync_copy(zeros_hbm, zero_v)
        pltpu.sync_copy(ones_hbm, ones_v)
        _zero_acc(acc, zero_v, s, stripe_z, nzc)
        plsc.subcore_barrier()

        row0 = (c * NS + s) * rs
        bufs = ((ev0, isem0, ssem0), (ev1, isem1, ssem1))

        def fire_idx(t, b):
            pltpu.async_copy(
                edges_hbm.at[pl.ds(2 * (row0 + t * KROWS), 2 * KROWS)],
                b[0], b[1])

        def wait_idx(t, b):
            pltpu.make_async_copy(
                edges_hbm.at[pl.ds(2 * (row0 + t * KROWS), 2 * KROWS)],
                b[0], b[1]).wait()

        def fire_scatters(b):
            @pl.loop(0, KROWS)
            def _(j):
                pltpu.async_copy(ones_v, acc.at[b[0].at[2 * j + 1]],
                                 b[2], add=True)

        def wait_scatters(b):
            @pl.loop(0, KROWS)
            def _(j):
                pltpu.make_async_copy(ones_v, acc.at[b[0].at[2 * j + 1]],
                                      b[2]).wait()

        def half_step(t, cur):
            wait_idx(t, cur)
            fire_scatters(cur)
            wait_scatters(cur)

            @pl.when(t + 2 < nb)
            def _():
                fire_idx(t + 2, cur)

        fire_idx(0, bufs[0])
        fire_idx(1, bufs[1])

        @pl.loop(0, nb // 2)
        def _(tt):
            half_step(2 * tt, bufs[0])
            half_step(2 * tt + 1, bufs[1])

        plsc.subcore_barrier()

        @pl.when(c == 0)
        def _():
            _readout(acc, out0_hbm, s, ws0, ws_last)

        @pl.when(c == 1)
        def _():
            _readout(acc, out1_hbm, s, ws0, ws_last)

    return deg_kernel(edges_r, ones, zeros)


G = 25
BP = 500


def _tc_matmul_packed(xp, w1big):
    kp = xp.shape[2]

    def body(x_ref, w_ref, o_ref):
        o_ref[0] = jnp.dot(x_ref[0], w_ref[...],
                           preferred_element_type=jnp.float32,
                           precision=lax.Precision.HIGHEST)

    return pl.pallas_call(
        body,
        grid=(G,),
        in_specs=[pl.BlockSpec((1, BP, kp), lambda i: (i, 0, 0)),
                  pl.BlockSpec((kp, 128), lambda i: (0, 0))],
        out_specs=pl.BlockSpec((1, BP, 128), lambda i: (i, 0, 0)),
        out_shape=jax.ShapeDtypeStruct((G, BP, 128), jnp.float32),
    )(xp, w1big)


_P3SPEC = pl.BlockSpec((1, BP, 128), lambda i: (i, 0, 0))


def _tc_scale(h1p, deg_a, deg_b):
    def body(h_ref, da_ref, db_ref, g_ref, dinv_ref):
        dinv = lax.rsqrt(da_ref[...] + db_ref[...] + 1.0)
        g_ref[...] = h_ref[...] * dinv
        dinv_ref[...] = dinv

    out_t = jax.ShapeDtypeStruct((G, BP, 128), jnp.float32)
    return pl.pallas_call(
        body,
        grid=(G,),
        in_specs=[_P3SPEC, _P3SPEC, _P3SPEC],
        out_specs=[_P3SPEC, _P3SPEC],
        out_shape=[out_t, out_t],
    )(h1p, deg_a, deg_b)


def _tc_mid(seg_a, seg_b, g1p, dinvp, b1tile):
    def body(sa_ref, sb_ref, g_ref, d_ref, b_ref, y_ref):
        dinv_b = d_ref[...]
        z = dinv_b * (sa_ref[...] + sb_ref[...] + g_ref[...]) + b_ref[...]
        z = jnp.maximum(z, 0.0)
        y_ref[...] = z * dinv_b

    return pl.pallas_call(
        body,
        grid=(G,),
        in_specs=[_P3SPEC, _P3SPEC, _P3SPEC, _P3SPEC,
                  pl.BlockSpec((1, 1, 128), lambda i: (0, 0, 0))],
        out_specs=_P3SPEC,
        out_shape=jax.ShapeDtypeStruct((G, BP, 128), jnp.float32),
    )(seg_a, seg_b, g1p, dinvp, b1tile)


def _tc_out_packed(seg_a, seg_b, yp, dinvp, w2big, sel, b2tile,
                   kshrink, kgrow, msum):
    mp = w2big.shape[1]

    def body(sa_ref, sb_ref, y_ref, d_ref, w_ref, s_ref, b_ref,
             ks_ref, kg_ref, ms_ref, o_ref):
        hi = lax.Precision.HIGHEST
        t = sa_ref[0] + sb_ref[0] + y_ref[0]
        h2 = jnp.dot(t, w_ref[...], preferred_element_type=jnp.float32,
                     precision=hi)
        dsc = jnp.dot(d_ref[0], s_ref[...], preferred_element_type=jnp.float32,
                      precision=hi)
        o = dsc * h2 + b_ref[0]
        c1 = jnp.dot(o, ks_ref[...], preferred_element_type=jnp.float32)
        shift = jnp.dot(c1, kg_ref[...], preferred_element_type=jnp.float32)
        oc = o - shift
        e = jnp.exp(oc)
        ssum = jnp.dot(e, ms_ref[...], preferred_element_type=jnp.float32,
                       precision=hi)
        o_ref[0] = oc - jnp.log(ssum)

    return pl.pallas_call(
        body,
        grid=(G,),
        in_specs=[_P3SPEC, _P3SPEC, _P3SPEC, _P3SPEC,
                  pl.BlockSpec((128, mp), lambda i: (0, 0)),
                  pl.BlockSpec((128, mp), lambda i: (0, 0)),
                  pl.BlockSpec((1, 1, mp), lambda i: (0, 0, 0)),
                  pl.BlockSpec((mp, 8), lambda i: (0, 0)),
                  pl.BlockSpec((8, mp), lambda i: (0, 0)),
                  pl.BlockSpec((mp, mp), lambda i: (0, 0))],
        out_specs=pl.BlockSpec((1, BP, mp), lambda i: (i, 0, 0)),
        out_shape=jax.ShapeDtypeStruct((G, BP, mp), jnp.float32),
    )(seg_a, seg_b, yp, dinvp, w2big, sel, b2tile, kshrink, kgrow, msum)


def kernel(x, edge_index, W1, b1, W2, b2):
    n = x.shape[0]
    e = edge_index.shape[1]
    h = W1.shape[1]
    c = W2.shape[1]
    assert h == F

    unit = LW * NC * NS * KROWS * 2
    e_pad = ((e + unit - 1) // unit) * unit
    pad = e_pad - e
    if pad:
        pad_block = jnp.stack(
            [jnp.zeros((pad,), jnp.int32),
             n + (jnp.arange(pad, dtype=jnp.int32) & 255)])
        ei = jnp.concatenate([edge_index, pad_block], axis=1)
    else:
        ei = edge_index
    r = e_pad // LW
    edges_r = ei.reshape(2, r, LW).transpose(1, 0, 2).reshape(2 * r, LW)

    ones = jnp.ones((LW, F), jnp.float32)
    zeros = jnp.zeros((ZROWS, F), jnp.float32)

    def pk(a):
        return a.reshape(G, BP, 8 * F)

    def un(ap):
        return ap.reshape(n, F)

    eye8 = jnp.eye(8, dtype=jnp.float32)
    deg_a, deg_b = _sc_deg(n, r, edges_r, ones, zeros)
    w1big = jnp.kron(eye8, W1)
    h1p = _tc_matmul_packed(x.reshape(G, BP, 8 * x.shape[1]), w1big)
    g1p, dinvp = _tc_scale(h1p, pk(deg_a), pk(deg_b))
    seg1a, seg1b = _sc_segsum(n, r, un(g1p), edges_r, zeros)
    yp = _tc_mid(pk(seg1a), pk(seg1b), g1p, dinvp,
                 jnp.tile(b1, 8).reshape(1, 1, 8 * h))
    seg2a, seg2b = _sc_segsum(n, r, un(yp), edges_r, zeros)
    w2big = jnp.kron(eye8, W2)
    sel = jnp.kron(eye8, jnp.zeros((h, c), jnp.float32).at[0, :].set(1.0))
    b2tile = jnp.tile(b2, 8).reshape(1, 1, 8 * c)
    kshrink = jnp.kron(eye8, jnp.full((c, 1), 1.0 / c, jnp.float32))
    kgrow = jnp.kron(eye8, jnp.ones((1, c), jnp.float32))
    msum = jnp.kron(eye8, jnp.ones((c, c), jnp.float32))
    o_p = _tc_out_packed(pk(seg2a), pk(seg2b), yp, dinvp, w2big, sel, b2tile,
                         kshrink, kgrow, msum)
    return o_p.reshape(n, c)

# --- scband reference (transcript-rebuilt; emitter-appended) ---
"""Pipeline reference for scband-gcn-9887014715723 (READ-ONLY COPY).

The authoritative reference and input builder live on the scoring server;
editing this copy changes nothing except your own understanding.
"""

import jax, jax.numpy as jnp
import numpy as np


def _gcn_conv(x, edge_index, W, b):
    # Faithful PyG GCNConv: add self-loops, symmetric normalization, linear, scatter-add, bias.
    n = x.shape[0]
    loop = jnp.arange(n, dtype=edge_index.dtype)
    src = jnp.concatenate([edge_index[0], loop])
    dst = jnp.concatenate([edge_index[1], loop])
    h = x @ W
    deg = jnp.zeros((n,), dtype=h.dtype).at[dst].add(1.0)
    dinv = jnp.where(deg > 0, jax.lax.rsqrt(jnp.maximum(deg, 1e-12)), 0.0)
    norm = dinv[src] * dinv[dst]
    msgs = h[src] * norm[:, None]
    out = jax.ops.segment_sum(msgs, dst, num_segments=n)
    return out + b


def setup_inputs(seed: int = 0) -> dict:
    key = jax.random.key(seed)
    ks = jax.random.split(key, 6)
    N, E, F_IN, H, C = 100000, 1600000, 128, 16, 40
    x = jax.random.normal(ks[0], (N, F_IN), dtype=jnp.float32)
    edge_index = jax.random.randint(ks[1], (2, E), 0, N, dtype=jnp.int32)
    W1 = jax.random.normal(ks[2], (F_IN, H), dtype=jnp.float32) * (1.0 / np.sqrt(F_IN))
    b1 = jnp.zeros((H,), dtype=jnp.float32)
    W2 = jax.random.normal(ks[3], (H, C), dtype=jnp.float32) * (1.0 / np.sqrt(H))
    b2 = jnp.zeros((C,), dtype=jnp.float32)
    return {"x": x, "edge_index": edge_index, "W1": W1, "b1": b1, "W2": W2, "b2": b2}


def reference(x, edge_index, W1, b1, W2, b2):
    h = _gcn_conv(x, edge_index, W1, b1)
    h = jax.nn.relu(h)
    h = _gcn_conv(h, edge_index, W2, b2)
    return jax.nn.log_softmax(h, axis=1)

if __name__ == "__main__":
    import jax
    _d = setup_inputs()
    print(jax.jit(kernel)(*tuple(_d.values())))

</pallas_src>

<mosaic_0001>
#map = affine_map<(d0, d1) -> (0, 0)>
module attributes {stable_mosaic.version = 14 : i64} {
  func.func @seg_kernel(%arg0: i32, %arg1: i32, %arg2: memref<100000x16xf32, #tpu.memory_space<hbm>>, %arg3: memref<25088x128xi32, #tpu.memory_space<hbm>>, %arg4: memref<512x16xf32, #tpu.memory_space<hbm>>, %arg5: memref<100000x16xf32, #tpu.memory_space<hbm>>, %arg6: memref<100000x16xf32, #tpu.memory_space<hbm>>, %arg7: memref<512x16xf32, #tpu.memory_space<vmem>>, %arg8: memref<512x16xf32, #tpu.memory_space<vmem>>, %arg9: memref<8x128xi32, #tpu.memory_space<vmem>>, %arg10: memref<8x128xi32, #tpu.memory_space<vmem>>, %arg11: memref<100256x16xf32, #tpu.memory_space<vmem_shared>>, %arg12: memref<!tpu.dma_semaphore, #tpu.memory_space<semaphore_mem>>, %arg13: memref<!tpu.dma_semaphore, #tpu.memory_space<semaphore_mem>>, %arg14: memref<!tpu.dma_semaphore, #tpu.memory_space<semaphore_mem>>, %arg15: memref<!tpu.dma_semaphore, #tpu.memory_space<semaphore_mem>>, %arg16: memref<!tpu.dma_semaphore, #tpu.memory_space<semaphore_mem>>, %arg17: memref<!tpu.dma_semaphore, #tpu.memory_space<semaphore_mem>>) attributes {dimension_semantics = [#tpu.dimension_semantics<core_parallel>, #tpu.dimension_semantics<subcore_parallel>], iteration_bounds = array<i64: 2, 16>, scalar_prefetch = 0 : i64, scratch_operands = 11 : i64, tpu.core_type = #tpu.core_type<sc_vector_subcore>, window_params = [{transform_indices = #map}, {transform_indices = #map}, {transform_indices = #map}, {transform_indices = #map}, {transform_indices = #map}]} {
    "tpu.region"() ({
      %run_scoped3A = tpu.sem_alloc : memref<!tpu.dma_semaphore, #tpu.memory_space<semaphore_mem>>
      %dma_start3A_52 = arith.constant 0 : i32
      %dma_start3A_53 = arith.constant 0 : i32
      %dma_start3A_54 = tpu.memref_slice %arg7[%dma_start3A_52, %dma_start3A_53] : memref<512x16xf32, #tpu.memory_space<vmem>> -> memref<512x16xf32, #tpu.memory_space<vmem>>
      %dma_start3A_55 = arith.constant 0 : i32
      %dma_start3A_56 = arith.constant 0 : i32
      %dma_start3A_57 = tpu.memref_slice %arg7[%dma_start3A_55, %dma_start3A_56] : memref<512x16xf32, #tpu.memory_space<vmem>> -> memref<512x16xf32, #tpu.memory_space<vmem>>
      tpu.enqueue_dma source(%arg4 : memref<512x16xf32, #tpu.memory_space<hbm>>) target(%dma_start3A_57 : memref<512x16xf32, #tpu.memory_space<vmem>>) target_semaphore(%run_scoped3A : memref<!tpu.dma_semaphore, #tpu.memory_space<semaphore_mem>>)
      %dma_wait3A_58 = arith.constant 0 : i32
      %dma_wait3A_59 = arith.constant 0 : i32
      %dma_wait3A_60 = tpu.memref_slice %arg7[%dma_wait3A_58, %dma_wait3A_59] : memref<512x16xf32, #tpu.memory_space<vmem>> -> memref<512x16xf32, #tpu.memory_space<vmem>>
      %dma_wait3A_61 = arith.constant 0 : i32
      %dma_wait3A_62 = arith.constant 0 : i32
      %dma_wait3A_63 = tpu.memref_slice %arg7[%dma_wait3A_61, %dma_wait3A_62] : memref<512x16xf32, #tpu.memory_space<vmem>> -> memref<512x16xf32, #tpu.memory_space<vmem>>
      tpu.wait_dma2 semaphore(%run_scoped3A : memref<!tpu.dma_semaphore, #tpu.memory_space<semaphore_mem>>) src(%arg4 : memref<512x16xf32, #tpu.memory_space<hbm>>) dst(%dma_wait3A_63 : memref<512x16xf32, #tpu.memory_space<vmem>>)
      tpu.yield
    }) : () -> ()
    %mul3A = arith.constant 6266 : i32
    %mul3A_0 = arith.muli %arg1, %mul3A : i32
    %scan3A = arith.constant 0 : i32
    %scan3A_1 = arith.constant 12 : i32
    %scan3A_2 = arith.addi %scan3A, %scan3A_1 : i32
    %scan3A_3 = arith.constant 1 : i32
    scf.for %scan3A_52 = %scan3A to %scan3A_2 step %scan3A_3  : i32 {
      %mul3A_53 = arith.constant 1 : i32
      %mul3A_54 = arith.muli %scan3A_52, %mul3A_53 : i32
      %add3A_55 = arith.constant 0 : i32
      %add3A_56 = arith.addi %add3A_55, %mul3A_54 : i32
      %mul3A_57 = arith.constant 512 : i32
      %mul3A_58 = arith.muli %add3A_56, %mul3A_57 : i32
      %add3A_59 = arith.addi %mul3A_0, %mul3A_58 : i32
      "tpu.region"() ({
        %run_scoped3A = tpu.sem_alloc : memref<!tpu.dma_semaphore, #tpu.memory_space<semaphore_mem>>
        %dma_start3A_60 = arith.constant 0 : i32
        %dma_start3A_61 = arith.constant 0 : i32
        %dma_start3A_62 = tpu.memref_slice %arg7[%dma_start3A_60, %dma_start3A_61] : memref<512x16xf32, #tpu.memory_space<vmem>> -> memref<512x16xf32, #tpu.memory_space<vmem>>
        %dma_start3A_63 = arith.constant 0 : i32
        %dma_start3A_64 = tpu.memref_slice %arg11[%add3A_59, %dma_start3A_63] : memref<100256x16xf32, #tpu.memory_space<vmem_shared>> -> memref<512x16xf32, #tpu.memory_space<vmem_shared>>
        %dma_start3A_65 = arith.constant 0 : i32
        %dma_start3A_66 = tpu.memref_slice %arg11[%add3A_59, %dma_start3A_65] : memref<100256x16xf32, #tpu.memory_space<vmem_shared>> -> memref<512x16xf32, #tpu.memory_space<vmem_shared>>
        %dma_start3A_67 = arith.constant 0 : i32
        %dma_start3A_68 = arith.constant 0 : i32
        %dma_start3A_69 = tpu.memref_slice %arg7[%dma_start3A_67, %dma_start3A_68] : memref<512x16xf32, #tpu.memory_space<vmem>> -> memref<512x16xf32, #tpu.memory_space<vmem>>
        tpu.enqueue_dma source(%dma_start3A_69 : memref<512x16xf32, #tpu.memory_space<vmem>>) target(%dma_start3A_66 : memref<512x16xf32, #tpu.memory_space<vmem_shared>>) target_semaphore(%run_scoped3A : memref<!tpu.dma_semaphore, #tpu.memory_space<semaphore_mem>>)
        %dma_wait3A_70 = arith.constant 0 : i32
        %dma_wait3A_71 = arith.constant 0 : i32
        %dma_wait3A_72 = tpu.memref_slice %arg7[%dma_wait3A_70, %dma_wait3A_71] : memref<512x16xf32, #tpu.memory_space<vmem>> -> memref<512x16xf32, #tpu.memory_space<vmem>>
        %dma_wait3A_73 = arith.constant 0 : i32
        %dma_wait3A_74 = tpu.memref_slice %arg11[%add3A_59, %dma_wait3A_73] : memref<100256x16xf32, #tpu.memory_space<vmem_shared>> -> memref<512x16xf32, #tpu.memory_space<vmem_shared>>
        %dma_wait3A_75 = arith.constant 0 : i32
        %dma_wait3A_76 = tpu.memref_slice %arg11[%add3A_59, %dma_wait3A_75] : memref<100256x16xf32, #tpu.memory_space<vmem_shared>> -> memref<512x16xf32, #tpu.memory_space<vmem_shared>>
        %dma_wait3A_77 = arith.constant 0 : i32
        %dma_wait3A_78 = arith.constant 0 : i32
        %dma_wait3A_79 = tpu.memref_slice %arg7[%dma_wait3A_77, %dma_wait3A_78] : memref<512x16xf32, #tpu.memory_space<vmem>> -> memref<512x16xf32, #tpu.memory_space<vmem>>
        tpu.wait_dma2 semaphore(%run_scoped3A : memref<!tpu.dma_semaphore, #tpu.memory_space<semaphore_mem>>) src(%dma_wait3A_79 : memref<512x16xf32, #tpu.memory_space<vmem>>) dst(%dma_wait3A_76 : memref<512x16xf32, #tpu.memory_space<vmem_shared>>)
        tpu.yield
      }) : () -> ()
    }
    %scan3A_4 = arith.constant 12 : i32
    %add3A = arith.constant 6266 : i32
    %add3A_5 = arith.addi %mul3A_0, %add3A : i32
    %sub3A = arith.constant 512 : i32
    %sub3A_6 = arith.subi %add3A_5, %sub3A : i32
    "tpu.region"() ({
      %run_scoped3A = tpu.sem_alloc : memref<!tpu.dma_semaphore, #tpu.memory_space<semaphore_mem>>
      %dma_start3A_52 = arith.constant 0 : i32
      %dma_start3A_53 = arith.constant 0 : i32
      %dma_start3A_54 = tpu.memref_slice %arg7[%dma_start3A_52, %dma_start3A_53] : memref<512x16xf32, #tpu.memory_space<vmem>> -> memref<512x16xf32, #tpu.memory_space<vmem>>
      %dma_start3A_55 = arith.constant 0 : i32
      %dma_start3A_56 = tpu.memref_slice %arg11[%sub3A_6, %dma_start3A_55] : memref<100256x16xf32, #tpu.memory_space<vmem_shared>> -> memref<512x16xf32, #tpu.memory_space<vmem_shared>>
      %dma_start3A_57 = arith.constant 0 : i32
      %dma_start3A_58 = tpu.memref_slice %arg11[%sub3A_6, %dma_start3A_57] : memref<100256x16xf32, #tpu.memory_space<vmem_shared>> -> memref<512x16xf32, #tpu.memory_space<vmem_shared>>
      %dma_start3A_59 = arith.constant 0 : i32
      %dma_start3A_60 = arith.constant 0 : i32
      %dma_start3A_61 = tpu.memref_slice %arg7[%dma_start3A_59, %dma_start3A_60] : memref<512x16xf32, #tpu.memory_space<vmem>> -> memref<512x16xf32, #tpu.memory_space<vmem>>
      tpu.enqueue_dma source(%dma_start3A_61 : memref<512x16xf32, #tpu.memory_space<vmem>>) target(%dma_start3A_58 : memref<512x16xf32, #tpu.memory_space<vmem_shared>>) target_semaphore(%run_scoped3A : memref<!tpu.dma_semaphore, #tpu.memory_space<semaphore_mem>>)
      %dma_wait3A_62 = arith.constant 0 : i32
      %dma_wait3A_63 = arith.constant 0 : i32
      %dma_wait3A_64 = tpu.memref_slice %arg7[%dma_wait3A_62, %dma_wait3A_63] : memref<512x16xf32, #tpu.memory_space<vmem>> -> memref<512x16xf32, #tpu.memory_space<vmem>>
      %dma_wait3A_65 = arith.constant 0 : i32
      %dma_wait3A_66 = tpu.memref_slice %arg11[%sub3A_6, %dma_wait3A_65] : memref<100256x16xf32, #tpu.memory_space<vmem_shared>> -> memref<512x16xf32, #tpu.memory_space<vmem_shared>>
      %dma_wait3A_67 = arith.constant 0 : i32
      %dma_wait3A_68 = tpu.memref_slice %arg11[%sub3A_6, %dma_wait3A_67] : memref<100256x16xf32, #tpu.memory_space<vmem_shared>> -> memref<512x16xf32, #tpu.memory_space<vmem_shared>>
      %dma_wait3A_69 = arith.constant 0 : i32
      %dma_wait3A_70 = arith.constant 0 : i32
      %dma_wait3A_71 = tpu.memref_slice %arg7[%dma_wait3A_69, %dma_wait3A_70] : memref<512x16xf32, #tpu.memory_space<vmem>> -> memref<512x16xf32, #tpu.memory_space<vmem>>
      tpu.wait_dma2 semaphore(%run_scoped3A : memref<!tpu.dma_semaphore, #tpu.memory_space<semaphore_mem>>) src(%dma_wait3A_71 : memref<512x16xf32, #tpu.memory_space<vmem>>) dst(%dma_wait3A_68 : memref<512x16xf32, #tpu.memory_space<vmem_shared>>)
      tpu.yield
    }) : () -> ()
    %barrier3A = arith.constant 0 : index
    tpu.barrier barrier_id(%barrier3A)
    %mul3A_7 = arith.constant 16 : i32
    %mul3A_8 = arith.muli %arg0, %mul3A_7 : i32
    %add3A_9 = arith.addi %mul3A_8, %arg1 : i32
    %mul3A_10 = arith.constant 392 : i32
    %mul3A_11 = arith.muli %add3A_9, %mul3A_10 : i32
    %add3A_12 = arith.constant 0 : i32
    %add3A_13 = arith.addi %mul3A_11, %add3A_12 : i32
    %mul3A_14 = arith.constant 2 : i32
    %mul3A_15 = arith.muli %mul3A_14, %add3A_13 : i32
    %dma_start3A = arith.constant 0 : i32
    %dma_start3A_16 = tpu.memref_slice %arg3[%mul3A_15, %dma_start3A] : memref<25088x128xi32, #tpu.memory_space<hbm>> -> memref<8x128xi32, #tpu.memory_space<hbm>>
    %dma_start3A_17 = arith.constant 0 : i32
    %dma_start3A_18 = tpu.memref_slice %arg3[%mul3A_15, %dma_start3A_17] : memref<25088x128xi32, #tpu.memory_space<hbm>> -> memref<8x128xi32, #tpu.memory_space<hbm>>
    tpu.enqueue_dma source(%dma_start3A_18 : memref<8x128xi32, #tpu.memory_space<hbm>>) target(%arg9 : memref<8x128xi32, #tpu.memory_space<vmem>>) target_semaphore(%arg12 : memref<!tpu.dma_semaphore, #tpu.memory_space<semaphore_mem>>)
    %add3A_19 = arith.constant 4 : i32
    %add3A_20 = arith.addi %mul3A_11, %add3A_19 : i32
    %mul3A_21 = arith.constant 2 : i32
    %mul3A_22 = arith.muli %mul3A_21, %add3A_20 : i32
    %dma_start3A_23 = arith.constant 0 : i32
    %dma_start3A_24 = tpu.memref_slice %arg3[%mul3A_22, %dma_start3A_23] : memref<25088x128xi32, #tpu.memory_space<hbm>> -> memref<8x128xi32, #tpu.memory_space<hbm>>
    %dma_start3A_25 = arith.constant 0 : i32
    %dma_start3A_26 = tpu.memref_slice %arg3[%mul3A_22, %dma_start3A_25] : memref<25088x128xi32, #tpu.memory_space<hbm>> -> memref<8x128xi32, #tpu.memory_space<hbm>>
    tpu.enqueue_dma source(%dma_start3A_26 : memref<8x128xi32, #tpu.memory_space<hbm>>) target(%arg10 : memref<8x128xi32, #tpu.memory_space<vmem>>) target_semaphore(%arg13 : memref<!tpu.dma_semaphore, #tpu.memory_space<semaphore_mem>>)
    %add3A_27 = arith.constant 0 : i32
    %add3A_28 = arith.addi %mul3A_11, %add3A_27 : i32
    %mul3A_29 = arith.constant 2 : i32
    %mul3A_30 = arith.muli %mul3A_29, %add3A_28 : i32
    %dma_wait3A = arith.constant 0 : i32
    %dma_wait3A_31 = tpu.memref_slice %arg3[%mul3A_30, %dma_wait3A] : memref<25088x128xi32, #tpu.memory_space<hbm>> -> memref<8x128xi32, #tpu.memory_space<hbm>>
    %dma_wait3A_32 = arith.constant 0 : i32
    %dma_wait3A_33 = tpu.memref_slice %arg3[%mul3A_30, %dma_wait3A_32] : memref<25088x128xi32, #tpu.memory_space<hbm>> -> memref<8x128xi32, #tpu.memory_space<hbm>>
    tpu.wait_dma2 semaphore(%arg12 : memref<!tpu.dma_semaphore, #tpu.memory_space<semaphore_mem>>) src(%dma_wait3A_33 : memref<8x128xi32, #tpu.memory_space<hbm>>) dst(%arg9 : memref<8x128xi32, #tpu.memory_space<vmem>>)
    %scan3A_34 = arith.constant 0 : i32
    %scan3A_35 = arith.constant 4 : i32
    %scan3A_36 = arith.addi %scan3A_34, %scan3A_35 : i32
    %scan3A_37 = arith.constant 1 : i32
    scf.for %scan3A_52 = %scan3A_34 to %scan3A_36 step %scan3A_37  : i32 {
      %mul3A_53 = arith.constant 1 : i32
      %mul3A_54 = arith.muli %scan3A_52, %mul3A_53 : i32
      %add3A_55 = arith.constant 0 : i32
      %add3A_56 = arith.addi %add3A_55, %mul3A_54 : i32
      %mul3A_57 = arith.constant 2 : i32
      %mul3A_58 = arith.muli %mul3A_57, %add3A_56 : i32
      %mul3A_59 = arith.constant 128 : i32
      %mul3A_60 = arith.muli %add3A_56, %mul3A_59 : i32
      %dma_start3A_61 = arith.constant 0 : i32
      %dma_start3A_62 = tpu.memref_slice %arg7[%mul3A_60, %dma_start3A_61] : memref<512x16xf32, #tpu.memory_space<vmem>> -> memref<128x16xf32, #tpu.memory_space<vmem>>
      %dma_start3A_63 = arith.constant 0 : i32
      %dma_start3A_64 = tpu.memref_slice %arg9[%mul3A_58, %dma_start3A_63] : memref<8x128xi32, #tpu.memory_space<vmem>> -> memref<1x128xi32, #tpu.memory_space<vmem>>
      %dma_start3A_65 = tpu.memref_squeeze %dma_start3A_64 : memref<1x128xi32, #tpu.memory_space<vmem>> -> memref<128xi32, #tpu.memory_space<vmem>>
      %dma_start3A_66 = arith.constant 0 : i32
      %dma_start3A_67 = arith.constant 0 : i32
      %dma_start3A_68 = tpu.memref_slice %arg2[%dma_start3A_66, %dma_start3A_67] : memref<100000x16xf32, #tpu.memory_space<hbm>> -> memref<100000x16xf32, #tpu.memory_space<hbm>>
      tpu.enqueue_indirect_dma source(%dma_start3A_68 : memref<100000x16xf32, #tpu.memory_space<hbm>>) target(%dma_start3A_62 : memref<128x16xf32, #tpu.memory_space<vmem>>) offsets(%dma_start3A_65 : memref<128xi32, #tpu.memory_space<vmem>>) semaphore(%arg14 : memref<!tpu.dma_semaphore, #tpu.memory_space<semaphore_mem>>)
    }
    %scan3A_38 = arith.constant 4 : i32
    %scan3A_39 = arith.constant 0 : i32
    %scan3A_40 = arith.constant 49 : i32
    %scan3A_41 = arith.addi %scan3A_39, %scan3A_40 : i32
    %scan3A_42 = arith.constant 1 : i32
    scf.for %scan3A_52 = %scan3A_39 to %scan3A_41 step %scan3A_42  : i32 {
      %mul3A_53 = arith.constant 1 : i32
      %mul3A_54 = arith.muli %scan3A_52, %mul3A_53 : i32
      %add3A_55 = arith.constant 0 : i32
      %add3A_56 = arith.addi %add3A_55, %mul3A_54 : i32
      %mul3A_57 = arith.constant 2 : i32
      %mul3A_58 = arith.muli %mul3A_57, %add3A_56 : i32
      %scan3A_59 = arith.constant 0 : i32
      %scan3A_60 = arith.constant 4 : i32
      %scan3A_61 = arith.addi %scan3A_59, %scan3A_60 : i32
      %scan3A_62 = arith.constant 1 : i32
      scf.for %scan3A_120 = %scan3A_59 to %scan3A_61 step %scan3A_62  : i32 {
        %mul3A_121 = arith.constant 1 : i32
        %mul3A_122 = arith.muli %scan3A_120, %mul3A_121 : i32
        %add3A_123 = arith.constant 0 : i32
        %add3A_124 = arith.addi %add3A_123, %mul3A_122 : i32
        %mul3A_125 = arith.constant 2 : i32
        %mul3A_126 = arith.muli %mul3A_125, %add3A_124 : i32
        %mul3A_127 = arith.constant 128 : i32
        %mul3A_128 = arith.muli %add3A_124, %mul3A_127 : i32
        %dma_wait3A_129 = arith.constant 0 : i32
        %dma_wait3A_130 = tpu.memref_slice %arg7[%mul3A_128, %dma_wait3A_129] : memref<512x16xf32, #tpu.memory_space<vmem>> -> memref<128x16xf32, #tpu.memory_space<vmem>>
        %dma_wait3A_131 = arith.constant 0 : i32
        %dma_wait3A_132 = tpu.memref_slice %arg9[%mul3A_126, %dma_wait3A_131] : memref<8x128xi32, #tpu.memory_space<vmem>> -> memref<1x128xi32, #tpu.memory_space<vmem>>
        %dma_wait3A_133 = tpu.memref_squeeze %dma_wait3A_132 : memref<1x128xi32, #tpu.memory_space<vmem>> -> memref<128xi32, #tpu.memory_space<vmem>>
        %dma_wait3A_134 = arith.constant 0 : i32
        %dma_wait3A_135 = arith.constant 0 : i32
        %dma_wait3A_136 = tpu.memref_slice %arg2[%dma_wait3A_134, %dma_wait3A_135] : memref<100000x16xf32, #tpu.memory_space<hbm>> -> memref<100000x16xf32, #tpu.memory_space<hbm>>
        tpu.wait_indirect_dma semaphore(%arg14 : memref<!tpu.dma_semaphore, #tpu.memory_space<semaphore_mem>>) src(%dma_wait3A_136 : memref<100000x16xf32, #tpu.memory_space<hbm>>) dst(%dma_wait3A_130 : memref<128x16xf32, #tpu.memory_space<vmem>>)
      }
      %scan3A_63 = arith.constant 4 : i32
      %scan3A_64 = arith.constant 0 : i32
      %scan3A_65 = arith.constant 4 : i32
      %scan3A_66 = arith.addi %scan3A_64, %scan3A_65 : i32
      %scan3A_67 = arith.constant 1 : i32
      scf.for %scan3A_120 = %scan3A_64 to %scan3A_66 step %scan3A_67  : i32 {
        %mul3A_121 = arith.constant 1 : i32
        %mul3A_122 = arith.muli %scan3A_120, %mul3A_121 : i32
        %add3A_123 = arith.constant 0 : i32
        %add3A_124 = arith.addi %add3A_123, %mul3A_122 : i32
        %mul3A_125 = arith.constant 128 : i32
        %mul3A_126 = arith.muli %add3A_124, %mul3A_125 : i32
        %mul3A_127 = arith.constant 2 : i32
        %mul3A_128 = arith.muli %mul3A_127, %add3A_124 : i32
        %add3A_129 = arith.constant 1 : i32
        %add3A_130 = arith.addi %mul3A_128, %add3A_129 : i32
        %dma_start3A_131 = arith.constant 0 : i32
        %dma_start3A_132 = tpu.memref_slice %arg7[%mul3A_126, %dma_start3A_131] : memref<512x16xf32, #tpu.memory_space<vmem>> -> memref<128x16xf32, #tpu.memory_space<vmem>>
        %dma_start3A_133 = arith.constant 0 : i32
        %dma_start3A_134 = tpu.memref_slice %arg9[%add3A_130, %dma_start3A_133] : memref<8x128xi32, #tpu.memory_space<vmem>> -> memref<1x128xi32, #tpu.memory_space<vmem>>
        %dma_start3A_135 = tpu.memref_squeeze %dma_start3A_134 : memref<1x128xi32, #tpu.memory_space<vmem>> -> memref<128xi32, #tpu.memory_space<vmem>>
        %dma_start3A_136 = arith.constant 0 : i32
        %dma_start3A_137 = arith.constant 0 : i32
        %dma_start3A_138 = tpu.memref_slice %arg11[%dma_start3A_136, %dma_start3A_137] : memref<100256x16xf32, #tpu.memory_space<vmem_shared>> -> memref<100256x16xf32, #tpu.memory_space<vmem_shared>>
        tpu.enqueue_indirect_dma source(%dma_start3A_132 : memref<128x16xf32, #tpu.memory_space<vmem>>) target(%dma_start3A_138 : memref<100256x16xf32, #tpu.memory_space<vmem_shared>>) offsets(%dma_start3A_135 : memref<128xi32, #tpu.memory_space<vmem>>) semaphore(%arg16 : memref<!tpu.dma_semaphore, #tpu.memory_space<semaphore_mem>>) {add = true}
      }
      %scan3A_68 = arith.constant 4 : i32
      %add3A_69 = arith.constant 1 : i32
      %add3A_70 = arith.addi %mul3A_58, %add3A_69 : i32
      %lt3A = arith.constant 98 : i32
      %lt3A_71 = arith.cmpi slt, %add3A_70, %lt3A : i32
      %convert_element_type3A_72 = arith.extui %lt3A_71 : i1 to i32
      %cond3A_73 = arith.constant 0 : i32
      %cond3A_74 = arith.cmpi ne, %convert_element_type3A_72, %cond3A_73 : i32
      scf.if %cond3A_74 {
        %add3A_120 = arith.constant 1 : i32
        %add3A_121 = arith.addi %mul3A_58, %add3A_120 : i32
        %mul3A_122 = arith.constant 4 : i32
        %mul3A_123 = arith.muli %add3A_121, %mul3A_122 : i32
        %add3A_124 = arith.addi %mul3A_11, %mul3A_123 : i32
        %mul3A_125 = arith.constant 2 : i32
        %mul3A_126 = arith.muli %mul3A_125, %add3A_124 : i32
        %dma_wait3A_127 = arith.constant 0 : i32
        %dma_wait3A_128 = tpu.memref_slice %arg3[%mul3A_126, %dma_wait3A_127] : memref<25088x128xi32, #tpu.memory_space<hbm>> -> memref<8x128xi32, #tpu.memory_space<hbm>>
        %dma_wait3A_129 = arith.constant 0 : i32
        %dma_wait3A_130 = tpu.memref_slice %arg3[%mul3A_126, %dma_wait3A_129] : memref<25088x128xi32, #tpu.memory_space<hbm>> -> memref<8x128xi32, #tpu.memory_space<hbm>>
        tpu.wait_dma2 semaphore(%arg13 : memref<!tpu.dma_semaphore, #tpu.memory_space<semaphore_mem>>) src(%dma_wait3A_130 : memref<8x128xi32, #tpu.memory_space<hbm>>) dst(%arg10 : memref<8x128xi32, #tpu.memory_space<vmem>>)
        %scan3A_131 = arith.constant 0 : i32
        %scan3A_132 = arith.constant 4 : i32
        %scan3A_133 = arith.addi %scan3A_131, %scan3A_132 : i32
        %scan3A_134 = arith.constant 1 : i32
        scf.for %scan3A_136 = %scan3A_131 to %scan3A_133 step %scan3A_134  : i32 {
          %mul3A_137 = arith.constant 1 : i32
          %mul3A_138 = arith.muli %scan3A_136, %mul3A_137 : i32
          %add3A_139 = arith.constant 0 : i32
          %add3A_140 = arith.addi %add3A_139, %mul3A_138 : i32
          %mul3A_141 = arith.constant 2 : i32
          %mul3A_142 = arith.muli %mul3A_141, %add3A_140 : i32
          %mul3A_143 = arith.constant 128 : i32
          %mul3A_144 = arith.muli %add3A_140, %mul3A_143 : i32
          %dma_start3A_145 = arith.constant 0 : i32
          %dma_start3A_146 = tpu.memref_slice %arg8[%mul3A_144, %dma_start3A_145] : memref<512x16xf32, #tpu.memory_space<vmem>> -> memref<128x16xf32, #tpu.memory_space<vmem>>
          %dma_start3A_147 = arith.constant 0 : i32
          %dma_start3A_148 = tpu.memref_slice %arg10[%mul3A_142, %dma_start3A_147] : memref<8x128xi32, #tpu.memory_space<vmem>> -> memref<1x128xi32, #tpu.memory_space<vmem>>
          %dma_start3A_149 = tpu.memref_squeeze %dma_start3A_148 : memref<1x128xi32, #tpu.memory_space<vmem>> -> memref<128xi32, #tpu.memory_space<vmem>>
          %dma_start3A_150 = arith.constant 0 : i32
          %dma_start3A_151 = arith.constant 0 : i32
          %dma_start3A_152 = tpu.memref_slice %arg2[%dma_start3A_150, %dma_start3A_151] : memref<100000x16xf32, #tpu.memory_space<hbm>> -> memref<100000x16xf32, #tpu.memory_space<hbm>>
          tpu.enqueue_indirect_dma source(%dma_start3A_152 : memref<100000x16xf32, #tpu.memory_space<hbm>>) target(%dma_start3A_146 : memref<128x16xf32, #tpu.memory_space<vmem>>) offsets(%dma_start3A_149 : memref<128xi32, #tpu.memory_space<vmem>>) semaphore(%arg15 : memref<!tpu.dma_semaphore, #tpu.memory_space<semaphore_mem>>)
        }
        %scan3A_135 = arith.constant 4 : i32
      } else {
      }
      %scan3A_75 = arith.constant 0 : i32
      %scan3A_76 = arith.constant 4 : i32
      %scan3A_77 = arith.addi %scan3A_75, %scan3A_76 : i32
      %scan3A_78 = arith.constant 1 : i32
      scf.for %scan3A_120 = %scan3A_75 to %scan3A_77 step %scan3A_78  : i32 {
        %mul3A_121 = arith.constant 1 : i32
        %mul3A_122 = arith.muli %scan3A_120, %mul3A_121 : i32
        %add3A_123 = arith.constant 0 : i32
        %add3A_124 = arith.addi %add3A_123, %mul3A_122 : i32
        %mul3A_125 = arith.constant 128 : i32
        %mul3A_126 = arith.muli %add3A_124, %mul3A_125 : i32
        %mul3A_127 = arith.constant 2 : i32
        %mul3A_128 = arith.muli %mul3A_127, %add3A_124 : i32
        %add3A_129 = arith.constant 1 : i32
        %add3A_130 = arith.addi %mul3A_128, %add3A_129 : i32
        %dma_wait3A_131 = arith.constant 0 : i32
        %dma_wait3A_132 = tpu.memref_slice %arg7[%mul3A_126, %dma_wait3A_131] : memref<512x16xf32, #tpu.memory_space<vmem>> -> memref<128x16xf32, #tpu.memory_space<vmem>>
        %dma_wait3A_133 = arith.constant 0 : i32
        %dma_wait3A_134 = tpu.memref_slice %arg9[%add3A_130, %dma_wait3A_133] : memref<8x128xi32, #tpu.memory_space<vmem>> -> memref<1x128xi32, #tpu.memory_space<vmem>>
        %dma_wait3A_135 = tpu.memref_squeeze %dma_wait3A_134 : memref<1x128xi32, #tpu.memory_space<vmem>> -> memref<128xi32, #tpu.memory_space<vmem>>
        %dma_wait3A_136 = arith.constant 0 : i32
        %dma_wait3A_137 = arith.constant 0 : i32
        %dma_wait3A_138 = tpu.memref_slice %arg11[%dma_wait3A_136, %dma_wait3A_137] : memref<100256x16xf32, #tpu.memory_space<vmem_shared>> -> memref<100256x16xf32, #tpu.memory_space<vmem_shared>>
        tpu.wait_indirect_dma semaphore(%arg16 : memref<!tpu.dma_semaphore, #tpu.memory_space<semaphore_mem>>) src(%dma_wait3A_132 : memref<128x16xf32, #tpu.memory_space<vmem>>) dst(%dma_wait3A_138 : memref<100256x16xf32, #tpu.memory_space<vmem_shared>>)
      }
      %scan3A_79 = arith.constant 4 : i32
      %add3A_80 = arith.constant 2 : i32
      %add3A_81 = arith.addi %mul3A_58, %add3A_80 : i32
      %lt3A_82 = arith.constant 98 : i32
      %lt3A_83 = arith.cmpi slt, %add3A_81, %lt3A_82 : i32
      %convert_element_type3A_84 = arith.extui %lt3A_83 : i1 to i32
      %cond3A_85 = arith.constant 0 : i32
      %cond3A_86 = arith.cmpi ne, %convert_element_type3A_84, %cond3A_85 : i32
      scf.if %cond3A_86 {
        %add3A_120 = arith.constant 2 : i32
        %add3A_121 = arith.addi %mul3A_58, %add3A_120 : i32
        %mul3A_122 = arith.constant 4 : i32
        %mul3A_123 = arith.muli %add3A_121, %mul3A_122 : i32
        %add3A_124 = arith.addi %mul3A_11, %mul3A_123 : i32
        %mul3A_125 = arith.constant 2 : i32
        %mul3A_126 = arith.muli %mul3A_125, %add3A_124 : i32
        %dma_start3A_127 = arith.constant 0 : i32
        %dma_start3A_128 = tpu.memref_slice %arg3[%mul3A_126, %dma_start3A_127] : memref<25088x128xi32, #tpu.memory_space<hbm>> -> memref<8x128xi32, #tpu.memory_space<hbm>>
        %dma_start3A_129 = arith.constant 0 : i32
        %dma_start3A_130 = tpu.memref_slice %arg3[%mul3A_126, %dma_start3A_129] : memref<25088x128xi32, #tpu.memory_space<hbm>> -> memref<8x128xi32, #tpu.memory_space<hbm>>
        tpu.enqueue_dma source(%dma_start3A_130 : memref<8x128xi32, #tpu.memory_space<hbm>>) target(%arg9 : memref<8x128xi32, #tpu.memory_space<vmem>>) target_semaphore(%arg12 : memref<!tpu.dma_semaphore, #tpu.memory_space<semaphore_mem>>)
      } else {
      }
      %mul3A_87 = arith.constant 2 : i32
      %mul3A_88 = arith.muli %mul3A_87, %add3A_56 : i32
      %add3A_89 = arith.constant 1 : i32
      %add3A_90 = arith.addi %mul3A_88, %add3A_89 : i32
      %scan3A_91 = arith.constant 0 : i32
      %scan3A_92 = arith.constant 4 : i32
      %scan3A_93 = arith.addi %scan3A_91, %scan3A_92 : i32
      %scan3A_94 = arith.constant 1 : i32
      scf.for %scan3A_120 = %scan3A_91 to %scan3A_93 step %scan3A_94  : i32 {
        %mul3A_121 = arith.constant 1 : i32
        %mul3A_122 = arith.muli %scan3A_120, %mul3A_121 : i32
        %add3A_123 = arith.constant 0 : i32
        %add3A_124 = arith.addi %add3A_123, %mul3A_122 : i32
        %mul3A_125 = arith.constant 2 : i32
        %mul3A_126 = arith.muli %mul3A_125, %add3A_124 : i32
        %mul3A_127 = arith.constant 128 : i32
        %mul3A_128 = arith.muli %add3A_124, %mul3A_127 : i32
        %dma_wait3A_129 = arith.constant 0 : i32
        %dma_wait3A_130 = tpu.memref_slice %arg8[%mul3A_128, %dma_wait3A_129] : memref<512x16xf32, #tpu.memory_space<vmem>> -> memref<128x16xf32, #tpu.memory_space<vmem>>
        %dma_wait3A_131 = arith.constant 0 : i32
        %dma_wait3A_132 = tpu.memref_slice %arg10[%mul3A_126, %dma_wait3A_131] : memref<8x128xi32, #tpu.memory_space<vmem>> -> memref<1x128xi32, #tpu.memory_space<vmem>>
        %dma_wait3A_133 = tpu.memref_squeeze %dma_wait3A_132 : memref<1x128xi32, #tpu.memory_space<vmem>> -> memref<128xi32, #tpu.memory_space<vmem>>
        %dma_wait3A_134 = arith.constant 0 : i32
        %dma_wait3A_135 = arith.constant 0 : i32
        %dma_wait3A_136 = tpu.memref_slice %arg2[%dma_wait3A_134, %dma_wait3A_135] : memref<100000x16xf32, #tpu.memory_space<hbm>> -> memref<100000x16xf32, #tpu.memory_space<hbm>>
        tpu.wait_indirect_dma semaphore(%arg15 : memref<!tpu.dma_semaphore, #tpu.memory_space<semaphore_mem>>) src(%dma_wait3A_136 : memref<100000x16xf32, #tpu.memory_space<hbm>>) dst(%dma_wait3A_130 : memref<128x16xf32, #tpu.memory_space<vmem>>)
      }
      %scan3A_95 = arith.constant 4 : i32
      %scan3A_96 = arith.constant 0 : i32
      %scan3A_97 = arith.constant 4 : i32
      %scan3A_98 = arith.addi %scan3A_96, %scan3A_97 : i32
      %scan3A_99 = arith.constant 1 : i32
      scf.for %scan3A_120 = %scan3A_96 to %scan3A_98 step %scan3A_99  : i32 {
        %mul3A_121 = arith.constant 1 : i32
        %mul3A_122 = arith.muli %scan3A_120, %mul3A_121 : i32
        %add3A_123 = arith.constant 0 : i32
        %add3A_124 = arith.addi %add3A_123, %mul3A_122 : i32
        %mul3A_125 = arith.constant 128 : i32
        %mul3A_126 = arith.muli %add3A_124, %mul3A_125 : i32
        %mul3A_127 = arith.constant 2 : i32
        %mul3A_128 = arith.muli %mul3A_127, %add3A_124 : i32
        %add3A_129 = arith.constant 1 : i32
        %add3A_130 = arith.addi %mul3A_128, %add3A_129 : i32
        %dma_start3A_131 = arith.constant 0 : i32
        %dma_start3A_132 = tpu.memref_slice %arg8[%mul3A_126, %dma_start3A_131] : memref<512x16xf32, #tpu.memory_space<vmem>> -> memref<128x16xf32, #tpu.memory_space<vmem>>
        %dma_start3A_133 = arith.constant 0 : i32
        %dma_start3A_134 = tpu.memref_slice %arg10[%add3A_130, %dma_start3A_133] : memref<8x128xi32, #tpu.memory_space<vmem>> -> memref<1x128xi32, #tpu.memory_space<vmem>>
        %dma_start3A_135 = tpu.memref_squeeze %dma_start3A_134 : memref<1x128xi32, #tpu.memory_space<vmem>> -> memref<128xi32, #tpu.memory_space<vmem>>
        %dma_start3A_136 = arith.constant 0 : i32
        %dma_start3A_137 = arith.constant 0 : i32
        %dma_start3A_138 = tpu.memref_slice %arg11[%dma_start3A_136, %dma_start3A_137] : memref<100256x16xf32, #tpu.memory_space<vmem_shared>> -> memref<100256x16xf32, #tpu.memory_space<vmem_shared>>
        tpu.enqueue_indirect_dma source(%dma_start3A_132 : memref<128x16xf32, #tpu.memory_space<vmem>>) target(%dma_start3A_138 : memref<100256x16xf32, #tpu.memory_space<vmem_shared>>) offsets(%dma_start3A_135 : memref<128xi32, #tpu.memory_space<vmem>>) semaphore(%arg17 : memref<!tpu.dma_semaphore, #tpu.memory_space<semaphore_mem>>) {add = true}
      }
      %scan3A_100 = arith.constant 4 : i32
      %add3A_101 = arith.constant 1 : i32
      %add3A_102 = arith.addi %add3A_90, %add3A_101 : i32
      %lt3A_103 = arith.constant 98 : i32
      %lt3A_104 = arith.cmpi slt, %add3A_102, %lt3A_103 : i32
      %convert_element_type3A_105 = arith.extui %lt3A_104 : i1 to i32
      %cond3A_106 = arith.constant 0 : i32
      %cond3A_107 = arith.cmpi ne, %convert_element_type3A_105, %cond3A_106 : i32
      scf.if %cond3A_107 {
        %add3A_120 = arith.constant 1 : i32
        %add3A_121 = arith.addi %add3A_90, %add3A_120 : i32
        %mul3A_122 = arith.constant 4 : i32
        %mul3A_123 = arith.muli %add3A_121, %mul3A_122 : i32
        %add3A_124 = arith.addi %mul3A_11, %mul3A_123 : i32
        %mul3A_125 = arith.constant 2 : i32
        %mul3A_126 = arith.muli %mul3A_125, %add3A_124 : i32
        %dma_wait3A_127 = arith.constant 0 : i32
        %dma_wait3A_128 = tpu.memref_slice %arg3[%mul3A_126, %dma_wait3A_127] : memref<25088x128xi32, #tpu.memory_space<hbm>> -> memref<8x128xi32, #tpu.memory_space<hbm>>
        %dma_wait3A_129 = arith.constant 0 : i32
        %dma_wait3A_130 = tpu.memref_slice %arg3[%mul3A_126, %dma_wait3A_129] : memref<25088x128xi32, #tpu.memory_space<hbm>> -> memref<8x128xi32, #tpu.memory_space<hbm>>
        tpu.wait_dma2 semaphore(%arg12 : memref<!tpu.dma_semaphore, #tpu.memory_space<semaphore_mem>>) src(%dma_wait3A_130 : memref<8x128xi32, #tpu.memory_space<hbm>>) dst(%arg9 : memref<8x128xi32, #tpu.memory_space<vmem>>)
        %scan3A_131 = arith.constant 0 : i32
        %scan3A_132 = arith.constant 4 : i32
        %scan3A_133 = arith.addi %scan3A_131, %scan3A_132 : i32
        %scan3A_134 = arith.constant 1 : i32
        scf.for %scan3A_136 = %scan3A_131 to %scan3A_133 step %scan3A_134  : i32 {
          %mul3A_137 = arith.constant 1 : i32
          %mul3A_138 = arith.muli %scan3A_136, %mul3A_137 : i32
          %add3A_139 = arith.constant 0 : i32
          %add3A_140 = arith.addi %add3A_139, %mul3A_138 : i32
          %mul3A_141 = arith.constant 2 : i32
          %mul3A_142 = arith.muli %mul3A_141, %add3A_140 : i32
          %mul3A_143 = arith.constant 128 : i32
          %mul3A_144 = arith.muli %add3A_140, %mul3A_143 : i32
          %dma_start3A_145 = arith.constant 0 : i32
          %dma_start3A_146 = tpu.memref_slice %arg7[%mul3A_144, %dma_start3A_145] : memref<512x16xf32, #tpu.memory_space<vmem>> -> memref<128x16xf32, #tpu.memory_space<vmem>>
          %dma_start3A_147 = arith.constant 0 : i32
          %dma_start3A_148 = tpu.memref_slice %arg9[%mul3A_142, %dma_start3A_147] : memref<8x128xi32, #tpu.memory_space<vmem>> -> memref<1x128xi32, #tpu.memory_space<vmem>>
          %dma_start3A_149 = tpu.memref_squeeze %dma_start3A_148 : memref<1x128xi32, #tpu.memory_space<vmem>> -> memref<128xi32, #tpu.memory_space<vmem>>
          %dma_start3A_150 = arith.constant 0 : i32
          %dma_start3A_151 = arith.constant 0 : i32
          %dma_start3A_152 = tpu.memref_slice %arg2[%dma_start3A_150, %dma_start3A_151] : memref<100000x16xf32, #tpu.memory_space<hbm>> -> memref<100000x16xf32, #tpu.memory_space<hbm>>
          tpu.enqueue_indirect_dma source(%dma_start3A_152 : memref<100000x16xf32, #tpu.memory_space<hbm>>) target(%dma_start3A_146 : memref<128x16xf32, #tpu.memory_space<vmem>>) offsets(%dma_start3A_149 : memref<128xi32, #tpu.memory_space<vmem>>) semaphore(%arg14 : memref<!tpu.dma_semaphore, #tpu.memory_space<semaphore_mem>>)
        }
        %scan3A_135 = arith.constant 4 : i32
      } else {
      }
      %scan3A_108 = arith.constant 0 : i32
      %scan3A_109 = arith.constant 4 : i32
      %scan3A_110 = arith.addi %scan3A_108, %scan3A_109 : i32
      %scan3A_111 = arith.constant 1 : i32
      scf.for %scan3A_120 = %scan3A_108 to %scan3A_110 step %scan3A_111  : i32 {
        %mul3A_121 = arith.constant 1 : i32
        %mul3A_122 = arith.muli %scan3A_120, %mul3A_121 : i32
        %add3A_123 = arith.constant 0 : i32
        %add3A_124 = arith.addi %add3A_123, %mul3A_122 : i32
        %mul3A_125 = arith.constant 128 : i32
        %mul3A_126 = arith.muli %add3A_124, %mul3A_125 : i32
        %mul3A_127 = arith.constant 2 : i32
        %mul3A_128 = arith.muli %mul3A_127, %add3A_124 : i32
        %add3A_129 = arith.constant 1 : i32
        %add3A_130 = arith.addi %mul3A_128, %add3A_129 : i32
        %dma_wait3A_131 = arith.constant 0 : i32
        %dma_wait3A_132 = tpu.memref_slice %arg8[%mul3A_126, %dma_wait3A_131] : memref<512x16xf32, #tpu.memory_space<vmem>> -> memref<128x16xf32, #tpu.memory_space<vmem>>
        %dma_wait3A_133 = arith.constant 0 : i32
        %dma_wait3A_134 = tpu.memref_slice %arg10[%add3A_130, %dma_wait3A_133] : memref<8x128xi32, #tpu.memory_space<vmem>> -> memref<1x128xi32, #tpu.memory_space<vmem>>
        %dma_wait3A_135 = tpu.memref_squeeze %dma_wait3A_134 : memref<1x128xi32, #tpu.memory_space<vmem>> -> memref<128xi32, #tpu.memory_space<vmem>>
        %dma_wait3A_136 = arith.constant 0 : i32
        %dma_wait3A_137 = arith.constant 0 : i32
        %dma_wait3A_138 = tpu.memref_slice %arg11[%dma_wait3A_136, %dma_wait3A_137] : memref<100256x16xf32, #tpu.memory_space<vmem_shared>> -> memref<100256x16xf32, #tpu.memory_space<vmem_shared>>
        tpu.wait_indirect_dma semaphore(%arg17 : memref<!tpu.dma_semaphore, #tpu.memory_space<semaphore_mem>>) src(%dma_wait3A_132 : memref<128x16xf32, #tpu.memory_space<vmem>>) dst(%dma_wait3A_138 : memref<100256x16xf32, #tpu.memory_space<vmem_shared>>)
      }
      %scan3A_112 = arith.constant 4 : i32
      %add3A_113 = arith.constant 2 : i32
      %add3A_114 = arith.addi %add3A_90, %add3A_113 : i32
      %lt3A_115 = arith.constant 98 : i32
      %lt3A_116 = arith.cmpi slt, %add3A_114, %lt3A_115 : i32
      %convert_element_type3A_117 = arith.extui %lt3A_116 : i1 to i32
      %cond3A_118 = arith.constant 0 : i32
      %cond3A_119 = arith.cmpi ne, %convert_element_type3A_117, %cond3A_118 : i32
      scf.if %cond3A_119 {
        %add3A_120 = arith.constant 2 : i32
        %add3A_121 = arith.addi %add3A_90, %add3A_120 : i32
        %mul3A_122 = arith.constant 4 : i32
        %mul3A_123 = arith.muli %add3A_121, %mul3A_122 : i32
        %add3A_124 = arith.addi %mul3A_11, %mul3A_123 : i32
        %mul3A_125 = arith.constant 2 : i32
        %mul3A_126 = arith.muli %mul3A_125, %add3A_124 : i32
        %dma_start3A_127 = arith.constant 0 : i32
        %dma_start3A_128 = tpu.memref_slice %arg3[%mul3A_126, %dma_start3A_127] : memref<25088x128xi32, #tpu.memory_space<hbm>> -> memref<8x128xi32, #tpu.memory_space<hbm>>
        %dma_start3A_129 = arith.constant 0 : i32
        %dma_start3A_130 = tpu.memref_slice %arg3[%mul3A_126, %dma_start3A_129] : memref<25088x128xi32, #tpu.memory_space<hbm>> -> memref<8x128xi32, #tpu.memory_space<hbm>>
        tpu.enqueue_dma source(%dma_start3A_130 : memref<8x128xi32, #tpu.memory_space<hbm>>) target(%arg10 : memref<8x128xi32, #tpu.memory_space<vmem>>) target_semaphore(%arg13 : memref<!tpu.dma_semaphore, #tpu.memory_space<semaphore_mem>>)
      } else {
      }
    }
    %scan3A_43 = arith.constant 49 : i32
    %barrier3A_44 = arith.constant 0 : index
    tpu.barrier barrier_id(%barrier3A_44)
    %eq3A = arith.constant 0 : i32
    %eq3A_45 = arith.cmpi eq, %arg0, %eq3A : i32
    %convert_element_type3A = arith.extui %eq3A_45 : i1 to i32
    %cond3A = arith.constant 0 : i32
    %cond3A_46 = arith.cmpi ne, %convert_element_type3A, %cond3A : i32
    scf.if %cond3A_46 {
      %mul3A_52 = arith.constant 6256 : i32
      %mul3A_53 = arith.muli %arg1, %mul3A_52 : i32
      %multiple_of3A = tpu.assume_multiple %mul3A_53, 8 : i32
      %lt3A = arith.constant 15 : i32
      %lt3A_54 = arith.cmpi slt, %arg1, %lt3A : i32
      %convert_element_type3A_55 = arith.extui %lt3A_54 : i1 to i32
      %cond3A_56 = arith.constant 0 : i32
      %cond3A_57 = arith.cmpi ne, %convert_element_type3A_55, %cond3A_56 : i32
      scf.if %cond3A_57 {
        "tpu.region"() ({
          %run_scoped3A = tpu.sem_alloc : memref<!tpu.dma_semaphore, #tpu.memory_space<semaphore_mem>>
          %dma_start3A_63 = arith.constant 0 : i32
          %dma_start3A_64 = tpu.memref_slice %arg5[%multiple_of3A, %dma_start3A_63] : memref<100000x16xf32, #tpu.memory_space<hbm>> -> memref<6256x16xf32, #tpu.memory_space<hbm>>
          %dma_start3A_65 = arith.constant 0 : i32
          %dma_start3A_66 = tpu.memref_slice %arg11[%multiple_of3A, %dma_start3A_65] : memref<100256x16xf32, #tpu.memory_space<vmem_shared>> -> memref<6256x16xf32, #tpu.memory_space<vmem_shared>>
          tpu.enqueue_dma source(%dma_start3A_66 : memref<6256x16xf32, #tpu.memory_space<vmem_shared>>) target(%dma_start3A_64 : memref<6256x16xf32, #tpu.memory_space<hbm>>) target_semaphore(%run_scoped3A : memref<!tpu.dma_semaphore, #tpu.memory_space<semaphore_mem>>)
          %dma_wait3A_67 = arith.constant 0 : i32
          %dma_wait3A_68 = tpu.memref_slice %arg5[%multiple_of3A, %dma_wait3A_67] : memref<100000x16xf32, #tpu.memory_space<hbm>> -> memref<6256x16xf32, #tpu.memory_space<hbm>>
          %dma_wait3A_69 = arith.constant 0 : i32
          %dma_wait3A_70 = tpu.memref_slice %arg11[%multiple_of3A, %dma_wait3A_69] : memref<100256x16xf32, #tpu.memory_space<vmem_shared>> -> memref<6256x16xf32, #tpu.memory_space<vmem_shared>>
          tpu.wait_dma2 semaphore(%run_scoped3A : memref<!tpu.dma_semaphore, #tpu.memory_space<semaphore_mem>>) src(%dma_wait3A_70 : memref<6256x16xf32, #tpu.memory_space<vmem_shared>>) dst(%dma_wait3A_68 : memref<6256x16xf32, #tpu.memory_space<hbm>>)
          tpu.yield
        }) : () -> ()
      } else {
      }
      %eq3A_58 = arith.constant 15 : i32
      %eq3A_59 = arith.cmpi eq, %arg1, %eq3A_58 : i32
      %convert_element_type3A_60 = arith.extui %eq3A_59 : i1 to i32
      %cond3A_61 = arith.constant 0 : i32
      %cond3A_62 = arith.cmpi ne, %convert_element_type3A_60, %cond3A_61 : i32
      scf.if %cond3A_62 {
        "tpu.region"() ({
          %run_scoped3A = tpu.sem_alloc : memref<!tpu.dma_semaphore, #tpu.memory_space<semaphore_mem>>
          %dma_start3A_63 = arith.constant 0 : i32
          %dma_start3A_64 = tpu.memref_slice %arg5[%multiple_of3A, %dma_start3A_63] : memref<100000x16xf32, #tpu.memory_space<hbm>> -> memref<6160x16xf32, #tpu.memory_space<hbm>>
          %dma_start3A_65 = arith.constant 0 : i32
          %dma_start3A_66 = tpu.memref_slice %arg11[%multiple_of3A, %dma_start3A_65] : memref<100256x16xf32, #tpu.memory_space<vmem_shared>> -> memref<6160x16xf32, #tpu.memory_space<vmem_shared>>
          tpu.enqueue_dma source(%dma_start3A_66 : memref<6160x16xf32, #tpu.memory_space<vmem_shared>>) target(%dma_start3A_64 : memref<6160x16xf32, #tpu.memory_space<hbm>>) target_semaphore(%run_scoped3A : memref<!tpu.dma_semaphore, #tpu.memory_space<semaphore_mem>>)
          %dma_wait3A_67 = arith.constant 0 : i32
          %dma_wait3A_68 = tpu.memref_slice %arg5[%multiple_of3A, %dma_wait3A_67] : memref<100000x16xf32, #tpu.memory_space<hbm>> -> memref<6160x16xf32, #tpu.memory_space<hbm>>
          %dma_wait3A_69 = arith.constant 0 : i32
          %dma_wait3A_70 = tpu.memref_slice %arg11[%multiple_of3A, %dma_wait3A_69] : memref<100256x16xf32, #tpu.memory_space<vmem_shared>> -> memref<6160x16xf32, #tpu.memory_space<vmem_shared>>
          tpu.wait_dma2 semaphore(%run_scoped3A : memref<!tpu.dma_semaphore, #tpu.memory_space<semaphore_mem>>) src(%dma_wait3A_70 : memref<6160x16xf32, #tpu.memory_space<vmem_shared>>) dst(%dma_wait3A_68 : memref<6160x16xf32, #tpu.memory_space<hbm>>)
          tpu.yield
        }) : () -> ()
      } else {
      }
    } else {
    }
    %eq3A_47 = arith.constant 1 : i32
    %eq3A_48 = arith.cmpi eq, %arg0, %eq3A_47 : i32
    %convert_element_type3A_49 = arith.extui %eq3A_48 : i1 to i32
    %cond3A_50 = arith.constant 0 : i32
    %cond3A_51 = arith.cmpi ne, %convert_element_type3A_49, %cond3A_50 : i32
    scf.if %cond3A_51 {
      %mul3A_52 = arith.constant 6256 : i32
      %mul3A_53 = arith.muli %arg1, %mul3A_52 : i32
      %multiple_of3A = tpu.assume_multiple %mul3A_53, 8 : i32
      %lt3A = arith.constant 15 : i32
      %lt3A_54 = arith.cmpi slt, %arg1, %lt3A : i32
      %convert_element_type3A_55 = arith.extui %lt3A_54 : i1 to i32
      %cond3A_56 = arith.constant 0 : i32
      %cond3A_57 = arith.cmpi ne, %convert_element_type3A_55, %cond3A_56 : i32
      scf.if %cond3A_57 {
        "tpu.region"() ({
          %run_scoped3A = tpu.sem_alloc : memref<!tpu.dma_semaphore, #tpu.memory_space<semaphore_mem>>
          %dma_start3A_63 = arith.constant 0 : i32
          %dma_start3A_64 = tpu.memref_slice %arg6[%multiple_of3A, %dma_start3A_63] : memref<100000x16xf32, #tpu.memory_space<hbm>> -> memref<6256x16xf32, #tpu.memory_space<hbm>>
          %dma_start3A_65 = arith.constant 0 : i32
          %dma_start3A_66 = tpu.memref_slice %arg11[%multiple_of3A, %dma_start3A_65] : memref<100256x16xf32, #tpu.memory_space<vmem_shared>> -> memref<6256x16xf32, #tpu.memory_space<vmem_shared>>
          tpu.enqueue_dma source(%dma_start3A_66 : memref<6256x16xf32, #tpu.memory_space<vmem_shared>>) target(%dma_start3A_64 : memref<6256x16xf32, #tpu.memory_space<hbm>>) target_semaphore(%run_scoped3A : memref<!tpu.dma_semaphore, #tpu.memory_space<semaphore_mem>>)
          %dma_wait3A_67 = arith.constant 0 : i32
          %dma_wait3A_68 = tpu.memref_slice %arg6[%multiple_of3A, %dma_wait3A_67] : memref<100000x16xf32, #tpu.memory_space<hbm>> -> memref<6256x16xf32, #tpu.memory_space<hbm>>
          %dma_wait3A_69 = arith.constant 0 : i32
          %dma_wait3A_70 = tpu.memref_slice %arg11[%multiple_of3A, %dma_wait3A_69] : memref<100256x16xf32, #tpu.memory_space<vmem_shared>> -> memref<6256x16xf32, #tpu.memory_space<vmem_shared>>
          tpu.wait_dma2 semaphore(%run_scoped3A : memref<!tpu.dma_semaphore, #tpu.memory_space<semaphore_mem>>) src(%dma_wait3A_70 : memref<6256x16xf32, #tpu.memory_space<vmem_shared>>) dst(%dma_wait3A_68 : memref<6256x16xf32, #tpu.memory_space<hbm>>)
          tpu.yield
        }) : () -> ()
      } else {
      }
      %eq3A_58 = arith.constant 15 : i32
      %eq3A_59 = arith.cmpi eq, %arg1, %eq3A_58 : i32
      %convert_element_type3A_60 = arith.extui %eq3A_59 : i1 to i32
      %cond3A_61 = arith.constant 0 : i32
      %cond3A_62 = arith.cmpi ne, %convert_element_type3A_60, %cond3A_61 : i32
      scf.if %cond3A_62 {
        "tpu.region"() ({
          %run_scoped3A = tpu.sem_alloc : memref<!tpu.dma_semaphore, #tpu.memory_space<semaphore_mem>>
          %dma_start3A_63 = arith.constant 0 : i32
          %dma_start3A_64 = tpu.memref_slice %arg6[%multiple_of3A, %dma_start3A_63] : memref<100000x16xf32, #tpu.memory_space<hbm>> -> memref<6160x16xf32, #tpu.memory_space<hbm>>
          %dma_start3A_65 = arith.constant 0 : i32
          %dma_start3A_66 = tpu.memref_slice %arg11[%multiple_of3A, %dma_start3A_65] : memref<100256x16xf32, #tpu.memory_space<vmem_shared>> -> memref<6160x16xf32, #tpu.memory_space<vmem_shared>>
          tpu.enqueue_dma source(%dma_start3A_66 : memref<6160x16xf32, #tpu.memory_space<vmem_shared>>) target(%dma_start3A_64 : memref<6160x16xf32, #tpu.memory_space<hbm>>) target_semaphore(%run_scoped3A : memref<!tpu.dma_semaphore, #tpu.memory_space<semaphore_mem>>)
          %dma_wait3A_67 = arith.constant 0 : i32
          %dma_wait3A_68 = tpu.memref_slice %arg6[%multiple_of3A, %dma_wait3A_67] : memref<100000x16xf32, #tpu.memory_space<hbm>> -> memref<6160x16xf32, #tpu.memory_space<hbm>>
          %dma_wait3A_69 = arith.constant 0 : i32
          %dma_wait3A_70 = tpu.memref_slice %arg11[%multiple_of3A, %dma_wait3A_69] : memref<100256x16xf32, #tpu.memory_space<vmem_shared>> -> memref<6160x16xf32, #tpu.memory_space<vmem_shared>>
          tpu.wait_dma2 semaphore(%run_scoped3A : memref<!tpu.dma_semaphore, #tpu.memory_space<semaphore_mem>>) src(%dma_wait3A_70 : memref<6160x16xf32, #tpu.memory_space<vmem_shared>>) dst(%dma_wait3A_68 : memref<6160x16xf32, #tpu.memory_space<hbm>>)
          tpu.yield
        }) : () -> ()
      } else {
      }
    } else {
    }
    return
  }
}

#map = affine_map<(d0, d1) -> (0, 0)>
module attributes {stable_mosaic.version = 14 : i64} {
  func.func @seg_kernel(%arg0: i32, %arg1: i32, %arg2: memref<100000x16xf32, #tpu.memory_space<hbm>>, %arg3: memref<25088x128xi32, #tpu.memory_space<hbm>>, %arg4: memref<512x16xf32, #tpu.memory_space<hbm>>, %arg5: memref<100000x16xf32, #tpu.memory_space<hbm>>, %arg6: memref<100000x16xf32, #tpu.memory_space<hbm>>, %arg7: memref<512x16xf32, #tpu.memory_space<vmem>>, %arg8: memref<512x16xf32, #tpu.memory_space<vmem>>, %arg9: memref<8x128xi32, #tpu.memory_space<vmem>>, %arg10: memref<8x128xi32, #tpu.memory_space<vmem>>, %arg11: memref<100256x16xf32, #tpu.memory_space<vmem_shared>>, %arg12: memref<!tpu.dma_semaphore, #tpu.memory_space<semaphore_mem>>, %arg13: memref<!tpu.dma_semaphore, #tpu.memory_space<semaphore_mem>>, %arg14: memref<!tpu.dma_semaphore, #tpu.memory_space<semaphore_mem>>, %arg15: memref<!tpu.dma_semaphore, #tpu.memory_space<semaphore_mem>>, %arg16: memref<!tpu.dma_semaphore, #tpu.memory_space<semaphore_mem>>, %arg17: memref<!tpu.dma_semaphore, #tpu.memory_space<semaphore_mem>>) attributes {dimension_semantics = [#tpu.dimension_semantics<core_parallel>, #tpu.dimension_semantics<subcore_parallel>], iteration_bounds = array<i64: 2, 16>, scalar_prefetch = 0 : i64, scratch_operands = 11 : i64, tpu.core_type = #tpu.core_type<sc_vector_subcore>, window_params = [{transform_indices = #map}, {transform_indices = #map}, {transform_indices = #map}, {transform_indices = #map}, {transform_indices = #map}]} {
    "tpu.region"() ({
      %run_scoped3A = tpu.sem_alloc : memref<!tpu.dma_semaphore, #tpu.memory_space<semaphore_mem>>
      %dma_start3A_52 = arith.constant 0 : i32
      %dma_start3A_53 = arith.constant 0 : i32
      %dma_start3A_54 = tpu.memref_slice %arg7[%dma_start3A_52, %dma_start3A_53] : memref<512x16xf32, #tpu.memory_space<vmem>> -> memref<512x16xf32, #tpu.memory_space<vmem>>
      %dma_start3A_55 = arith.constant 0 : i32
      %dma_start3A_56 = arith.constant 0 : i32
      %dma_start3A_57 = tpu.memref_slice %arg7[%dma_start3A_55, %dma_start3A_56] : memref<512x16xf32, #tpu.memory_space<vmem>> -> memref<512x16xf32, #tpu.memory_space<vmem>>
      tpu.enqueue_dma source(%arg4 : memref<512x16xf32, #tpu.memory_space<hbm>>) target(%dma_start3A_57 : memref<512x16xf32, #tpu.memory_space<vmem>>) target_semaphore(%run_scoped3A : memref<!tpu.dma_semaphore, #tpu.memory_space<semaphore_mem>>)
      %dma_wait3A_58 = arith.constant 0 : i32
      %dma_wait3A_59 = arith.constant 0 : i32
      %dma_wait3A_60 = tpu.memref_slice %arg7[%dma_wait3A_58, %dma_wait3A_59] : memref<512x16xf32, #tpu.memory_space<vmem>> -> memref<512x16xf32, #tpu.memory_space<vmem>>
      %dma_wait3A_61 = arith.constant 0 : i32
      %dma_wait3A_62 = arith.constant 0 : i32
      %dma_wait3A_63 = tpu.memref_slice %arg7[%dma_wait3A_61, %dma_wait3A_62] : memref<512x16xf32, #tpu.memory_space<vmem>> -> memref<512x16xf32, #tpu.memory_space<vmem>>
      tpu.wait_dma2 semaphore(%run_scoped3A : memref<!tpu.dma_semaphore, #tpu.memory_space<semaphore_mem>>) src(%arg4 : memref<512x16xf32, #tpu.memory_space<hbm>>) dst(%dma_wait3A_63 : memref<512x16xf32, #tpu.memory_space<vmem>>)
      tpu.yield
    }) : () -> ()
    %mul3A = arith.constant 6266 : i32
    %mul3A_0 = arith.muli %arg1, %mul3A : i32
    %scan3A = arith.constant 0 : i32
    %scan3A_1 = arith.constant 12 : i32
    %scan3A_2 = arith.addi %scan3A, %scan3A_1 : i32
    %scan3A_3 = arith.constant 1 : i32
    scf.for %scan3A_52 = %scan3A to %scan3A_2 step %scan3A_3  : i32 {
      %mul3A_53 = arith.constant 1 : i32
      %mul3A_54 = arith.muli %scan3A_52, %mul3A_53 : i32
      %add3A_55 = arith.constant 0 : i32
      %add3A_56 = arith.addi %add3A_55, %mul3A_54 : i32
      %mul3A_57 = arith.constant 512 : i32
      %mul3A_58 = arith.muli %add3A_56, %mul3A_57 : i32
      %add3A_59 = arith.addi %mul3A_0, %mul3A_58 : i32
      "tpu.region"() ({
        %run_scoped3A = tpu.sem_alloc : memref<!tpu.dma_semaphore, #tpu.memory_space<semaphore_mem>>
        %dma_start3A_60 = arith.constant 0 : i32
        %dma_start3A_61 = arith.constant 0 : i32
        %dma_start3A_62 = tpu.memref_slice %arg7[%dma_start3A_60, %dma_start3A_61] : memref<512x16xf32, #tpu.memory_space<vmem>> -> memref<512x16xf32, #tpu.memory_space<vmem>>
        %dma_start3A_63 = arith.constant 0 : i32
        %dma_start3A_64 = tpu.memref_slice %arg11[%add3A_59, %dma_start3A_63] : memref<100256x16xf32, #tpu.memory_space<vmem_shared>> -> memref<512x16xf32, #tpu.memory_space<vmem_shared>>
        %dma_start3A_65 = arith.constant 0 : i32
        %dma_start3A_66 = tpu.memref_slice %arg11[%add3A_59, %dma_start3A_65] : memref<100256x16xf32, #tpu.memory_space<vmem_shared>> -> memref<512x16xf32, #tpu.memory_space<vmem_shared>>
        %dma_start3A_67 = arith.constant 0 : i32
        %dma_start3A_68 = arith.constant 0 : i32
        %dma_start3A_69 = tpu.memref_slice %arg7[%dma_start3A_67, %dma_start3A_68] : memref<512x16xf32, #tpu.memory_space<vmem>> -> memref<512x16xf32, #tpu.memory_space<vmem>>
        tpu.enqueue_dma source(%dma_start3A_69 : memref<512x16xf32, #tpu.memory_space<vmem>>) target(%dma_start3A_66 : memref<512x16xf32, #tpu.memory_space<vmem_shared>>) target_semaphore(%run_scoped3A : memref<!tpu.dma_semaphore, #tpu.memory_space<semaphore_mem>>)
        %dma_wait3A_70 = arith.constant 0 : i32
        %dma_wait3A_71 = arith.constant 0 : i32
        %dma_wait3A_72 = tpu.memref_slice %arg7[%dma_wait3A_70, %dma_wait3A_71] : memref<512x16xf32, #tpu.memory_space<vmem>> -> memref<512x16xf32, #tpu.memory_space<vmem>>
        %dma_wait3A_73 = arith.constant 0 : i32
        %dma_wait3A_74 = tpu.memref_slice %arg11[%add3A_59, %dma_wait3A_73] : memref<100256x16xf32, #tpu.memory_space<vmem_shared>> -> memref<512x16xf32, #tpu.memory_space<vmem_shared>>
        %dma_wait3A_75 = arith.constant 0 : i32
        %dma_wait3A_76 = tpu.memref_slice %arg11[%add3A_59, %dma_wait3A_75] : memref<100256x16xf32, #tpu.memory_space<vmem_shared>> -> memref<512x16xf32, #tpu.memory_space<vmem_shared>>
        %dma_wait3A_77 = arith.constant 0 : i32
        %dma_wait3A_78 = arith.constant 0 : i32
        %dma_wait3A_79 = tpu.memref_slice %arg7[%dma_wait3A_77, %dma_wait3A_78] : memref<512x16xf32, #tpu.memory_space<vmem>> -> memref<512x16xf32, #tpu.memory_space<vmem>>
        tpu.wait_dma2 semaphore(%run_scoped3A : memref<!tpu.dma_semaphore, #tpu.memory_space<semaphore_mem>>) src(%dma_wait3A_79 : memref<512x16xf32, #tpu.memory_space<vmem>>) dst(%dma_wait3A_76 : memref<512x16xf32, #tpu.memory_space<vmem_shared>>)
        tpu.yield
      }) : () -> ()
    }
    %scan3A_4 = arith.constant 12 : i32
    %add3A = arith.constant 6266 : i32
    %add3A_5 = arith.addi %mul3A_0, %add3A : i32
    %sub3A = arith.constant 512 : i32
    %sub3A_6 = arith.subi %add3A_5, %sub3A : i32
    "tpu.region"() ({
      %run_scoped3A = tpu.sem_alloc : memref<!tpu.dma_semaphore, #tpu.memory_space<semaphore_mem>>
      %dma_start3A_52 = arith.constant 0 : i32
      %dma_start3A_53 = arith.constant 0 : i32
      %dma_start3A_54 = tpu.memref_slice %arg7[%dma_start3A_52, %dma_start3A_53] : memref<512x16xf32, #tpu.memory_space<vmem>> -> memref<512x16xf32, #tpu.memory_space<vmem>>
      %dma_start3A_55 = arith.constant 0 : i32
      %dma_start3A_56 = tpu.memref_slice %arg11[%sub3A_6, %dma_start3A_55] : memref<100256x16xf32, #tpu.memory_space<vmem_shared>> -> memref<512x16xf32, #tpu.memory_space<vmem_shared>>
      %dma_start3A_57 = arith.constant 0 : i32
      %dma_start3A_58 = tpu.memref_slice %arg11[%sub3A_6, %dma_start3A_57] : memref<100256x16xf32, #tpu.memory_space<vmem_shared>> -> memref<512x16xf32, #tpu.memory_space<vmem_shared>>
      %dma_start3A_59 = arith.constant 0 : i32
      %dma_start3A_60 = arith.constant 0 : i32
      %dma_start3A_61 = tpu.memref_slice %arg7[%dma_start3A_59, %dma_start3A_60] : memref<512x16xf32, #tpu.memory_space<vmem>> -> memref<512x16xf32, #tpu.memory_space<vmem>>
      tpu.enqueue_dma source(%dma_start3A_61 : memref<512x16xf32, #tpu.memory_space<vmem>>) target(%dma_start3A_58 : memref<512x16xf32, #tpu.memory_space<vmem_shared>>) target_semaphore(%run_scoped3A : memref<!tpu.dma_semaphore, #tpu.memory_space<semaphore_mem>>)
      %dma_wait3A_62 = arith.constant 0 : i32
      %dma_wait3A_63 = arith.constant 0 : i32
      %dma_wait3A_64 = tpu.memref_slice %arg7[%dma_wait3A_62, %dma_wait3A_63] : memref<512x16xf32, #tpu.memory_space<vmem>> -> memref<512x16xf32, #tpu.memory_space<vmem>>
      %dma_wait3A_65 = arith.constant 0 : i32
      %dma_wait3A_66 = tpu.memref_slice %arg11[%sub3A_6, %dma_wait3A_65] : memref<100256x16xf32, #tpu.memory_space<vmem_shared>> -> memref<512x16xf32, #tpu.memory_space<vmem_shared>>
      %dma_wait3A_67 = arith.constant 0 : i32
      %dma_wait3A_68 = tpu.memref_slice %arg11[%sub3A_6, %dma_wait3A_67] : memref<100256x16xf32, #tpu.memory_space<vmem_shared>> -> memref<512x16xf32, #tpu.memory_space<vmem_shared>>
      %dma_wait3A_69 = arith.constant 0 : i32
      %dma_wait3A_70 = arith.constant 0 : i32
      %dma_wait3A_71 = tpu.memref_slice %arg7[%dma_wait3A_69, %dma_wait3A_70] : memref<512x16xf32, #tpu.memory_space<vmem>> -> memref<512x16xf32, #tpu.memory_space<vmem>>
      tpu.wait_dma2 semaphore(%run_scoped3A : memref<!tpu.dma_semaphore, #tpu.memory_space<semaphore_mem>>) src(%dma_wait3A_71 : memref<512x16xf32, #tpu.memory_space<vmem>>) dst(%dma_wait3A_68 : memref<512x16xf32, #tpu.memory_space<vmem_shared>>)
      tpu.yield
    }) : () -> ()
    %barrier3A = arith.constant 0 : index
    tpu.barrier barrier_id(%barrier3A)
    %mul3A_7 = arith.constant 16 : i32
    %mul3A_8 = arith.muli %arg0, %mul3A_7 : i32
    %add3A_9 = arith.addi %mul3A_8, %arg1 : i32
    %mul3A_10 = arith.constant 392 : i32
    %mul3A_11 = arith.muli %add3A_9, %mul3A_10 : i32
    %add3A_12 = arith.constant 0 : i32
    %add3A_13 = arith.addi %mul3A_11, %add3A_12 : i32
    %mul3A_14 = arith.constant 2 : i32
    %mul3A_15 = arith.muli %mul3A_14, %add3A_13 : i32
    %dma_start3A = arith.constant 0 : i32
    %dma_start3A_16 = tpu.memref_slice %arg3[%mul3A_15, %dma_start3A] : memref<25088x128xi32, #tpu.memory_space<hbm>> -> memref<8x128xi32, #tpu.memory_space<hbm>>
    %dma_start3A_17 = arith.constant 0 : i32
    %dma_start3A_18 = tpu.memref_slice %arg3[%mul3A_15, %dma_start3A_17] : memref<25088x128xi32, #tpu.memory_space<hbm>> -> memref<8x128xi32, #tpu.memory_space<hbm>>
    tpu.enqueue_dma source(%dma_start3A_18 : memref<8x128xi32, #tpu.memory_space<hbm>>) target(%arg9 : memref<8x128xi32, #tpu.memory_space<vmem>>) target_semaphore(%arg12 : memref<!tpu.dma_semaphore, #tpu.memory_space<semaphore_mem>>)
    %add3A_19 = arith.constant 4 : i32
    %add3A_20 = arith.addi %mul3A_11, %add3A_19 : i32
    %mul3A_21 = arith.constant 2 : i32
    %mul3A_22 = arith.muli %mul3A_21, %add3A_20 : i32
    %dma_start3A_23 = arith.constant 0 : i32
    %dma_start3A_24 = tpu.memref_slice %arg3[%mul3A_22, %dma_start3A_23] : memref<25088x128xi32, #tpu.memory_space<hbm>> -> memref<8x128xi32, #tpu.memory_space<hbm>>
    %dma_start3A_25 = arith.constant 0 : i32
    %dma_start3A_26 = tpu.memref_slice %arg3[%mul3A_22, %dma_start3A_25] : memref<25088x128xi32, #tpu.memory_space<hbm>> -> memref<8x128xi32, #tpu.memory_space<hbm>>
    tpu.enqueue_dma source(%dma_start3A_26 : memref<8x128xi32, #tpu.memory_space<hbm>>) target(%arg10 : memref<8x128xi32, #tpu.memory_space<vmem>>) target_semaphore(%arg13 : memref<!tpu.dma_semaphore, #tpu.memory_space<semaphore_mem>>)
    %add3A_27 = arith.constant 0 : i32
    %add3A_28 = arith.addi %mul3A_11, %add3A_27 : i32
    %mul3A_29 = arith.constant 2 : i32
    %mul3A_30 = arith.muli %mul3A_29, %add3A_28 : i32
    %dma_wait3A = arith.constant 0 : i32
    %dma_wait3A_31 = tpu.memref_slice %arg3[%mul3A_30, %dma_wait3A] : memref<25088x128xi32, #tpu.memory_space<hbm>> -> memref<8x128xi32, #tpu.memory_space<hbm>>
    %dma_wait3A_32 = arith.constant 0 : i32
    %dma_wait3A_33 = tpu.memref_slice %arg3[%mul3A_30, %dma_wait3A_32] : memref<25088x128xi32, #tpu.memory_space<hbm>> -> memref<8x128xi32, #tpu.memory_space<hbm>>
    tpu.wait_dma2 semaphore(%arg12 : memref<!tpu.dma_semaphore, #tpu.memory_space<semaphore_mem>>) src(%dma_wait3A_33 : memref<8x128xi32, #tpu.memory_space<hbm>>) dst(%arg9 : memref<8x128xi32, #tpu.memory_space<vmem>>)
    %scan3A_34 = arith.constant 0 : i32
    %scan3A_35 = arith.constant 4 : i32
    %scan3A_36 = arith.addi %scan3A_34, %scan3A_35 : i32
    %scan3A_37 = arith.constant 1 : i32
    scf.for %scan3A_52 = %scan3A_34 to %scan3A_36 step %scan3A_37  : i32 {
      %mul3A_53 = arith.constant 1 : i32
      %mul3A_54 = arith.muli %scan3A_52, %mul3A_53 : i32
      %add3A_55 = arith.constant 0 : i32
      %add3A_56 = arith.addi %add3A_55, %mul3A_54 : i32
      %mul3A_57 = arith.constant 2 : i32
      %mul3A_58 = arith.muli %mul3A_57, %add3A_56 : i32
      %mul3A_59 = arith.constant 128 : i32
      %mul3A_60 = arith.muli %add3A_56, %mul3A_59 : i32
      %dma_start3A_61 = arith.constant 0 : i32
      %dma_start3A_62 = tpu.memref_slice %arg7[%mul3A_60, %dma_start3A_61] : memref<512x16xf32, #tpu.memory_space<vmem>> -> memref<128x16xf32, #tpu.memory_space<vmem>>
      %dma_start3A_63 = arith.constant 0 : i32
      %dma_start3A_64 = tpu.memref_slice %arg9[%mul3A_58, %dma_start3A_63] : memref<8x128xi32, #tpu.memory_space<vmem>> -> memref<1x128xi32, #tpu.memory_space<vmem>>
      %dma_start3A_65 = tpu.memref_squeeze %dma_start3A_64 : memref<1x128xi32, #tpu.memory_space<vmem>> -> memref<128xi32, #tpu.memory_space<vmem>>
      %dma_start3A_66 = arith.constant 0 : i32
      %dma_start3A_67 = arith.constant 0 : i32
      %dma_start3A_68 = tpu.memref_slice %arg2[%dma_start3A_66, %dma_start3A_67] : memref<100000x16xf32, #tpu.memory_space<hbm>> -> memref<100000x16xf32, #tpu.memory_space<hbm>>
      tpu.enqueue_indirect_dma source(%dma_start3A_68 : memref<100000x16xf32, #tpu.memory_space<hbm>>) target(%dma_start3A_62 : memref<128x16xf32, #tpu.memory_space<vmem>>) offsets(%dma_start3A_65 : memref<128xi32, #tpu.memory_space<vmem>>) semaphore(%arg14 : memref<!tpu.dma_semaphore, #tpu.memory_space<semaphore_mem>>)
    }
    %scan3A_38 = arith.constant 4 : i32
    %scan3A_39 = arith.constant 0 : i32
    %scan3A_40 = arith.constant 49 : i32
    %scan3A_41 = arith.addi %scan3A_39, %scan3A_40 : i32
    %scan3A_42 = arith.constant 1 : i32
    scf.for %scan3A_52 = %scan3A_39 to %scan3A_41 step %scan3A_42  : i32 {
      %mul3A_53 = arith.constant 1 : i32
      %mul3A_54 = arith.muli %scan3A_52, %mul3A_53 : i32
      %add3A_55 = arith.constant 0 : i32
      %add3A_56 = arith.addi %add3A_55, %mul3A_54 : i32
      %mul3A_57 = arith.constant 2 : i32
      %mul3A_58 = arith.muli %mul3A_57, %add3A_56 : i32
      %scan3A_59 = arith.constant 0 : i32
      %scan3A_60 = arith.constant 4 : i32
      %scan3A_61 = arith.addi %scan3A_59, %scan3A_60 : i32
      %scan3A_62 = arith.constant 1 : i32
      scf.for %scan3A_120 = %scan3A_59 to %scan3A_61 step %scan3A_62  : i32 {
        %mul3A_121 = arith.constant 1 : i32
        %mul3A_122 = arith.muli %scan3A_120, %mul3A_121 : i32
        %add3A_123 = arith.constant 0 : i32
        %add3A_124 = arith.addi %add3A_123, %mul3A_122 : i32
        %mul3A_125 = arith.constant 2 : i32
        %mul3A_126 = arith.muli %mul3A_125, %add3A_124 : i32
        %mul3A_127 = arith.constant 128 : i32
        %mul3A_128 = arith.muli %add3A_124, %mul3A_127 : i32
        %dma_wait3A_129 = arith.constant 0 : i32
        %dma_wait3A_130 = tpu.memref_slice %arg7[%mul3A_128, %dma_wait3A_129] : memref<512x16xf32, #tpu.memory_space<vmem>> -> memref<128x16xf32, #tpu.memory_space<vmem>>
        %dma_wait3A_131 = arith.constant 0 : i32
        %dma_wait3A_132 = tpu.memref_slice %arg9[%mul3A_126, %dma_wait3A_131] : memref<8x128xi32, #tpu.memory_space<vmem>> -> memref<1x128xi32, #tpu.memory_space<vmem>>
        %dma_wait3A_133 = tpu.memref_squeeze %dma_wait3A_132 : memref<1x128xi32, #tpu.memory_space<vmem>> -> memref<128xi32, #tpu.memory_space<vmem>>
        %dma_wait3A_134 = arith.constant 0 : i32
        %dma_wait3A_135 = arith.constant 0 : i32
        %dma_wait3A_136 = tpu.memref_slice %arg2[%dma_wait3A_134, %dma_wait3A_135] : memref<100000x16xf32, #tpu.memory_space<hbm>> -> memref<100000x16xf32, #tpu.memory_space<hbm>>
        tpu.wait_indirect_dma semaphore(%arg14 : memref<!tpu.dma_semaphore, #tpu.memory_space<semaphore_mem>>) src(%dma_wait3A_136 : memref<100000x16xf32, #tpu.memory_space<hbm>>) dst(%dma_wait3A_130 : memref<128x16xf32, #tpu.memory_space<vmem>>)
      }
      %scan3A_63 = arith.constant 4 : i32
      %scan3A_64 = arith.constant 0 : i32
      %scan3A_65 = arith.constant 4 : i32
      %scan3A_66 = arith.addi %scan3A_64, %scan3A_65 : i32
      %scan3A_67 = arith.constant 1 : i32
      scf.for %scan3A_120 = %scan3A_64 to %scan3A_66 step %scan3A_67  : i32 {
        %mul3A_121 = arith.constant 1 : i32
        %mul3A_122 = arith.muli %scan3A_120, %mul3A_121 : i32
        %add3A_123 = arith.constant 0 : i32
        %add3A_124 = arith.addi %add3A_123, %mul3A_122 : i32
        %mul3A_125 = arith.constant 128 : i32
        %mul3A_126 = arith.muli %add3A_124, %mul3A_125 : i32
        %mul3A_127 = arith.constant 2 : i32
        %mul3A_128 = arith.muli %mul3A_127, %add3A_124 : i32
        %add3A_129 = arith.constant 1 : i32
        %add3A_130 = arith.addi %mul3A_128, %add3A_129 : i32
        %dma_start3A_131 = arith.constant 0 : i32
        %dma_start3A_132 = tpu.memref_slice %arg7[%mul3A_126, %dma_start3A_131] : memref<512x16xf32, #tpu.memory_space<vmem>> -> memref<128x16xf32, #tpu.memory_space<vmem>>
        %dma_start3A_133 = arith.constant 0 : i32
        %dma_start3A_134 = tpu.memref_slice %arg9[%add3A_130, %dma_start3A_133] : memref<8x128xi32, #tpu.memory_space<vmem>> -> memref<1x128xi32, #tpu.memory_space<vmem>>
        %dma_start3A_135 = tpu.memref_squeeze %dma_start3A_134 : memref<1x128xi32, #tpu.memory_space<vmem>> -> memref<128xi32, #tpu.memory_space<vmem>>
        %dma_start3A_136 = arith.constant 0 : i32
        %dma_start3A_137 = arith.constant 0 : i32
        %dma_start3A_138 = tpu.memref_slice %arg11[%dma_start3A_136, %dma_start3A_137] : memref<100256x16xf32, #tpu.memory_space<vmem_shared>> -> memref<100256x16xf32, #tpu.memory_space<vmem_shared>>
        tpu.enqueue_indirect_dma source(%dma_start3A_132 : memref<128x16xf32, #tpu.memory_space<vmem>>) target(%dma_start3A_138 : memref<100256x16xf32, #tpu.memory_space<vmem_shared>>) offsets(%dma_start3A_135 : memref<128xi32, #tpu.memory_space<vmem>>) semaphore(%arg16 : memref<!tpu.dma_semaphore, #tpu.memory_space<semaphore_mem>>) {add = true}
      }
      %scan3A_68 = arith.constant 4 : i32
      %add3A_69 = arith.constant 1 : i32
      %add3A_70 = arith.addi %mul3A_58, %add3A_69 : i32
      %lt3A = arith.constant 98 : i32
      %lt3A_71 = arith.cmpi slt, %add3A_70, %lt3A : i32
      %convert_element_type3A_72 = arith.extui %lt3A_71 : i1 to i32
      %cond3A_73 = arith.constant 0 : i32
      %cond3A_74 = arith.cmpi ne, %convert_element_type3A_72, %cond3A_73 : i32
      scf.if %cond3A_74 {
        %add3A_120 = arith.constant 1 : i32
        %add3A_121 = arith.addi %mul3A_58, %add3A_120 : i32
        %mul3A_122 = arith.constant 4 : i32
        %mul3A_123 = arith.muli %add3A_121, %mul3A_122 : i32
        %add3A_124 = arith.addi %mul3A_11, %mul3A_123 : i32
        %mul3A_125 = arith.constant 2 : i32
        %mul3A_126 = arith.muli %mul3A_125, %add3A_124 : i32
        %dma_wait3A_127 = arith.constant 0 : i32
        %dma_wait3A_128 = tpu.memref_slice %arg3[%mul3A_126, %dma_wait3A_127] : memref<25088x128xi32, #tpu.memory_space<hbm>> -> memref<8x128xi32, #tpu.memory_space<hbm>>
        %dma_wait3A_129 = arith.constant 0 : i32
        %dma_wait3A_130 = tpu.memref_slice %arg3[%mul3A_126, %dma_wait3A_129] : memref<25088x128xi32, #tpu.memory_space<hbm>> -> memref<8x128xi32, #tpu.memory_space<hbm>>
        tpu.wait_dma2 semaphore(%arg13 : memref<!tpu.dma_semaphore, #tpu.memory_space<semaphore_mem>>) src(%dma_wait3A_130 : memref<8x128xi32, #tpu.memory_space<hbm>>) dst(%arg10 : memref<8x128xi32, #tpu.memory_space<vmem>>)
        %scan3A_131 = arith.constant 0 : i32
        %scan3A_132 = arith.constant 4 : i32
        %scan3A_133 = arith.addi %scan3A_131, %scan3A_132 : i32
        %scan3A_134 = arith.constant 1 : i32
        scf.for %scan3A_136 = %scan3A_131 to %scan3A_133 step %scan3A_134  : i32 {
          %mul3A_137 = arith.constant 1 : i32
          %mul3A_138 = arith.muli %scan3A_136, %mul3A_137 : i32
          %add3A_139 = arith.constant 0 : i32
          %add3A_140 = arith.addi %add3A_139, %mul3A_138 : i32
          %mul3A_141 = arith.constant 2 : i32
          %mul3A_142 = arith.muli %mul3A_141, %add3A_140 : i32
          %mul3A_143 = arith.constant 128 : i32
          %mul3A_144 = arith.muli %add3A_140, %mul3A_143 : i32
          %dma_start3A_145 = arith.constant 0 : i32
          %dma_start3A_146 = tpu.memref_slice %arg8[%mul3A_144, %dma_start3A_145] : memref<512x16xf32, #tpu.memory_space<vmem>> -> memref<128x16xf32, #tpu.memory_space<vmem>>
          %dma_start3A_147 = arith.constant 0 : i32
          %dma_start3A_148 = tpu.memref_slice %arg10[%mul3A_142, %dma_start3A_147] : memref<8x128xi32, #tpu.memory_space<vmem>> -> memref<1x128xi32, #tpu.memory_space<vmem>>
          %dma_start3A_149 = tpu.memref_squeeze %dma_start3A_148 : memref<1x128xi32, #tpu.memory_space<vmem>> -> memref<128xi32, #tpu.memory_space<vmem>>
          %dma_start3A_150 = arith.constant 0 : i32
          %dma_start3A_151 = arith.constant 0 : i32
          %dma_start3A_152 = tpu.memref_slice %arg2[%dma_start3A_150, %dma_start3A_151] : memref<100000x16xf32, #tpu.memory_space<hbm>> -> memref<100000x16xf32, #tpu.memory_space<hbm>>
          tpu.enqueue_indirect_dma source(%dma_start3A_152 : memref<100000x16xf32, #tpu.memory_space<hbm>>) target(%dma_start3A_146 : memref<128x16xf32, #tpu.memory_space<vmem>>) offsets(%dma_start3A_149 : memref<128xi32, #tpu.memory_space<vmem>>) semaphore(%arg15 : memref<!tpu.dma_semaphore, #tpu.memory_space<semaphore_mem>>)
        }
        %scan3A_135 = arith.constant 4 : i32
      } else {
      }
      %scan3A_75 = arith.constant 0 : i32
      %scan3A_76 = arith.constant 4 : i32
      %scan3A_77 = arith.addi %scan3A_75, %scan3A_76 : i32
      %scan3A_78 = arith.constant 1 : i32
      scf.for %scan3A_120 = %scan3A_75 to %scan3A_77 step %scan3A_78  : i32 {
        %mul3A_121 = arith.constant 1 : i32
        %mul3A_122 = arith.muli %scan3A_120, %mul3A_121 : i32
        %add3A_123 = arith.constant 0 : i32
        %add3A_124 = arith.addi %add3A_123, %mul3A_122 : i32
        %mul3A_125 = arith.constant 128 : i32
        %mul3A_126 = arith.muli %add3A_124, %mul3A_125 : i32
        %mul3A_127 = arith.constant 2 : i32
        %mul3A_128 = arith.muli %mul3A_127, %add3A_124 : i32
        %add3A_129 = arith.constant 1 : i32
        %add3A_130 = arith.addi %mul3A_128, %add3A_129 : i32
        %dma_wait3A_131 = arith.constant 0 : i32
        %dma_wait3A_132 = tpu.memref_slice %arg7[%mul3A_126, %dma_wait3A_131] : memref<512x16xf32, #tpu.memory_space<vmem>> -> memref<128x16xf32, #tpu.memory_space<vmem>>
        %dma_wait3A_133 = arith.constant 0 : i32
        %dma_wait3A_134 = tpu.memref_slice %arg9[%add3A_130, %dma_wait3A_133] : memref<8x128xi32, #tpu.memory_space<vmem>> -> memref<1x128xi32, #tpu.memory_space<vmem>>
        %dma_wait3A_135 = tpu.memref_squeeze %dma_wait3A_134 : memref<1x128xi32, #tpu.memory_space<vmem>> -> memref<128xi32, #tpu.memory_space<vmem>>
        %dma_wait3A_136 = arith.constant 0 : i32
        %dma_wait3A_137 = arith.constant 0 : i32
        %dma_wait3A_138 = tpu.memref_slice %arg11[%dma_wait3A_136, %dma_wait3A_137] : memref<100256x16xf32, #tpu.memory_space<vmem_shared>> -> memref<100256x16xf32, #tpu.memory_space<vmem_shared>>
        tpu.wait_indirect_dma semaphore(%arg16 : memref<!tpu.dma_semaphore, #tpu.memory_space<semaphore_mem>>) src(%dma_wait3A_132 : memref<128x16xf32, #tpu.memory_space<vmem>>) dst(%dma_wait3A_138 : memref<100256x16xf32, #tpu.memory_space<vmem_shared>>)
      }
      %scan3A_79 = arith.constant 4 : i32
      %add3A_80 = arith.constant 2 : i32
      %add3A_81 = arith.addi %mul3A_58, %add3A_80 : i32
      %lt3A_82 = arith.constant 98 : i32
      %lt3A_83 = arith.cmpi slt, %add3A_81, %lt3A_82 : i32
      %convert_element_type3A_84 = arith.extui %lt3A_83 : i1 to i32
      %cond3A_85 = arith.constant 0 : i32
      %cond3A_86 = arith.cmpi ne, %convert_element_type3A_84, %cond3A_85 : i32
      scf.if %cond3A_86 {
        %add3A_120 = arith.constant 2 : i32
        %add3A_121 = arith.addi %mul3A_58, %add3A_120 : i32
        %mul3A_122 = arith.constant 4 : i32
        %mul3A_123 = arith.muli %add3A_121, %mul3A_122 : i32
        %add3A_124 = arith.addi %mul3A_11, %mul3A_123 : i32
        %mul3A_125 = arith.constant 2 : i32
        %mul3A_126 = arith.muli %mul3A_125, %add3A_124 : i32
        %dma_start3A_127 = arith.constant 0 : i32
        %dma_start3A_128 = tpu.memref_slice %arg3[%mul3A_126, %dma_start3A_127] : memref<25088x128xi32, #tpu.memory_space<hbm>> -> memref<8x128xi32, #tpu.memory_space<hbm>>
        %dma_start3A_129 = arith.constant 0 : i32
        %dma_start3A_130 = tpu.memref_slice %arg3[%mul3A_126, %dma_start3A_129] : memref<25088x128xi32, #tpu.memory_space<hbm>> -> memref<8x128xi32, #tpu.memory_space<hbm>>
        tpu.enqueue_dma source(%dma_start3A_130 : memref<8x128xi32, #tpu.memory_space<hbm>>) target(%arg9 : memref<8x128xi32, #tpu.memory_space<vmem>>) target_semaphore(%arg12 : memref<!tpu.dma_semaphore, #tpu.memory_space<semaphore_mem>>)
      } else {
      }
      %mul3A_87 = arith.constant 2 : i32
      %mul3A_88 = arith.muli %mul3A_87, %add3A_56 : i32
      %add3A_89 = arith.constant 1 : i32
      %add3A_90 = arith.addi %mul3A_88, %add3A_89 : i32
      %scan3A_91 = arith.constant 0 : i32
      %scan3A_92 = arith.constant 4 : i32
      %scan3A_93 = arith.addi %scan3A_91, %scan3A_92 : i32
      %scan3A_94 = arith.constant 1 : i32
      scf.for %scan3A_120 = %scan3A_91 to %scan3A_93 step %scan3A_94  : i32 {
        %mul3A_121 = arith.constant 1 : i32
        %mul3A_122 = arith.muli %scan3A_120, %mul3A_121 : i32
        %add3A_123 = arith.constant 0 : i32
        %add3A_124 = arith.addi %add3A_123, %mul3A_122 : i32
        %mul3A_125 = arith.constant 2 : i32
        %mul3A_126 = arith.muli %mul3A_125, %add3A_124 : i32
        %mul3A_127 = arith.constant 128 : i32
        %mul3A_128 = arith.muli %add3A_124, %mul3A_127 : i32
        %dma_wait3A_129 = arith.constant 0 : i32
        %dma_wait3A_130 = tpu.memref_slice %arg8[%mul3A_128, %dma_wait3A_129] : memref<512x16xf32, #tpu.memory_space<vmem>> -> memref<128x16xf32, #tpu.memory_space<vmem>>
        %dma_wait3A_131 = arith.constant 0 : i32
        %dma_wait3A_132 = tpu.memref_slice %arg10[%mul3A_126, %dma_wait3A_131] : memref<8x128xi32, #tpu.memory_space<vmem>> -> memref<1x128xi32, #tpu.memory_space<vmem>>
        %dma_wait3A_133 = tpu.memref_squeeze %dma_wait3A_132 : memref<1x128xi32, #tpu.memory_space<vmem>> -> memref<128xi32, #tpu.memory_space<vmem>>
        %dma_wait3A_134 = arith.constant 0 : i32
        %dma_wait3A_135 = arith.constant 0 : i32
        %dma_wait3A_136 = tpu.memref_slice %arg2[%dma_wait3A_134, %dma_wait3A_135] : memref<100000x16xf32, #tpu.memory_space<hbm>> -> memref<100000x16xf32, #tpu.memory_space<hbm>>
        tpu.wait_indirect_dma semaphore(%arg15 : memref<!tpu.dma_semaphore, #tpu.memory_space<semaphore_mem>>) src(%dma_wait3A_136 : memref<100000x16xf32, #tpu.memory_space<hbm>>) dst(%dma_wait3A_130 : memref<128x16xf32, #tpu.memory_space<vmem>>)
      }
      %scan3A_95 = arith.constant 4 : i32
      %scan3A_96 = arith.constant 0 : i32
      %scan3A_97 = arith.constant 4 : i32
      %scan3A_98 = arith.addi %scan3A_96, %scan3A_97 : i32
      %scan3A_99 = arith.constant 1 : i32
      scf.for %scan3A_120 = %scan3A_96 to %scan3A_98 step %scan3A_99  : i32 {
        %mul3A_121 = arith.constant 1 : i32
        %mul3A_122 = arith.muli %scan3A_120, %mul3A_121 : i32
        %add3A_123 = arith.constant 0 : i32
        %add3A_124 = arith.addi %add3A_123, %mul3A_122 : i32
        %mul3A_125 = arith.constant 128 : i32
        %mul3A_126 = arith.muli %add3A_124, %mul3A_125 : i32
        %mul3A_127 = arith.constant 2 : i32
        %mul3A_128 = arith.muli %mul3A_127, %add3A_124 : i32
        %add3A_129 = arith.constant 1 : i32
        %add3A_130 = arith.addi %mul3A_128, %add3A_129 : i32
        %dma_start3A_131 = arith.constant 0 : i32
        %dma_start3A_132 = tpu.memref_slice %arg8[%mul3A_126, %dma_start3A_131] : memref<512x16xf32, #tpu.memory_space<vmem>> -> memref<128x16xf32, #tpu.memory_space<vmem>>
        %dma_start3A_133 = arith.constant 0 : i32
        %dma_start3A_134 = tpu.memref_slice %arg10[%add3A_130, %dma_start3A_133] : memref<8x128xi32, #tpu.memory_space<vmem>> -> memref<1x128xi32, #tpu.memory_space<vmem>>
        %dma_start3A_135 = tpu.memref_squeeze %dma_start3A_134 : memref<1x128xi32, #tpu.memory_space<vmem>> -> memref<128xi32, #tpu.memory_space<vmem>>
        %dma_start3A_136 = arith.constant 0 : i32
        %dma_start3A_137 = arith.constant 0 : i32
        %dma_start3A_138 = tpu.memref_slice %arg11[%dma_start3A_136, %dma_start3A_137] : memref<100256x16xf32, #tpu.memory_space<vmem_shared>> -> memref<100256x16xf32, #tpu.memory_space<vmem_shared>>
        tpu.enqueue_indirect_dma source(%dma_start3A_132 : memref<128x16xf32, #tpu.memory_space<vmem>>) target(%dma_start3A_138 : memref<100256x16xf32, #tpu.memory_space<vmem_shared>>) offsets(%dma_start3A_135 : memref<128xi32, #tpu.memory_space<vmem>>) semaphore(%arg17 : memref<!tpu.dma_semaphore, #tpu.memory_space<semaphore_mem>>) {add = true}
      }
      %scan3A_100 = arith.constant 4 : i32
      %add3A_101 = arith.constant 1 : i32
      %add3A_102 = arith.addi %add3A_90, %add3A_101 : i32
      %lt3A_103 = arith.constant 98 : i32
      %lt3A_104 = arith.cmpi slt, %add3A_102, %lt3A_103 : i32
      %convert_element_type3A_105 = arith.extui %lt3A_104 : i1 to i32
      %cond3A_106 = arith.constant 0 : i32
      %cond3A_107 = arith.cmpi ne, %convert_element_type3A_105, %cond3A_106 : i32
      scf.if %cond3A_107 {
        %add3A_120 = arith.constant 1 : i32
        %add3A_121 = arith.addi %add3A_90, %add3A_120 : i32
        %mul3A_122 = arith.constant 4 : i32
        %mul3A_123 = arith.muli %add3A_121, %mul3A_122 : i32
        %add3A_124 = arith.addi %mul3A_11, %mul3A_123 : i32
        %mul3A_125 = arith.constant 2 : i32
        %mul3A_126 = arith.muli %mul3A_125, %add3A_124 : i32
        %dma_wait3A_127 = arith.constant 0 : i32
        %dma_wait3A_128 = tpu.memref_slice %arg3[%mul3A_126, %dma_wait3A_127] : memref<25088x128xi32, #tpu.memory_space<hbm>> -> memref<8x128xi32, #tpu.memory_space<hbm>>
        %dma_wait3A_129 = arith.constant 0 : i32
        %dma_wait3A_130 = tpu.memref_slice %arg3[%mul3A_126, %dma_wait3A_129] : memref<25088x128xi32, #tpu.memory_space<hbm>> -> memref<8x128xi32, #tpu.memory_space<hbm>>
        tpu.wait_dma2 semaphore(%arg12 : memref<!tpu.dma_semaphore, #tpu.memory_space<semaphore_mem>>) src(%dma_wait3A_130 : memref<8x128xi32, #tpu.memory_space<hbm>>) dst(%arg9 : memref<8x128xi32, #tpu.memory_space<vmem>>)
        %scan3A_131 = arith.constant 0 : i32
        %scan3A_132 = arith.constant 4 : i32
        %scan3A_133 = arith.addi %scan3A_131, %scan3A_132 : i32
        %scan3A_134 = arith.constant 1 : i32
        scf.for %scan3A_136 = %scan3A_131 to %scan3A_133 step %scan3A_134  : i32 {
          %mul3A_137 = arith.constant 1 : i32
          %mul3A_138 = arith.muli %scan3A_136, %mul3A_137 : i32
          %add3A_139 = arith.constant 0 : i32
          %add3A_140 = arith.addi %add3A_139, %mul3A_138 : i32
          %mul3A_141 = arith.constant 2 : i32
          %mul3A_142 = arith.muli %mul3A_141, %add3A_140 : i32
          %mul3A_143 = arith.constant 128 : i32
          %mul3A_144 = arith.muli %add3A_140, %mul3A_143 : i32
          %dma_start3A_145 = arith.constant 0 : i32
          %dma_start3A_146 = tpu.memref_slice %arg7[%mul3A_144, %dma_start3A_145] : memref<512x16xf32, #tpu.memory_space<vmem>> -> memref<128x16xf32, #tpu.memory_space<vmem>>
          %dma_start3A_147 = arith.constant 0 : i32
          %dma_start3A_148 = tpu.memref_slice %arg9[%mul3A_142, %dma_start3A_147] : memref<8x128xi32, #tpu.memory_space<vmem>> -> memref<1x128xi32, #tpu.memory_space<vmem>>
          %dma_start3A_149 = tpu.memref_squeeze %dma_start3A_148 : memref<1x128xi32, #tpu.memory_space<vmem>> -> memref<128xi32, #tpu.memory_space<vmem>>
          %dma_start3A_150 = arith.constant 0 : i32
          %dma_start3A_151 = arith.constant 0 : i32
          %dma_start3A_152 = tpu.memref_slice %arg2[%dma_start3A_150, %dma_start3A_151] : memref<100000x16xf32, #tpu.memory_space<hbm>> -> memref<100000x16xf32, #tpu.memory_space<hbm>>
          tpu.enqueue_indirect_dma source(%dma_start3A_152 : memref<100000x16xf32, #tpu.memory_space<hbm>>) target(%dma_start3A_146 : memref<128x16xf32, #tpu.memory_space<vmem>>) offsets(%dma_start3A_149 : memref<128xi32, #tpu.memory_space<vmem>>) semaphore(%arg14 : memref<!tpu.dma_semaphore, #tpu.memory_space<semaphore_mem>>)
        }
        %scan3A_135 = arith.constant 4 : i32
      } else {
      }
      %scan3A_108 = arith.constant 0 : i32
      %scan3A_109 = arith.constant 4 : i32
      %scan3A_110 = arith.addi %scan3A_108, %scan3A_109 : i32
      %scan3A_111 = arith.constant 1 : i32
      scf.for %scan3A_120 = %scan3A_108 to %scan3A_110 step %scan3A_111  : i32 {
        %mul3A_121 = arith.constant 1 : i32
        %mul3A_122 = arith.muli %scan3A_120, %mul3A_121 : i32
        %add3A_123 = arith.constant 0 : i32
        %add3A_124 = arith.addi %add3A_123, %mul3A_122 : i32
        %mul3A_125 = arith.constant 128 : i32
        %mul3A_126 = arith.muli %add3A_124, %mul3A_125 : i32
        %mul3A_127 = arith.constant 2 : i32
        %mul3A_128 = arith.muli %mul3A_127, %add3A_124 : i32
        %add3A_129 = arith.constant 1 : i32
        %add3A_130 = arith.addi %mul3A_128, %add3A_129 : i32
        %dma_wait3A_131 = arith.constant 0 : i32
        %dma_wait3A_132 = tpu.memref_slice %arg8[%mul3A_126, %dma_wait3A_131] : memref<512x16xf32, #tpu.memory_space<vmem>> -> memref<128x16xf32, #tpu.memory_space<vmem>>
        %dma_wait3A_133 = arith.constant 0 : i32
        %dma_wait3A_134 = tpu.memref_slice %arg10[%add3A_130, %dma_wait3A_133] : memref<8x128xi32, #tpu.memory_space<vmem>> -> memref<1x128xi32, #tpu.memory_space<vmem>>
        %dma_wait3A_135 = tpu.memref_squeeze %dma_wait3A_134 : memref<1x128xi32, #tpu.memory_space<vmem>> -> memref<128xi32, #tpu.memory_space<vmem>>
        %dma_wait3A_136 = arith.constant 0 : i32
        %dma_wait3A_137 = arith.constant 0 : i32
        %dma_wait3A_138 = tpu.memref_slice %arg11[%dma_wait3A_136, %dma_wait3A_137] : memref<100256x16xf32, #tpu.memory_space<vmem_shared>> -> memref<100256x16xf32, #tpu.memory_space<vmem_shared>>
        tpu.wait_indirect_dma semaphore(%arg17 : memref<!tpu.dma_semaphore, #tpu.memory_space<semaphore_mem>>) src(%dma_wait3A_132 : memref<128x16xf32, #tpu.memory_space<vmem>>) dst(%dma_wait3A_138 : memref<100256x16xf32, #tpu.memory_space<vmem_shared>>)
      }
      %scan3A_112 = arith.constant 4 : i32
      %add3A_113 = arith.constant 2 : i32
      %add3A_114 = arith.addi %add3A_90, %add3A_113 : i32
      %lt3A_115 = arith.constant 98 : i32
      %lt3A_116 = arith.cmpi slt, %add3A_114, %lt3A_115 : i32
      %convert_element_type3A_117 = arith.extui %lt3A_116 : i1 to i32
      %cond3A_118 = arith.constant 0 : i32
      %cond3A_119 = arith.cmpi ne, %convert_element_type3A_117, %cond3A_118 : i32
      scf.if %cond3A_119 {
        %add3A_120 = arith.constant 2 : i32
        %add3A_121 = arith.addi %add3A_90, %add3A_120 : i32
        %mul3A_122 = arith.constant 4 : i32
        %mul3A_123 = arith.muli %add3A_121, %mul3A_122 : i32
        %add3A_124 = arith.addi %mul3A_11, %mul3A_123 : i32
        %mul3A_125 = arith.constant 2 : i32
        %mul3A_126 = arith.muli %mul3A_125, %add3A_124 : i32
        %dma_start3A_127 = arith.constant 0 : i32
        %dma_start3A_128 = tpu.memref_slice %arg3[%mul3A_126, %dma_start3A_127] : memref<25088x128xi32, #tpu.memory_space<hbm>> -> memref<8x128xi32, #tpu.memory_space<hbm>>
        %dma_start3A_129 = arith.constant 0 : i32
        %dma_start3A_130 = tpu.memref_slice %arg3[%mul3A_126, %dma_start3A_129] : memref<25088x128xi32, #tpu.memory_space<hbm>> -> memref<8x128xi32, #tpu.memory_space<hbm>>
        tpu.enqueue_dma source(%dma_start3A_130 : memref<8x128xi32, #tpu.memory_space<hbm>>) target(%arg10 : memref<8x128xi32, #tpu.memory_space<vmem>>) target_semaphore(%arg13 : memref<!tpu.dma_semaphore, #tpu.memory_space<semaphore_mem>>)
      } else {
      }
    }
    %scan3A_43 = arith.constant 49 : i32
    %barrier3A_44 = arith.constant 0 : index
    tpu.barrier barrier_id(%barrier3A_44)
    %eq3A = arith.constant 0 : i32
    %eq3A_45 = arith.cmpi eq, %arg0, %eq3A : i32
    %convert_element_type3A = arith.extui %eq3A_45 : i1 to i32
    %cond3A = arith.constant 0 : i32
    %cond3A_46 = arith.cmpi ne, %convert_element_type3A, %cond3A : i32
    scf.if %cond3A_46 {
      %mul3A_52 = arith.constant 6256 : i32
      %mul3A_53 = arith.muli %arg1, %mul3A_52 : i32
      %multiple_of3A = tpu.assume_multiple %mul3A_53, 8 : i32
      %lt3A = arith.constant 15 : i32
      %lt3A_54 = arith.cmpi slt, %arg1, %lt3A : i32
      %convert_element_type3A_55 = arith.extui %lt3A_54 : i1 to i32
      %cond3A_56 = arith.constant 0 : i32
      %cond3A_57 = arith.cmpi ne, %convert_element_type3A_55, %cond3A_56 : i32
      scf.if %cond3A_57 {
        "tpu.region"() ({
          %run_scoped3A = tpu.sem_alloc : memref<!tpu.dma_semaphore, #tpu.memory_space<semaphore_mem>>
          %dma_start3A_63 = arith.constant 0 : i32
          %dma_start3A_64 = tpu.memref_slice %arg5[%multiple_of3A, %dma_start3A_63] : memref<100000x16xf32, #tpu.memory_space<hbm>> -> memref<6256x16xf32, #tpu.memory_space<hbm>>
          %dma_start3A_65 = arith.constant 0 : i32
          %dma_start3A_66 = tpu.memref_slice %arg11[%multiple_of3A, %dma_start3A_65] : memref<100256x16xf32, #tpu.memory_space<vmem_shared>> -> memref<6256x16xf32, #tpu.memory_space<vmem_shared>>
          tpu.enqueue_dma source(%dma_start3A_66 : memref<6256x16xf32, #tpu.memory_space<vmem_shared>>) target(%dma_start3A_64 : memref<6256x16xf32, #tpu.memory_space<hbm>>) target_semaphore(%run_scoped3A : memref<!tpu.dma_semaphore, #tpu.memory_space<semaphore_mem>>)
          %dma_wait3A_67 = arith.constant 0 : i32
          %dma_wait3A_68 = tpu.memref_slice %arg5[%multiple_of3A, %dma_wait3A_67] : memref<100000x16xf32, #tpu.memory_space<hbm>> -> memref<6256x16xf32, #tpu.memory_space<hbm>>
          %dma_wait3A_69 = arith.constant 0 : i32
          %dma_wait3A_70 = tpu.memref_slice %arg11[%multiple_of3A, %dma_wait3A_69] : memref<100256x16xf32, #tpu.memory_space<vmem_shared>> -> memref<6256x16xf32, #tpu.memory_space<vmem_shared>>
          tpu.wait_dma2 semaphore(%run_scoped3A : memref<!tpu.dma_semaphore, #tpu.memory_space<semaphore_mem>>) src(%dma_wait3A_70 : memref<6256x16xf32, #tpu.memory_space<vmem_shared>>) dst(%dma_wait3A_68 : memref<6256x16xf32, #tpu.memory_space<hbm>>)
          tpu.yield
        }) : () -> ()
      } else {
      }
      %eq3A_58 = arith.constant 15 : i32
      %eq3A_59 = arith.cmpi eq, %arg1, %eq3A_58 : i32
      %convert_element_type3A_60 = arith.extui %eq3A_59 : i1 to i32
      %cond3A_61 = arith.constant 0 : i32
      %cond3A_62 = arith.cmpi ne, %convert_element_type3A_60, %cond3A_61 : i32
      scf.if %cond3A_62 {
        "tpu.region"() ({
          %run_scoped3A = tpu.sem_alloc : memref<!tpu.dma_semaphore, #tpu.memory_space<semaphore_mem>>
          %dma_start3A_63 = arith.constant 0 : i32
          %dma_start3A_64 = tpu.memref_slice %arg5[%multiple_of3A, %dma_start3A_63] : memref<100000x16xf32, #tpu.memory_space<hbm>> -> memref<6160x16xf32, #tpu.memory_space<hbm>>
          %dma_start3A_65 = arith.constant 0 : i32
          %dma_start3A_66 = tpu.memref_slice %arg11[%multiple_of3A, %dma_start3A_65] : memref<100256x16xf32, #tpu.memory_space<vmem_shared>> -> memref<6160x16xf32, #tpu.memory_space<vmem_shared>>
          tpu.enqueue_dma source(%dma_start3A_66 : memref<6160x16xf32, #tpu.memory_space<vmem_shared>>) target(%dma_start3A_64 : memref<6160x16xf32, #tpu.memory_space<hbm>>) target_semaphore(%run_scoped3A : memref<!tpu.dma_semaphore, #tpu.memory_space<semaphore_mem>>)
          %dma_wait3A_67 = arith.constant 0 : i32
          %dma_wait3A_68 = tpu.memref_slice %arg5[%multiple_of3A, %dma_wait3A_67] : memref<100000x16xf32, #tpu.memory_space<hbm>> -> memref<6160x16xf32, #tpu.memory_space<hbm>>
          %dma_wait3A_69 = arith.constant 0 : i32
          %dma_wait3A_70 = tpu.memref_slice %arg11[%multiple_of3A, %dma_wait3A_69] : memref<100256x16xf32, #tpu.memory_space<vmem_shared>> -> memref<6160x16xf32, #tpu.memory_space<vmem_shared>>
          tpu.wait_dma2 semaphore(%run_scoped3A : memref<!tpu.dma_semaphore, #tpu.memory_space<semaphore_mem>>) src(%dma_wait3A_70 : memref<6160x16xf32, #tpu.memory_space<vmem_shared>>) dst(%dma_wait3A_68 : memref<6160x16xf32, #tpu.memory_space<hbm>>)
          tpu.yield
        }) : () -> ()
      } else {
      }
    } else {
    }
    %eq3A_47 = arith.constant 1 : i32
    %eq3A_48 = arith.cmpi eq, %arg0, %eq3A_47 : i32
    %convert_element_type3A_49 = arith.extui %eq3A_48 : i1 to i32
    %cond3A_50 = arith.constant 0 : i32
    %cond3A_51 = arith.cmpi ne, %convert_element_type3A_49, %cond3A_50 : i32
    scf.if %cond3A_51 {
      %mul3A_52 = arith.constant 6256 : i32
      %mul3A_53 = arith.muli %arg1, %mul3A_52 : i32
      %multiple_of3A = tpu.assume_multiple %mul3A_53, 8 : i32
      %lt3A = arith.constant 15 : i32
      %lt3A_54 = arith.cmpi slt, %arg1, %lt3A : i32
      %convert_element_type3A_55 = arith.extui %lt3A_54 : i1 to i32
      %cond3A_56 = arith.constant 0 : i32
      %cond3A_57 = arith.cmpi ne, %convert_element_type3A_55, %cond3A_56 : i32
      scf.if %cond3A_57 {
        "tpu.region"() ({
          %run_scoped3A = tpu.sem_alloc : memref<!tpu.dma_semaphore, #tpu.memory_space<semaphore_mem>>
          %dma_start3A_63 = arith.constant 0 : i32
          %dma_start3A_64 = tpu.memref_slice %arg6[%multiple_of3A, %dma_start3A_63] : memref<100000x16xf32, #tpu.memory_space<hbm>> -> memref<6256x16xf32, #tpu.memory_space<hbm>>
          %dma_start3A_65 = arith.constant 0 : i32
          %dma_start3A_66 = tpu.memref_slice %arg11[%multiple_of3A, %dma_start3A_65] : memref<100256x16xf32, #tpu.memory_space<vmem_shared>> -> memref<6256x16xf32, #tpu.memory_space<vmem_shared>>
          tpu.enqueue_dma source(%dma_start3A_66 : memref<6256x16xf32, #tpu.memory_space<vmem_shared>>) target(%dma_start3A_64 : memref<6256x16xf32, #tpu.memory_space<hbm>>) target_semaphore(%run_scoped3A : memref<!tpu.dma_semaphore, #tpu.memory_space<semaphore_mem>>)
          %dma_wait3A_67 = arith.constant 0 : i32
          %dma_wait3A_68 = tpu.memref_slice %arg6[%multiple_of3A, %dma_wait3A_67] : memref<100000x16xf32, #tpu.memory_space<hbm>> -> memref<6256x16xf32, #tpu.memory_space<hbm>>
          %dma_wait3A_69 = arith.constant 0 : i32
          %dma_wait3A_70 = tpu.memref_slice %arg11[%multiple_of3A, %dma_wait3A_69] : memref<100256x16xf32, #tpu.memory_space<vmem_shared>> -> memref<6256x16xf32, #tpu.memory_space<vmem_shared>>
          tpu.wait_dma2 semaphore(%run_scoped3A : memref<!tpu.dma_semaphore, #tpu.memory_space<semaphore_mem>>) src(%dma_wait3A_70 : memref<6256x16xf32, #tpu.memory_space<vmem_shared>>) dst(%dma_wait3A_68 : memref<6256x16xf32, #tpu.memory_space<hbm>>)
          tpu.yield
        }) : () -> ()
      } else {
      }
      %eq3A_58 = arith.constant 15 : i32
      %eq3A_59 = arith.cmpi eq, %arg1, %eq3A_58 : i32
      %convert_element_type3A_60 = arith.extui %eq3A_59 : i1 to i32
      %cond3A_61 = arith.constant 0 : i32
      %cond3A_62 = arith.cmpi ne, %convert_element_type3A_60, %cond3A_61 : i32
      scf.if %cond3A_62 {
        "tpu.region"() ({
          %run_scoped3A = tpu.sem_alloc : memref<!tpu.dma_semaphore, #tpu.memory_space<semaphore_mem>>
          %dma_start3A_63 = arith.constant 0 : i32
          %dma_start3A_64 = tpu.memref_slice %arg6[%multiple_of3A, %dma_start3A_63] : memref<100000x16xf32, #tpu.memory_space<hbm>> -> memref<6160x16xf32, #tpu.memory_space<hbm>>
          %dma_start3A_65 = arith.constant 0 : i32
          %dma_start3A_66 = tpu.memref_slice %arg11[%multiple_of3A, %dma_start3A_65] : memref<100256x16xf32, #tpu.memory_space<vmem_shared>> -> memref<6160x16xf32, #tpu.memory_space<vmem_shared>>
          tpu.enqueue_dma source(%dma_start3A_66 : memref<6160x16xf32, #tpu.memory_space<vmem_shared>>) target(%dma_start3A_64 : memref<6160x16xf32, #tpu.memory_space<hbm>>) target_semaphore(%run_scoped3A : memref<!tpu.dma_semaphore, #tpu.memory_space<semaphore_mem>>)
          %dma_wait3A_67 = arith.constant 0 : i32
          %dma_wait3A_68 = tpu.memref_slice %arg6[%multiple_of3A, %dma_wait3A_67] : memref<100000x16xf32, #tpu.memory_space<hbm>> -> memref<6160x16xf32, #tpu.memory_space<hbm>>
          %dma_wait3A_69 = arith.constant 0 : i32
          %dma_wait3A_70 = tpu.memref_slice %arg11[%multiple_of3A, %dma_wait3A_69] : memref<100256x16xf32, #tpu.memory_space<vmem_shared>> -> memref<6160x16xf32, #tpu.memory_space<vmem_shared>>
          tpu.wait_dma2 semaphore(%run_scoped3A : memref<!tpu.dma_semaphore, #tpu.memory_space<semaphore_mem>>) src(%dma_wait3A_70 : memref<6160x16xf32, #tpu.memory_space<vmem_shared>>) dst(%dma_wait3A_68 : memref<6160x16xf32, #tpu.memory_space<hbm>>)
          tpu.yield
        }) : () -> ()
      } else {
      }
    } else {
    }
    return
  }
}

#map = affine_map<(d0, d1) -> (0, 0)>
module attributes {stable_mosaic.version = 14 : i64} {
  func.func @deg_kernel(%arg0: i32, %arg1: i32, %arg2: memref<25088x128xi32, #tpu.memory_space<hbm>>, %arg3: memref<128x16xf32, #tpu.memory_space<hbm>>, %arg4: memref<512x16xf32, #tpu.memory_space<hbm>>, %arg5: memref<100000x16xf32, #tpu.memory_space<hbm>>, %arg6: memref<100000x16xf32, #tpu.memory_space<hbm>>, %arg7: memref<512x16xf32, #tpu.memory_space<vmem>>, %arg8: memref<128x16xf32, #tpu.memory_space<vmem>>, %arg9: memref<8x128xi32, #tpu.memory_space<vmem>>, %arg10: memref<8x128xi32, #tpu.memory_space<vmem>>, %arg11: memref<100256x16xf32, #tpu.memory_space<vmem_shared>>, %arg12: memref<!tpu.dma_semaphore, #tpu.memory_space<semaphore_mem>>, %arg13: memref<!tpu.dma_semaphore, #tpu.memory_space<semaphore_mem>>, %arg14: memref<!tpu.dma_semaphore, #tpu.memory_space<semaphore_mem>>, %arg15: memref<!tpu.dma_semaphore, #tpu.memory_space<semaphore_mem>>) attributes {dimension_semantics = [#tpu.dimension_semantics<core_parallel>, #tpu.dimension_semantics<subcore_parallel>], iteration_bounds = array<i64: 2, 16>, scalar_prefetch = 0 : i64, scratch_operands = 9 : i64, tpu.core_type = #tpu.core_type<sc_vector_subcore>, window_params = [{transform_indices = #map}, {transform_indices = #map}, {transform_indices = #map}, {transform_indices = #map}, {transform_indices = #map}]} {
    "tpu.region"() ({
      %run_scoped3A = tpu.sem_alloc : memref<!tpu.dma_semaphore, #tpu.memory_space<semaphore_mem>>
      tpu.enqueue_dma source(%arg4 : memref<512x16xf32, #tpu.memory_space<hbm>>) target(%arg7 : memref<512x16xf32, #tpu.memory_space<vmem>>) target_semaphore(%run_scoped3A : memref<!tpu.dma_semaphore, #tpu.memory_space<semaphore_mem>>)
      tpu.wait_dma2 semaphore(%run_scoped3A : memref<!tpu.dma_semaphore, #tpu.memory_space<semaphore_mem>>) src(%arg4 : memref<512x16xf32, #tpu.memory_space<hbm>>) dst(%arg7 : memref<512x16xf32, #tpu.memory_space<vmem>>)
      tpu.yield
    }) : () -> ()
    "tpu.region"() ({
      %run_scoped3A = tpu.sem_alloc : memref<!tpu.dma_semaphore, #tpu.memory_space<semaphore_mem>>
      tpu.enqueue_dma source(%arg3 : memref<128x16xf32, #tpu.memory_space<hbm>>) target(%arg8 : memref<128x16xf32, #tpu.memory_space<vmem>>) target_semaphore(%run_scoped3A : memref<!tpu.dma_semaphore, #tpu.memory_space<semaphore_mem>>)
      tpu.wait_dma2 semaphore(%run_scoped3A : memref<!tpu.dma_semaphore, #tpu.memory_space<semaphore_mem>>) src(%arg3 : memref<128x16xf32, #tpu.memory_space<hbm>>) dst(%arg8 : memref<128x16xf32, #tpu.memory_space<vmem>>)
      tpu.yield
    }) : () -> ()
    %mul3A = arith.constant 6266 : i32
    %mul3A_0 = arith.muli %arg1, %mul3A : i32
    %scan3A = arith.constant 0 : i32
    %scan3A_1 = arith.constant 12 : i32
    %scan3A_2 = arith.addi %scan3A, %scan3A_1 : i32
    %scan3A_3 = arith.constant 1 : i32
    scf.for %scan3A_40 = %scan3A to %scan3A_2 step %scan3A_3  : i32 {
      %mul3A_41 = arith.constant 1 : i32
      %mul3A_42 = arith.muli %scan3A_40, %mul3A_41 : i32
      %add3A_43 = arith.constant 0 : i32
      %add3A_44 = arith.addi %add3A_43, %mul3A_42 : i32
      %mul3A_45 = arith.constant 512 : i32
      %mul3A_46 = arith.muli %add3A_44, %mul3A_45 : i32
      %add3A_47 = arith.addi %mul3A_0, %mul3A_46 : i32
      "tpu.region"() ({
        %run_scoped3A = tpu.sem_alloc : memref<!tpu.dma_semaphore, #tpu.memory_space<semaphore_mem>>
        %dma_start3A_48 = arith.constant 0 : i32
        %dma_start3A_49 = tpu.memref_slice %arg11[%add3A_47, %dma_start3A_48] : memref<100256x16xf32, #tpu.memory_space<vmem_shared>> -> memref<512x16xf32, #tpu.memory_space<vmem_shared>>
        %dma_start3A_50 = arith.constant 0 : i32
        %dma_start3A_51 = tpu.memref_slice %arg11[%add3A_47, %dma_start3A_50] : memref<100256x16xf32, #tpu.memory_space<vmem_shared>> -> memref<512x16xf32, #tpu.memory_space<vmem_shared>>
        tpu.enqueue_dma source(%arg7 : memref<512x16xf32, #tpu.memory_space<vmem>>) target(%dma_start3A_51 : memref<512x16xf32, #tpu.memory_space<vmem_shared>>) target_semaphore(%run_scoped3A : memref<!tpu.dma_semaphore, #tpu.memory_space<semaphore_mem>>)
        %dma_wait3A = arith.constant 0 : i32
        %dma_wait3A_52 = tpu.memref_slice %arg11[%add3A_47, %dma_wait3A] : memref<100256x16xf32, #tpu.memory_space<vmem_shared>> -> memref<512x16xf32, #tpu.memory_space<vmem_shared>>
        %dma_wait3A_53 = arith.constant 0 : i32
        %dma_wait3A_54 = tpu.memref_slice %arg11[%add3A_47, %dma_wait3A_53] : memref<100256x16xf32, #tpu.memory_space<vmem_shared>> -> memref<512x16xf32, #tpu.memory_space<vmem_shared>>
        tpu.wait_dma2 semaphore(%run_scoped3A : memref<!tpu.dma_semaphore, #tpu.memory_space<semaphore_mem>>) src(%arg7 : memref<512x16xf32, #tpu.memory_space<vmem>>) dst(%dma_wait3A_54 : memref<512x16xf32, #tpu.memory_space<vmem_shared>>)
        tpu.yield
      }) : () -> ()
    }
    %scan3A_4 = arith.constant 12 : i32
    %add3A = arith.constant 6266 : i32
    %add3A_5 = arith.addi %mul3A_0, %add3A : i32
    %sub3A = arith.constant 512 : i32
    %sub3A_6 = arith.subi %add3A_5, %sub3A : i32
    "tpu.region"() ({
      %run_scoped3A = tpu.sem_alloc : memref<!tpu.dma_semaphore, #tpu.memory_space<semaphore_mem>>
      %dma_start3A_40 = arith.constant 0 : i32
      %dma_start3A_41 = tpu.memref_slice %arg11[%sub3A_6, %dma_start3A_40] : memref<100256x16xf32, #tpu.memory_space<vmem_shared>> -> memref<512x16xf32, #tpu.memory_space<vmem_shared>>
      %dma_start3A_42 = arith.constant 0 : i32
      %dma_start3A_43 = tpu.memref_slice %arg11[%sub3A_6, %dma_start3A_42] : memref<100256x16xf32, #tpu.memory_space<vmem_shared>> -> memref<512x16xf32, #tpu.memory_space<vmem_shared>>
      tpu.enqueue_dma source(%arg7 : memref<512x16xf32, #tpu.memory_space<vmem>>) target(%dma_start3A_43 : memref<512x16xf32, #tpu.memory_space<vmem_shared>>) target_semaphore(%run_scoped3A : memref<!tpu.dma_semaphore, #tpu.memory_space<semaphore_mem>>)
      %dma_wait3A = arith.constant 0 : i32
      %dma_wait3A_44 = tpu.memref_slice %arg11[%sub3A_6, %dma_wait3A] : memref<100256x16xf32, #tpu.memory_space<vmem_shared>> -> memref<512x16xf32, #tpu.memory_space<vmem_shared>>
      %dma_wait3A_45 = arith.constant 0 : i32
      %dma_wait3A_46 = tpu.memref_slice %arg11[%sub3A_6, %dma_wait3A_45] : memref<100256x16xf32, #tpu.memory_space<vmem_shared>> -> memref<512x16xf32, #tpu.memory_space<vmem_shared>>
      tpu.wait_dma2 semaphore(%run_scoped3A : memref<!tpu.dma_semaphore, #tpu.memory_space<semaphore_mem>>) src(%arg7 : memref<512x16xf32, #tpu.memory_space<vmem>>) dst(%dma_wait3A_46 : memref<512x16xf32, #tpu.memory_space<vmem_shared>>)
      tpu.yield
    }) : () -> ()
    %barrier3A = arith.constant 0 : index
    tpu.barrier barrier_id(%barrier3A)
    %mul3A_7 = arith.constant 16 : i32
    %mul3A_8 = arith.muli %arg0, %mul3A_7 : i32
    %add3A_9 = arith.addi %mul3A_8, %arg1 : i32
    %mul3A_10 = arith.constant 392 : i32
    %mul3A_11 = arith.muli %add3A_9, %mul3A_10 : i32
    %add3A_12 = arith.constant 0 : i32
    %add3A_13 = arith.addi %mul3A_11, %add3A_12 : i32
    %mul3A_14 = arith.constant 2 : i32
    %mul3A_15 = arith.muli %mul3A_14, %add3A_13 : i32
    %dma_start3A = arith.constant 0 : i32
    %dma_start3A_16 = tpu.memref_slice %arg2[%mul3A_15, %dma_start3A] : memref<25088x128xi32, #tpu.memory_space<hbm>> -> memref<8x128xi32, #tpu.memory_space<hbm>>
    %dma_start3A_17 = arith.constant 0 : i32
    %dma_start3A_18 = tpu.memref_slice %arg2[%mul3A_15, %dma_start3A_17] : memref<25088x128xi32, #tpu.memory_space<hbm>> -> memref<8x128xi32, #tpu.memory_space<hbm>>
    tpu.enqueue_dma source(%dma_start3A_18 : memref<8x128xi32, #tpu.memory_space<hbm>>) target(%arg9 : memref<8x128xi32, #tpu.memory_space<vmem>>) target_semaphore(%arg12 : memref<!tpu.dma_semaphore, #tpu.memory_space<semaphore_mem>>)
    %add3A_19 = arith.constant 4 : i32
    %add3A_20 = arith.addi %mul3A_11, %add3A_19 : i32
    %mul3A_21 = arith.constant 2 : i32
    %mul3A_22 = arith.muli %mul3A_21, %add3A_20 : i32
    %dma_start3A_23 = arith.constant 0 : i32
    %dma_start3A_24 = tpu.memref_slice %arg2[%mul3A_22, %dma_start3A_23] : memref<25088x128xi32, #tpu.memory_space<hbm>> -> memref<8x128xi32, #tpu.memory_space<hbm>>
    %dma_start3A_25 = arith.constant 0 : i32
    %dma_start3A_26 = tpu.memref_slice %arg2[%mul3A_22, %dma_start3A_25] : memref<25088x128xi32, #tpu.memory_space<hbm>> -> memref<8x128xi32, #tpu.memory_space<hbm>>
    tpu.enqueue_dma source(%dma_start3A_26 : memref<8x128xi32, #tpu.memory_space<hbm>>) target(%arg10 : memref<8x128xi32, #tpu.memory_space<vmem>>) target_semaphore(%arg13 : memref<!tpu.dma_semaphore, #tpu.memory_space<semaphore_mem>>)
    %scan3A_27 = arith.constant 0 : i32
    %scan3A_28 = arith.constant 49 : i32
    %scan3A_29 = arith.addi %scan3A_27, %scan3A_28 : i32
    %scan3A_30 = arith.constant 1 : i32
    scf.for %scan3A_40 = %scan3A_27 to %scan3A_29 step %scan3A_30  : i32 {
      %mul3A_41 = arith.constant 1 : i32
      %mul3A_42 = arith.muli %scan3A_40, %mul3A_41 : i32
      %add3A_43 = arith.constant 0 : i32
      %add3A_44 = arith.addi %add3A_43, %mul3A_42 : i32
      %mul3A_45 = arith.constant 2 : i32
      %mul3A_46 = arith.muli %mul3A_45, %add3A_44 : i32
      %mul3A_47 = arith.constant 4 : i32
      %mul3A_48 = arith.muli %mul3A_46, %mul3A_47 : i32
      %add3A_49 = arith.addi %mul3A_11, %mul3A_48 : i32
      %mul3A_50 = arith.constant 2 : i32
      %mul3A_51 = arith.muli %mul3A_50, %add3A_49 : i32
      %dma_wait3A = arith.constant 0 : i32
      %dma_wait3A_52 = tpu.memref_slice %arg2[%mul3A_51, %dma_wait3A] : memref<25088x128xi32, #tpu.memory_space<hbm>> -> memref<8x128xi32, #tpu.memory_space<hbm>>
      %dma_wait3A_53 = arith.constant 0 : i32
      %dma_wait3A_54 = tpu.memref_slice %arg2[%mul3A_51, %dma_wait3A_53] : memref<25088x128xi32, #tpu.memory_space<hbm>> -> memref<8x128xi32, #tpu.memory_space<hbm>>
      tpu.wait_dma2 semaphore(%arg12 : memref<!tpu.dma_semaphore, #tpu.memory_space<semaphore_mem>>) src(%dma_wait3A_54 : memref<8x128xi32, #tpu.memory_space<hbm>>) dst(%arg9 : memref<8x128xi32, #tpu.memory_space<vmem>>)
      %scan3A_55 = arith.constant 0 : i32
      %scan3A_56 = arith.constant 4 : i32
      %scan3A_57 = arith.addi %scan3A_55, %scan3A_56 : i32
      %scan3A_58 = arith.constant 1 : i32
      scf.for %scan3A_101 = %scan3A_55 to %scan3A_57 step %scan3A_58  : i32 {
        %mul3A_102 = arith.constant 1 : i32
        %mul3A_103 = arith.muli %scan3A_101, %mul3A_102 : i32
        %add3A_104 = arith.constant 0 : i32
        %add3A_105 = arith.addi %add3A_104, %mul3A_103 : i32
        %mul3A_106 = arith.constant 2 : i32
        %mul3A_107 = arith.muli %mul3A_106, %add3A_105 : i32
        %add3A_108 = arith.constant 1 : i32
        %add3A_109 = arith.addi %mul3A_107, %add3A_108 : i32
        %dma_start3A_110 = arith.constant 0 : i32
        %dma_start3A_111 = tpu.memref_slice %arg9[%add3A_109, %dma_start3A_110] : memref<8x128xi32, #tpu.memory_space<vmem>> -> memref<1x128xi32, #tpu.memory_space<vmem>>
        %dma_start3A_112 = tpu.memref_squeeze %dma_start3A_111 : memref<1x128xi32, #tpu.memory_space<vmem>> -> memref<128xi32, #tpu.memory_space<vmem>>
        %dma_start3A_113 = arith.constant 0 : i32
        %dma_start3A_114 = arith.constant 0 : i32
        %dma_start3A_115 = tpu.memref_slice %arg11[%dma_start3A_113, %dma_start3A_114] : memref<100256x16xf32, #tpu.memory_space<vmem_shared>> -> memref<100256x16xf32, #tpu.memory_space<vmem_shared>>
        tpu.enqueue_indirect_dma source(%arg8 : memref<128x16xf32, #tpu.memory_space<vmem>>) target(%dma_start3A_115 : memref<100256x16xf32, #tpu.memory_space<vmem_shared>>) offsets(%dma_start3A_112 : memref<128xi32, #tpu.memory_space<vmem>>) semaphore(%arg14 : memref<!tpu.dma_semaphore, #tpu.memory_space<semaphore_mem>>) {add = true}
      }
      %scan3A_59 = arith.constant 4 : i32
      %scan3A_60 = arith.constant 0 : i32
      %scan3A_61 = arith.constant 4 : i32
      %scan3A_62 = arith.addi %scan3A_60, %scan3A_61 : i32
      %scan3A_63 = arith.constant 1 : i32
      scf.for %scan3A_101 = %scan3A_60 to %scan3A_62 step %scan3A_63  : i32 {
        %mul3A_102 = arith.constant 1 : i32
        %mul3A_103 = arith.muli %scan3A_101, %mul3A_102 : i32
        %add3A_104 = arith.constant 0 : i32
        %add3A_105 = arith.addi %add3A_104, %mul3A_103 : i32
        %mul3A_106 = arith.constant 2 : i32
        %mul3A_107 = arith.muli %mul3A_106, %add3A_105 : i32
        %add3A_108 = arith.constant 1 : i32
        %add3A_109 = arith.addi %mul3A_107, %add3A_108 : i32
        %dma_wait3A_110 = arith.constant 0 : i32
        %dma_wait3A_111 = tpu.memref_slice %arg9[%add3A_109, %dma_wait3A_110] : memref<8x128xi32, #tpu.memory_space<vmem>> -> memref<1x128xi32, #tpu.memory_space<vmem>>
        %dma_wait3A_112 = tpu.memref_squeeze %dma_wait3A_111 : memref<1x128xi32, #tpu.memory_space<vmem>> -> memref<128xi32, #tpu.memory_space<vmem>>
        %dma_wait3A_113 = arith.constant 0 : i32
        %dma_wait3A_114 = arith.constant 0 : i32
        %dma_wait3A_115 = tpu.memref_slice %arg11[%dma_wait3A_113, %dma_wait3A_114] : memref<100256x16xf32, #tpu.memory_space<vmem_shared>> -> memref<100256x16xf32, #tpu.memory_space<vmem_shared>>
        tpu.wait_indirect_dma semaphore(%arg14 : memref<!tpu.dma_semaphore, #tpu.memory_space<semaphore_mem>>) src(%arg8 : memref<128x16xf32, #tpu.memory_space<vmem>>) dst(%dma_wait3A_115 : memref<100256x16xf32, #tpu.memory_space<vmem_shared>>)
      }
      %scan3A_64 = arith.constant 4 : i32
      %add3A_65 = arith.constant 2 : i32
      %add3A_66 = arith.addi %mul3A_46, %add3A_65 : i32
      %lt3A = arith.constant 98 : i32
      %lt3A_67 = arith.cmpi slt, %add3A_66, %lt3A : i32
      %convert_element_type3A_68 = arith.extui %lt3A_67 : i1 to i32
      %cond3A_69 = arith.constant 0 : i32
      %cond3A_70 = arith.cmpi ne, %convert_element_type3A_68, %cond3A_69 : i32
      scf.if %cond3A_70 {
        %add3A_101 = arith.constant 2 : i32
        %add3A_102 = arith.addi %mul3A_46, %add3A_101 : i32
        %mul3A_103 = arith.constant 4 : i32
        %mul3A_104 = arith.muli %add3A_102, %mul3A_103 : i32
        %add3A_105 = arith.addi %mul3A_11, %mul3A_104 : i32
        %mul3A_106 = arith.constant 2 : i32
        %mul3A_107 = arith.muli %mul3A_106, %add3A_105 : i32
        %dma_start3A_108 = arith.constant 0 : i32
        %dma_start3A_109 = tpu.memref_slice %arg2[%mul3A_107, %dma_start3A_108] : memref<25088x128xi32, #tpu.memory_space<hbm>> -> memref<8x128xi32, #tpu.memory_space<hbm>>
        %dma_start3A_110 = arith.constant 0 : i32
        %dma_start3A_111 = tpu.memref_slice %arg2[%mul3A_107, %dma_start3A_110] : memref<25088x128xi32, #tpu.memory_space<hbm>> -> memref<8x128xi32, #tpu.memory_space<hbm>>
        tpu.enqueue_dma source(%dma_start3A_111 : memref<8x128xi32, #tpu.memory_space<hbm>>) target(%arg9 : memref<8x128xi32, #tpu.memory_space<vmem>>) target_semaphore(%arg12 : memref<!tpu.dma_semaphore, #tpu.memory_space<semaphore_mem>>)
      } else {
      }
      %mul3A_71 = arith.constant 2 : i32
      %mul3A_72 = arith.muli %mul3A_71, %add3A_44 : i32
      %add3A_73 = arith.constant 1 : i32
      %add3A_74 = arith.addi %mul3A_72, %add3A_73 : i32
      %mul3A_75 = arith.constant 4 : i32
      %mul3A_76 = arith.muli %add3A_74, %mul3A_75 : i32
      %add3A_77 = arith.addi %mul3A_11, %mul3A_76 : i32
      %mul3A_78 = arith.constant 2 : i32
      %mul3A_79 = arith.muli %mul3A_78, %add3A_77 : i32
      %dma_wait3A_80 = arith.constant 0 : i32
      %dma_wait3A_81 = tpu.memref_slice %arg2[%mul3A_79, %dma_wait3A_80] : memref<25088x128xi32, #tpu.memory_space<hbm>> -> memref<8x128xi32, #tpu.memory_space<hbm>>
      %dma_wait3A_82 = arith.constant 0 : i32
      %dma_wait3A_83 = tpu.memref_slice %arg2[%mul3A_79, %dma_wait3A_82] : memref<25088x128xi32, #tpu.memory_space<hbm>> -> memref<8x128xi32, #tpu.memory_space<hbm>>
      tpu.wait_dma2 semaphore(%arg13 : memref<!tpu.dma_semaphore, #tpu.memory_space<semaphore_mem>>) src(%dma_wait3A_83 : memref<8x128xi32, #tpu.memory_space<hbm>>) dst(%arg10 : memref<8x128xi32, #tpu.memory_space<vmem>>)
      %scan3A_84 = arith.constant 0 : i32
      %scan3A_85 = arith.constant 4 : i32
      %scan3A_86 = arith.addi %scan3A_84, %scan3A_85 : i32
      %scan3A_87 = arith.constant 1 : i32
      scf.for %scan3A_101 = %scan3A_84 to %scan3A_86 step %scan3A_87  : i32 {
        %mul3A_102 = arith.constant 1 : i32
        %mul3A_103 = arith.muli %scan3A_101, %mul3A_102 : i32
        %add3A_104 = arith.constant 0 : i32
        %add3A_105 = arith.addi %add3A_104, %mul3A_103 : i32
        %mul3A_106 = arith.constant 2 : i32
        %mul3A_107 = arith.muli %mul3A_106, %add3A_105 : i32
        %add3A_108 = arith.constant 1 : i32
        %add3A_109 = arith.addi %mul3A_107, %add3A_108 : i32
        %dma_start3A_110 = arith.constant 0 : i32
        %dma_start3A_111 = tpu.memref_slice %arg10[%add3A_109, %dma_start3A_110] : memref<8x128xi32, #tpu.memory_space<vmem>> -> memref<1x128xi32, #tpu.memory_space<vmem>>
        %dma_start3A_112 = tpu.memref_squeeze %dma_start3A_111 : memref<1x128xi32, #tpu.memory_space<vmem>> -> memref<128xi32, #tpu.memory_space<vmem>>
        %dma_start3A_113 = arith.constant 0 : i32
        %dma_start3A_114 = arith.constant 0 : i32
        %dma_start3A_115 = tpu.memref_slice %arg11[%dma_start3A_113, %dma_start3A_114] : memref<100256x16xf32, #tpu.memory_space<vmem_shared>> -> memref<100256x16xf32, #tpu.memory_space<vmem_shared>>
        tpu.enqueue_indirect_dma source(%arg8 : memref<128x16xf32, #tpu.memory_space<vmem>>) target(%dma_start3A_115 : memref<100256x16xf32, #tpu.memory_space<vmem_shared>>) offsets(%dma_start3A_112 : memref<128xi32, #tpu.memory_space<vmem>>) semaphore(%arg15 : memref<!tpu.dma_semaphore, #tpu.memory_space<semaphore_mem>>) {add = true}
      }
      %scan3A_88 = arith.constant 4 : i32
      %scan3A_89 = arith.constant 0 : i32
      %scan3A_90 = arith.constant 4 : i32
      %scan3A_91 = arith.addi %scan3A_89, %scan3A_90 : i32
      %scan3A_92 = arith.constant 1 : i32
      scf.for %scan3A_101 = %scan3A_89 to %scan3A_91 step %scan3A_92  : i32 {
        %mul3A_102 = arith.constant 1 : i32
        %mul3A_103 = arith.muli %scan3A_101, %mul3A_102 : i32
        %add3A_104 = arith.constant 0 : i32
        %add3A_105 = arith.addi %add3A_104, %mul3A_103 : i32
        %mul3A_106 = arith.constant 2 : i32
        %mul3A_107 = arith.muli %mul3A_106, %add3A_105 : i32
        %add3A_108 = arith.constant 1 : i32
        %add3A_109 = arith.addi %mul3A_107, %add3A_108 : i32
        %dma_wait3A_110 = arith.constant 0 : i32
        %dma_wait3A_111 = tpu.memref_slice %arg10[%add3A_109, %dma_wait3A_110] : memref<8x128xi32, #tpu.memory_space<vmem>> -> memref<1x128xi32, #tpu.memory_space<vmem>>
        %dma_wait3A_112 = tpu.memref_squeeze %dma_wait3A_111 : memref<1x128xi32, #tpu.memory_space<vmem>> -> memref<128xi32, #tpu.memory_space<vmem>>
        %dma_wait3A_113 = arith.constant 0 : i32
        %dma_wait3A_114 = arith.constant 0 : i32
        %dma_wait3A_115 = tpu.memref_slice %arg11[%dma_wait3A_113, %dma_wait3A_114] : memref<100256x16xf32, #tpu.memory_space<vmem_shared>> -> memref<100256x16xf32, #tpu.memory_space<vmem_shared>>
        tpu.wait_indirect_dma semaphore(%arg15 : memref<!tpu.dma_semaphore, #tpu.memory_space<semaphore_mem>>) src(%arg8 : memref<128x16xf32, #tpu.memory_space<vmem>>) dst(%dma_wait3A_115 : memref<100256x16xf32, #tpu.memory_space<vmem_shared>>)
      }
      %scan3A_93 = arith.constant 4 : i32
      %add3A_94 = arith.constant 2 : i32
      %add3A_95 = arith.addi %add3A_74, %add3A_94 : i32
      %lt3A_96 = arith.constant 98 : i32
      %lt3A_97 = arith.cmpi slt, %add3A_95, %lt3A_96 : i32
      %convert_element_type3A_98 = arith.extui %lt3A_97 : i1 to i32
      %cond3A_99 = arith.constant 0 : i32
      %cond3A_100 = arith.cmpi ne, %convert_element_type3A_98, %cond3A_99 : i32
      scf.if %cond3A_100 {
        %add3A_101 = arith.constant 2 : i32
        %add3A_102 = arith.addi %add3A_74, %add3A_101 : i32
        %mul3A_103 = arith.constant 4 : i32
        %mul3A_104 = arith.muli %add3A_102, %mul3A_103 : i32
        %add3A_105 = arith.addi %mul3A_11, %mul3A_104 : i32
        %mul3A_106 = arith.constant 2 : i32
        %mul3A_107 = arith.muli %mul3A_106, %add3A_105 : i32
        %dma_start3A_108 = arith.constant 0 : i32
        %dma_start3A_109 = tpu.memref_slice %arg2[%mul3A_107, %dma_start3A_108] : memref<25088x128xi32, #tpu.memory_space<hbm>> -> memref<8x128xi32, #tpu.memory_space<hbm>>
        %dma_start3A_110 = arith.constant 0 : i32
        %dma_start3A_111 = tpu.memref_slice %arg2[%mul3A_107, %dma_start3A_110] : memref<25088x128xi32, #tpu.memory_space<hbm>> -> memref<8x128xi32, #tpu.memory_space<hbm>>
        tpu.enqueue_dma source(%dma_start3A_111 : memref<8x128xi32, #tpu.memory_space<hbm>>) target(%arg10 : memref<8x128xi32, #tpu.memory_space<vmem>>) target_semaphore(%arg13 : memref<!tpu.dma_semaphore, #tpu.memory_space<semaphore_mem>>)
      } else {
      }
    }
    %scan3A_31 = arith.constant 49 : i32
    %barrier3A_32 = arith.constant 0 : index
    tpu.barrier barrier_id(%barrier3A_32)
    %eq3A = arith.constant 0 : i32
    %eq3A_33 = arith.cmpi eq, %arg0, %eq3A : i32
    %convert_element_type3A = arith.extui %eq3A_33 : i1 to i32
    %cond3A = arith.constant 0 : i32
    %cond3A_34 = arith.cmpi ne, %convert_element_type3A, %cond3A : i32
    scf.if %cond3A_34 {
      %mul3A_40 = arith.constant 6256 : i32
      %mul3A_41 = arith.muli %arg1, %mul3A_40 : i32
      %multiple_of3A = tpu.assume_multiple %mul3A_41, 8 : i32
      %lt3A = arith.constant 15 : i32
      %lt3A_42 = arith.cmpi slt, %arg1, %lt3A : i32
      %convert_element_type3A_43 = arith.extui %lt3A_42 : i1 to i32
      %cond3A_44 = arith.constant 0 : i32
      %cond3A_45 = arith.cmpi ne, %convert_element_type3A_43, %cond3A_44 : i32
      scf.if %cond3A_45 {
        "tpu.region"() ({
          %run_scoped3A = tpu.sem_alloc : memref<!tpu.dma_semaphore, #tpu.memory_space<semaphore_mem>>
          %dma_start3A_51 = arith.constant 0 : i32
          %dma_start3A_52 = tpu.memref_slice %arg5[%multiple_of3A, %dma_start3A_51] : memref<100000x16xf32, #tpu.memory_space<hbm>> -> memref<6256x16xf32, #tpu.memory_space<hbm>>
          %dma_start3A_53 = arith.constant 0 : i32
          %dma_start3A_54 = tpu.memref_slice %arg11[%multiple_of3A, %dma_start3A_53] : memref<100256x16xf32, #tpu.memory_space<vmem_shared>> -> memref<6256x16xf32, #tpu.memory_space<vmem_shared>>
          tpu.enqueue_dma source(%dma_start3A_54 : memref<6256x16xf32, #tpu.memory_space<vmem_shared>>) target(%dma_start3A_52 : memref<6256x16xf32, #tpu.memory_space<hbm>>) target_semaphore(%run_scoped3A : memref<!tpu.dma_semaphore, #tpu.memory_space<semaphore_mem>>)
          %dma_wait3A = arith.constant 0 : i32
          %dma_wait3A_55 = tpu.memref_slice %arg5[%multiple_of3A, %dma_wait3A] : memref<100000x16xf32, #tpu.memory_space<hbm>> -> memref<6256x16xf32, #tpu.memory_space<hbm>>
          %dma_wait3A_56 = arith.constant 0 : i32
          %dma_wait3A_57 = tpu.memref_slice %arg11[%multiple_of3A, %dma_wait3A_56] : memref<100256x16xf32, #tpu.memory_space<vmem_shared>> -> memref<6256x16xf32, #tpu.memory_space<vmem_shared>>
          tpu.wait_dma2 semaphore(%run_scoped3A : memref<!tpu.dma_semaphore, #tpu.memory_space<semaphore_mem>>) src(%dma_wait3A_57 : memref<6256x16xf32, #tpu.memory_space<vmem_shared>>) dst(%dma_wait3A_55 : memref<6256x16xf32, #tpu.memory_space<hbm>>)
          tpu.yield
        }) : () -> ()
      } else {
      }
      %eq3A_46 = arith.constant 15 : i32
      %eq3A_47 = arith.cmpi eq, %arg1, %eq3A_46 : i32
      %convert_element_type3A_48 = arith.extui %eq3A_47 : i1 to i32
      %cond3A_49 = arith.constant 0 : i32
      %cond3A_50 = arith.cmpi ne, %convert_element_type3A_48, %cond3A_49 : i32
      scf.if %cond3A_50 {
        "tpu.region"() ({
          %run_scoped3A = tpu.sem_alloc : memref<!tpu.dma_semaphore, #tpu.memory_space<semaphore_mem>>
          %dma_start3A_51 = arith.constant 0 : i32
          %dma_start3A_52 = tpu.memref_slice %arg5[%multiple_of3A, %dma_start3A_51] : memref<100000x16xf32, #tpu.memory_space<hbm>> -> memref<6160x16xf32, #tpu.memory_space<hbm>>
          %dma_start3A_53 = arith.constant 0 : i32
          %dma_start3A_54 = tpu.memref_slice %arg11[%multiple_of3A, %dma_start3A_53] : memref<100256x16xf32, #tpu.memory_space<vmem_shared>> -> memref<6160x16xf32, #tpu.memory_space<vmem_shared>>
          tpu.enqueue_dma source(%dma_start3A_54 : memref<6160x16xf32, #tpu.memory_space<vmem_shared>>) target(%dma_start3A_52 : memref<6160x16xf32, #tpu.memory_space<hbm>>) target_semaphore(%run_scoped3A : memref<!tpu.dma_semaphore, #tpu.memory_space<semaphore_mem>>)
          %dma_wait3A = arith.constant 0 : i32
          %dma_wait3A_55 = tpu.memref_slice %arg5[%multiple_of3A, %dma_wait3A] : memref<100000x16xf32, #tpu.memory_space<hbm>> -> memref<6160x16xf32, #tpu.memory_space<hbm>>
          %dma_wait3A_56 = arith.constant 0 : i32
          %dma_wait3A_57 = tpu.memref_slice %arg11[%multiple_of3A, %dma_wait3A_56] : memref<100256x16xf32, #tpu.memory_space<vmem_shared>> -> memref<6160x16xf32, #tpu.memory_space<vmem_shared>>
          tpu.wait_dma2 semaphore(%run_scoped3A : memref<!tpu.dma_semaphore, #tpu.memory_space<semaphore_mem>>) src(%dma_wait3A_57 : memref<6160x16xf32, #tpu.memory_space<vmem_shared>>) dst(%dma_wait3A_55 : memref<6160x16xf32, #tpu.memory_space<hbm>>)
          tpu.yield
        }) : () -> ()
      } else {
      }
    } else {
    }
    %eq3A_35 = arith.constant 1 : i32
    %eq3A_36 = arith.cmpi eq, %arg0, %eq3A_35 : i32
    %convert_element_type3A_37 = arith.extui %eq3A_36 : i1 to i32
    %cond3A_38 = arith.constant 0 : i32
    %cond3A_39 = arith.cmpi ne, %convert_element_type3A_37, %cond3A_38 : i32
    scf.if %cond3A_39 {
      %mul3A_40 = arith.constant 6256 : i32
      %mul3A_41 = arith.muli %arg1, %mul3A_40 : i32
      %multiple_of3A = tpu.assume_multiple %mul3A_41, 8 : i32
      %lt3A = arith.constant 15 : i32
      %lt3A_42 = arith.cmpi slt, %arg1, %lt3A : i32
      %convert_element_type3A_43 = arith.extui %lt3A_42 : i1 to i32
      %cond3A_44 = arith.constant 0 : i32
      %cond3A_45 = arith.cmpi ne, %convert_element_type3A_43, %cond3A_44 : i32
      scf.if %cond3A_45 {
        "tpu.region"() ({
          %run_scoped3A = tpu.sem_alloc : memref<!tpu.dma_semaphore, #tpu.memory_space<semaphore_mem>>
          %dma_start3A_51 = arith.constant 0 : i32
          %dma_start3A_52 = tpu.memref_slice %arg6[%multiple_of3A, %dma_start3A_51] : memref<100000x16xf32, #tpu.memory_space<hbm>> -> memref<6256x16xf32, #tpu.memory_space<hbm>>
          %dma_start3A_53 = arith.constant 0 : i32
          %dma_start3A_54 = tpu.memref_slice %arg11[%multiple_of3A, %dma_start3A_53] : memref<100256x16xf32, #tpu.memory_space<vmem_shared>> -> memref<6256x16xf32, #tpu.memory_space<vmem_shared>>
          tpu.enqueue_dma source(%dma_start3A_54 : memref<6256x16xf32, #tpu.memory_space<vmem_shared>>) target(%dma_start3A_52 : memref<6256x16xf32, #tpu.memory_space<hbm>>) target_semaphore(%run_scoped3A : memref<!tpu.dma_semaphore, #tpu.memory_space<semaphore_mem>>)
          %dma_wait3A = arith.constant 0 : i32
          %dma_wait3A_55 = tpu.memref_slice %arg6[%multiple_of3A, %dma_wait3A] : memref<100000x16xf32, #tpu.memory_space<hbm>> -> memref<6256x16xf32, #tpu.memory_space<hbm>>
          %dma_wait3A_56 = arith.constant 0 : i32
          %dma_wait3A_57 = tpu.memref_slice %arg11[%multiple_of3A, %dma_wait3A_56] : memref<100256x16xf32, #tpu.memory_space<vmem_shared>> -> memref<6256x16xf32, #tpu.memory_space<vmem_shared>>
          tpu.wait_dma2 semaphore(%run_scoped3A : memref<!tpu.dma_semaphore, #tpu.memory_space<semaphore_mem>>) src(%dma_wait3A_57 : memref<6256x16xf32, #tpu.memory_space<vmem_shared>>) dst(%dma_wait3A_55 : memref<6256x16xf32, #tpu.memory_space<hbm>>)
          tpu.yield
        }) : () -> ()
      } else {
      }
      %eq3A_46 = arith.constant 15 : i32
      %eq3A_47 = arith.cmpi eq, %arg1, %eq3A_46 : i32
      %convert_element_type3A_48 = arith.extui %eq3A_47 : i1 to i32
      %cond3A_49 = arith.constant 0 : i32
      %cond3A_50 = arith.cmpi ne, %convert_element_type3A_48, %cond3A_49 : i32
      scf.if %cond3A_50 {
        "tpu.region"() ({
          %run_scoped3A = tpu.sem_alloc : memref<!tpu.dma_semaphore, #tpu.memory_space<semaphore_mem>>
          %dma_start3A_51 = arith.constant 0 : i32
          %dma_start3A_52 = tpu.memref_slice %arg6[%multiple_of3A, %dma_start3A_51] : memref<100000x16xf32, #tpu.memory_space<hbm>> -> memref<6160x16xf32, #tpu.memory_space<hbm>>
          %dma_start3A_53 = arith.constant 0 : i32
          %dma_start3A_54 = tpu.memref_slice %arg11[%multiple_of3A, %dma_start3A_53] : memref<100256x16xf32, #tpu.memory_space<vmem_shared>> -> memref<6160x16xf32, #tpu.memory_space<vmem_shared>>
          tpu.enqueue_dma source(%dma_start3A_54 : memref<6160x16xf32, #tpu.memory_space<vmem_shared>>) target(%dma_start3A_52 : memref<6160x16xf32, #tpu.memory_space<hbm>>) target_semaphore(%run_scoped3A : memref<!tpu.dma_semaphore, #tpu.memory_space<semaphore_mem>>)
          %dma_wait3A = arith.constant 0 : i32
          %dma_wait3A_55 = tpu.memref_slice %arg6[%multiple_of3A, %dma_wait3A] : memref<100000x16xf32, #tpu.memory_space<hbm>> -> memref<6160x16xf32, #tpu.memory_space<hbm>>
          %dma_wait3A_56 = arith.constant 0 : i32
          %dma_wait3A_57 = tpu.memref_slice %arg11[%multiple_of3A, %dma_wait3A_56] : memref<100256x16xf32, #tpu.memory_space<vmem_shared>> -> memref<6160x16xf32, #tpu.memory_space<vmem_shared>>
          tpu.wait_dma2 semaphore(%run_scoped3A : memref<!tpu.dma_semaphore, #tpu.memory_space<semaphore_mem>>) src(%dma_wait3A_57 : memref<6160x16xf32, #tpu.memory_space<vmem_shared>>) dst(%dma_wait3A_55 : memref<6160x16xf32, #tpu.memory_space<hbm>>)
          tpu.yield
        }) : () -> ()
      } else {
      }
    } else {
    }
    return
  }
}

module attributes {stable_mosaic.version = 14 : i64} {
  func.func @body(%arg0: i32, %arg1: memref<1x500x1024xf32, #tpu.memory_space<vmem>>, %arg2: memref<1024x128xf32, #tpu.memory_space<vmem>>, %arg3: memref<1x500x128xf32, #tpu.memory_space<vmem>>) attributes {dimension_semantics = [#tpu.dimension_semantics<arbitrary>], iteration_bounds = array<i64: 25>, scalar_prefetch = 0 : i64, scratch_operands = 0 : i64, tpu.core_type = #tpu.core_type<tc>, window_params = [{transform_indices = @transform_0, window_bounds = array<i64: 1, 500, 1024>}, {pipeline_mode = #tpu.pipeline_mode<synchronous>, transform_indices = @transform_1, window_bounds = array<i64: 1024, 128>}, {transform_indices = @transform_2, window_bounds = array<i64: 1, 500, 128>}]} {
    %get3A = arith.constant 0 : index
    %get3A_0 = arith.constant 0 : index
    %get3A_1 = arith.constant 0 : index
    %get3A_2 = vector.load %arg1[%get3A, %get3A_0, %get3A_1] : memref<1x500x1024xf32, #tpu.memory_space<vmem>>, vector<1x500x1024xf32>
    %get3A_3 = vector.shape_cast %get3A_2 : vector<1x500x1024xf32> to vector<500x1024xf32>
    %get3A_4 = arith.constant 0 : index
    %get3A_5 = arith.constant 0 : index
    %get3A_6 = vector.load %arg2[%get3A_4, %get3A_5] : memref<1024x128xf32, #tpu.memory_space<vmem>>, vector<1024x128xf32>
    %dot_general3A = arith.constant dense<0.000000e+00> : vector<500x128xf32>
    %dot_general3A_7 = tpu.matmul %get3A_3, %get3A_6, %dot_general3A {dimension_numbers = #tpu.dot_dimension_numbers<[1], [0], [0], [1], [0, 0, 1, 1], [], []>, precision = #tpu.contract_precision<fp32>, transpose_lhs_hint = false} : vector<500x1024xf32>, vector<1024x128xf32>, vector<500x128xf32> -> vector<500x128xf32>
    %swap3A = arith.constant 0 : index
    %swap3A_8 = arith.constant 0 : index
    %swap3A_9 = arith.constant 0 : index
    %swap3A_10 = vector.load %arg3[%swap3A, %swap3A_8, %swap3A_9] : memref<1x500x128xf32, #tpu.memory_space<vmem>>, vector<1x500x128xf32>
    %swap3A_11 = vector.shape_cast %swap3A_10 : vector<1x500x128xf32> to vector<500x128xf32>
    %swap3A_12 = vector.shape_cast %dot_general3A_7 : vector<500x128xf32> to vector<1x500x128xf32>
    tpu.vector_store %arg3[%swap3A, %swap3A_8, %swap3A_9], %swap3A_12 {strides = array<i32>} : memref<1x500x128xf32, #tpu.memory_space<vmem>>, vector<1x500x128xf32>,
    return
  }
  func.func @transform_0(%arg0: i32) -> (i32, i32, i32) {
    %c0_i32 = arith.constant 0 : i32
    %c0_i32_0 = arith.constant 0 : i32
    %c0_i32_1 = arith.constant 0 : i32
    return %arg0, %c0_i32, %c0_i32_0 : i32, i32, i32
  }
  func.func @transform_1(%arg0: i32) -> (i32, i32) {
    %c0_i32 = arith.constant 0 : i32
    %c0_i32_0 = arith.constant 0 : i32
    %c0_i32_1 = arith.constant 0 : i32
    return %c0_i32, %c0_i32_0 : i32, i32
  }
  func.func @transform_2(%arg0: i32) -> (i32, i32, i32) {
    %c0_i32 = arith.constant 0 : i32
    %c0_i32_0 = arith.constant 0 : i32
    %c0_i32_1 = arith.constant 0 : i32
    return %arg0, %c0_i32, %c0_i32_0 : i32, i32, i32
  }
}

module attributes {stable_mosaic.version = 14 : i64} {
  func.func @body(%arg0: i32, %arg1: memref<1x500x128xf32, #tpu.memory_space<vmem>>, %arg2: memref<1x500x128xf32, #tpu.memory_space<vmem>>, %arg3: memref<1x500x128xf32, #tpu.memory_space<vmem>>, %arg4: memref<1x500x128xf32, #tpu.memory_space<vmem>>, %arg5: memref<1x500x128xf32, #tpu.memory_space<vmem>>) attributes {dimension_semantics = [#tpu.dimension_semantics<arbitrary>], iteration_bounds = array<i64: 25>, scalar_prefetch = 0 : i64, scratch_operands = 0 : i64, tpu.core_type = #tpu.core_type<tc>, window_params = [{transform_indices = @transform_0, window_bounds = array<i64: 1, 500, 128>}, {transform_indices = @transform_1, window_bounds = array<i64: 1, 500, 128>}, {transform_indices = @transform_2, window_bounds = array<i64: 1, 500, 128>}, {transform_indices = @transform_3, window_bounds = array<i64: 1, 500, 128>}, {transform_indices = @transform_4, window_bounds = array<i64: 1, 500, 128>}]} {
    %get3A = arith.constant 0 : index
    %get3A_0 = arith.constant 0 : index
    %get3A_1 = arith.constant 0 : index
    %get3A_2 = vector.load %arg2[%get3A, %get3A_0, %get3A_1] : memref<1x500x128xf32, #tpu.memory_space<vmem>>, vector<1x500x128xf32>
    %get3A_3 = arith.constant 0 : index
    %get3A_4 = arith.constant 0 : index
    %get3A_5 = arith.constant 0 : index
    %get3A_6 = vector.load %arg3[%get3A_3, %get3A_4, %get3A_5] : memref<1x500x128xf32, #tpu.memory_space<vmem>>, vector<1x500x128xf32>
    %add3A = arith.addf %get3A_2, %get3A_6 : vector<1x500x128xf32>
    %add3A_7 = arith.constant 1.000000e+00 : f32
    %add3A_8 = vector.broadcast %add3A_7 : f32 to vector<1x500x128xf32>
    %add3A_9 = arith.addf %add3A, %add3A_8 : vector<1x500x128xf32>
    %rsqrt3A = math.rsqrt %add3A_9 : vector<1x500x128xf32>
    %get3A_10 = arith.constant 0 : index
    %get3A_11 = arith.constant 0 : index
    %get3A_12 = arith.constant 0 : index
    %get3A_13 = vector.load %arg1[%get3A_10, %get3A_11, %get3A_12] : memref<1x500x128xf32, #tpu.memory_space<vmem>>, vector<1x500x128xf32>
    %mul3A = arith.mulf %get3A_13, %rsqrt3A : vector<1x500x128xf32>
    %swap3A = arith.constant 0 : index
    %swap3A_14 = arith.constant 0 : index
    %swap3A_15 = arith.constant 0 : index
    %swap3A_16 = vector.load %arg4[%swap3A, %swap3A_14, %swap3A_15] : memref<1x500x128xf32, #tpu.memory_space<vmem>>, vector<1x500x128xf32>
    tpu.vector_store %arg4[%swap3A, %swap3A_14, %swap3A_15], %mul3A {strides = array<i32>} : memref<1x500x128xf32, #tpu.memory_space<vmem>>, vector<1x500x128xf32>,
    %swap3A_17 = arith.constant 0 : index
    %swap3A_18 = arith.constant 0 : index
    %swap3A_19 = arith.constant 0 : index
    %swap3A_20 = vector.load %arg5[%swap3A_17, %swap3A_18, %swap3A_19] : memref<1x500x128xf32, #tpu.memory_space<vmem>>, vector<1x500x128xf32>
    tpu.vector_store %arg5[%swap3A_17, %swap3A_18, %swap3A_19], %rsqrt3A {strides = array<i32>} : memref<1x500x128xf32, #tpu.memory_space<vmem>>, vector<1x500x128xf32>,
    return
  }
  func.func @transform_0(%arg0: i32) -> (i32, i32, i32) {
    %c0_i32 = arith.constant 0 : i32
    %c0_i32_0 = arith.constant 0 : i32
    %c0_i32_1 = arith.constant 0 : i32
    return %arg0, %c0_i32, %c0_i32_0 : i32, i32, i32
  }
  func.func @transform_1(%arg0: i32) -> (i32, i32, i32) {
    %c0_i32 = arith.constant 0 : i32
    %c0_i32_0 = arith.constant 0 : i32
    %c0_i32_1 = arith.constant 0 : i32
    return %arg0, %c0_i32, %c0_i32_0 : i32, i32, i32
  }
  func.func @transform_2(%arg0: i32) -> (i32, i32, i32) {
    %c0_i32 = arith.constant 0 : i32
    %c0_i32_0 = arith.constant 0 : i32
    %c0_i32_1 = arith.constant 0 : i32
    return %arg0, %c0_i32, %c0_i32_0 : i32, i32, i32
  }
  func.func @transform_3(%arg0: i32) -> (i32, i32, i32) {
    %c0_i32 = arith.constant 0 : i32
    %c0_i32_0 = arith.constant 0 : i32
    %c0_i32_1 = arith.constant 0 : i32
    return %arg0, %c0_i32, %c0_i32_0 : i32, i32, i32
  }
  func.func @transform_4(%arg0: i32) -> (i32, i32, i32) {
    %c0_i32 = arith.constant 0 : i32
    %c0_i32_0 = arith.constant 0 : i32
    %c0_i32_1 = arith.constant 0 : i32
    return %arg0, %c0_i32, %c0_i32_0 : i32, i32, i32
  }
}

module attributes {stable_mosaic.version = 14 : i64} {
  func.func @body(%arg0: i32, %arg1: memref<1x500x128xf32, #tpu.memory_space<vmem>>, %arg2: memref<1x500x128xf32, #tpu.memory_space<vmem>>, %arg3: memref<1x500x128xf32, #tpu.memory_space<vmem>>, %arg4: memref<1x500x128xf32, #tpu.memory_space<vmem>>, %arg5: memref<1x1x128xf32, #tpu.memory_space<vmem>>, %arg6: memref<1x500x128xf32, #tpu.memory_space<vmem>>) attributes {dimension_semantics = [#tpu.dimension_semantics<arbitrary>], iteration_bounds = array<i64: 25>, scalar_prefetch = 0 : i64, scratch_operands = 0 : i64, tpu.core_type = #tpu.core_type<tc>, window_params = [{transform_indices = @transform_0, window_bounds = array<i64: 1, 500, 128>}, {transform_indices = @transform_1, window_bounds = array<i64: 1, 500, 128>}, {transform_indices = @transform_2, window_bounds = array<i64: 1, 500, 128>}, {transform_indices = @transform_3, window_bounds = array<i64: 1, 500, 128>}, {pipeline_mode = #tpu.pipeline_mode<synchronous>, transform_indices = @transform_4, window_bounds = array<i64: 1, 1, 128>}, {transform_indices = @transform_5, window_bounds = array<i64: 1, 500, 128>}]} {
    %get3A = arith.constant 0 : index
    %get3A_0 = arith.constant 0 : index
    %get3A_1 = arith.constant 0 : index
    %get3A_2 = vector.load %arg4[%get3A, %get3A_0, %get3A_1] : memref<1x500x128xf32, #tpu.memory_space<vmem>>, vector<1x500x128xf32>
    %get3A_3 = arith.constant 0 : index
    %get3A_4 = arith.constant 0 : index
    %get3A_5 = arith.constant 0 : index
    %get3A_6 = vector.load %arg1[%get3A_3, %get3A_4, %get3A_5] : memref<1x500x128xf32, #tpu.memory_space<vmem>>, vector<1x500x128xf32>
    %get3A_7 = arith.constant 0 : index
    %get3A_8 = arith.constant 0 : index
    %get3A_9 = arith.constant 0 : index
    %get3A_10 = vector.load %arg2[%get3A_7, %get3A_8, %get3A_9] : memref<1x500x128xf32, #tpu.memory_space<vmem>>, vector<1x500x128xf32>
    %add3A = arith.addf %get3A_6, %get3A_10 : vector<1x500x128xf32>
    %get3A_11 = arith.constant 0 : index
    %get3A_12 = arith.constant 0 : index
    %get3A_13 = arith.constant 0 : index
    %get3A_14 = vector.load %arg3[%get3A_11, %get3A_12, %get3A_13] : memref<1x500x128xf32, #tpu.memory_space<vmem>>, vector<1x500x128xf32>
    %add3A_15 = arith.addf %add3A, %get3A_14 : vector<1x500x128xf32>
    %mul3A = arith.mulf %get3A_2, %add3A_15 : vector<1x500x128xf32>
    %get3A_16 = arith.constant 0 : index
    %get3A_17 = arith.constant 0 : index
    %get3A_18 = arith.constant 0 : index
    %get3A_19 = vector.load %arg5[%get3A_16, %get3A_17, %get3A_18] : memref<1x1x128xf32, #tpu.memory_space<vmem>>, vector<1x1x128xf32>
    %add3A_20 = vector.broadcast %get3A_19 : vector<1x1x128xf32> to vector<1x500x128xf32>
    %add3A_21 = arith.addf %mul3A, %add3A_20 : vector<1x500x128xf32>
    %max3A = arith.constant 0.000000e+00 : f32
    %max3A_22 = vector.broadcast %max3A : f32 to vector<1x500x128xf32>
    %max3A_23 = arith.maximumf %add3A_21, %max3A_22 : vector<1x500x128xf32>
    %mul3A_24 = arith.mulf %max3A_23, %get3A_2 : vector<1x500x128xf32>
    %swap3A = arith.constant 0 : index
    %swap3A_25 = arith.constant 0 : index
    %swap3A_26 = arith.constant 0 : index
    %swap3A_27 = vector.load %arg6[%swap3A, %swap3A_25, %swap3A_26] : memref<1x500x128xf32, #tpu.memory_space<vmem>>, vector<1x500x128xf32>
    tpu.vector_store %arg6[%swap3A, %swap3A_25, %swap3A_26], %mul3A_24 {strides = array<i32>} : memref<1x500x128xf32, #tpu.memory_space<vmem>>, vector<1x500x128xf32>,
    return
  }
  func.func @transform_0(%arg0: i32) -> (i32, i32, i32) {
    %c0_i32 = arith.constant 0 : i32
    %c0_i32_0 = arith.constant 0 : i32
    %c0_i32_1 = arith.constant 0 : i32
    return %arg0, %c0_i32, %c0_i32_0 : i32, i32, i32
  }
  func.func @transform_1(%arg0: i32) -> (i32, i32, i32) {
    %c0_i32 = arith.constant 0 : i32
    %c0_i32_0 = arith.constant 0 : i32
    %c0_i32_1 = arith.constant 0 : i32
    return %arg0, %c0_i32, %c0_i32_0 : i32, i32, i32
  }
  func.func @transform_2(%arg0: i32) -> (i32, i32, i32) {
    %c0_i32 = arith.constant 0 : i32
    %c0_i32_0 = arith.constant 0 : i32
    %c0_i32_1 = arith.constant 0 : i32
    return %arg0, %c0_i32, %c0_i32_0 : i32, i32, i32
  }
  func.func @transform_3(%arg0: i32) -> (i32, i32, i32) {
    %c0_i32 = arith.constant 0 : i32
    %c0_i32_0 = arith.constant 0 : i32
    %c0_i32_1 = arith.constant 0 : i32
    return %arg0, %c0_i32, %c0_i32_0 : i32, i32, i32
  }
  func.func @transform_4(%arg0: i32) -> (i32, i32, i32) {
    %c0_i32 = arith.constant 0 : i32
    %c0_i32_0 = arith.constant 0 : i32
    %c0_i32_1 = arith.constant 0 : i32
    %c0_i32_2 = arith.constant 0 : i32
    return %c0_i32, %c0_i32_0, %c0_i32_1 : i32, i32, i32
  }
  func.func @transform_5(%arg0: i32) -> (i32, i32, i32) {
    %c0_i32 = arith.constant 0 : i32
    %c0_i32_0 = arith.constant 0 : i32
    %c0_i32_1 = arith.constant 0 : i32
    return %arg0, %c0_i32, %c0_i32_0 : i32, i32, i32
  }
}

module attributes {stable_mosaic.version = 14 : i64} {
  func.func @body(%arg0: i32, %arg1: memref<1x500x128xf32, #tpu.memory_space<vmem>>, %arg2: memref<1x500x128xf32, #tpu.memory_space<vmem>>, %arg3: memref<1x500x128xf32, #tpu.memory_space<vmem>>, %arg4: memref<1x500x128xf32, #tpu.memory_space<vmem>>, %arg5: memref<128x320xf32, #tpu.memory_space<vmem>>, %arg6: memref<128x320xf32, #tpu.memory_space<vmem>>, %arg7: memref<1x1x320xf32, #tpu.memory_space<vmem>>, %arg8: memref<320x8xf32, #tpu.memory_space<vmem>>, %arg9: memref<8x320xf32, #tpu.memory_space<vmem>>, %arg10: memref<320x320xf32, #tpu.memory_space<vmem>>, %arg11: memref<1x500x320xf32, #tpu.memory_space<vmem>>) attributes {dimension_semantics = [#tpu.dimension_semantics<arbitrary>], iteration_bounds = array<i64: 25>, scalar_prefetch = 0 : i64, scratch_operands = 0 : i64, tpu.core_type = #tpu.core_type<tc>, window_params = [{transform_indices = @transform_0, window_bounds = array<i64: 1, 500, 128>}, {transform_indices = @transform_1, window_bounds = array<i64: 1, 500, 128>}, {transform_indices = @transform_2, window_bounds = array<i64: 1, 500, 128>}, {transform_indices = @transform_3, window_bounds = array<i64: 1, 500, 128>}, {pipeline_mode = #tpu.pipeline_mode<synchronous>, transform_indices = @transform_4, window_bounds = array<i64: 128, 320>}, {pipeline_mode = #tpu.pipeline_mode<synchronous>, transform_indices = @transform_5, window_bounds = array<i64: 128, 320>}, {pipeline_mode = #tpu.pipeline_mode<synchronous>, transform_indices = @transform_6, window_bounds = array<i64: 1, 1, 320>}, {pipeline_mode = #tpu.pipeline_mode<synchronous>, transform_indices = @transform_7, window_bounds = array<i64: 320, 8>}, {pipeline_mode = #tpu.pipeline_mode<synchronous>, transform_indices = @transform_8, window_bounds = array<i64: 8, 320>}, {pipeline_mode = #tpu.pipeline_mode<synchronous>, transform_indices = @transform_9, window_bounds = array<i64: 320, 320>}, {transform_indices = @transform_10, window_bounds = array<i64: 1, 500, 320>}]} {
    %get3A = arith.constant 0 : index
    %get3A_0 = arith.constant 0 : index
    %get3A_1 = arith.constant 0 : index
    %get3A_2 = vector.load %arg1[%get3A, %get3A_0, %get3A_1] : memref<1x500x128xf32, #tpu.memory_space<vmem>>, vector<1x500x128xf32>
    %get3A_3 = vector.shape_cast %get3A_2 : vector<1x500x128xf32> to vector<500x128xf32>
    %get3A_4 = arith.constant 0 : index
    %get3A_5 = arith.constant 0 : index
    %get3A_6 = arith.constant 0 : index
    %get3A_7 = vector.load %arg2[%get3A_4, %get3A_5, %get3A_6] : memref<1x500x128xf32, #tpu.memory_space<vmem>>, vector<1x500x128xf32>
    %get3A_8 = vector.shape_cast %get3A_7 : vector<1x500x128xf32> to vector<500x128xf32>
    %add3A = arith.addf %get3A_3, %get3A_8 : vector<500x128xf32>
    %get3A_9 = arith.constant 0 : index
    %get3A_10 = arith.constant 0 : index
    %get3A_11 = arith.constant 0 : index
    %get3A_12 = vector.load %arg3[%get3A_9, %get3A_10, %get3A_11] : memref<1x500x128xf32, #tpu.memory_space<vmem>>, vector<1x500x128xf32>
    %get3A_13 = vector.shape_cast %get3A_12 : vector<1x500x128xf32> to vector<500x128xf32>
    %add3A_14 = arith.addf %add3A, %get3A_13 : vector<500x128xf32>
    %get3A_15 = arith.constant 0 : index
    %get3A_16 = arith.constant 0 : index
    %get3A_17 = vector.load %arg5[%get3A_15, %get3A_16] : memref<128x320xf32, #tpu.memory_space<vmem>>, vector<128x320xf32>
    %dot_general3A = arith.constant dense<0.000000e+00> : vector<500x320xf32>
    %dot_general3A_18 = tpu.matmul %add3A_14, %get3A_17, %dot_general3A {dimension_numbers = #tpu.dot_dimension_numbers<[1], [0], [0], [1], [0, 0, 1, 1], [], []>, precision = #tpu.contract_precision<fp32>, transpose_lhs_hint = false} : vector<500x128xf32>, vector<128x320xf32>, vector<500x320xf32> -> vector<500x320xf32>
    %get3A_19 = arith.constant 0 : index
    %get3A_20 = arith.constant 0 : index
    %get3A_21 = arith.constant 0 : index
    %get3A_22 = vector.load %arg4[%get3A_19, %get3A_20, %get3A_21] : memref<1x500x128xf32, #tpu.memory_space<vmem>>, vector<1x500x128xf32>
    %get3A_23 = vector.shape_cast %get3A_22 : vector<1x500x128xf32> to vector<500x128xf32>
    %get3A_24 = arith.constant 0 : index
    %get3A_25 = arith.constant 0 : index
    %get3A_26 = vector.load %arg6[%get3A_24, %get3A_25] : memref<128x320xf32, #tpu.memory_space<vmem>>, vector<128x320xf32>
    %dot_general3A_27 = arith.constant dense<0.000000e+00> : vector<500x320xf32>
    %dot_general3A_28 = tpu.matmul %get3A_23, %get3A_26, %dot_general3A_27 {dimension_numbers = #tpu.dot_dimension_numbers<[1], [0], [0], [1], [0, 0, 1, 1], [], []>, precision = #tpu.contract_precision<fp32>, transpose_lhs_hint = false} : vector<500x128xf32>, vector<128x320xf32>, vector<500x320xf32> -> vector<500x320xf32>
    %mul3A = arith.mulf %dot_general3A_28, %dot_general3A_18 : vector<500x320xf32>
    %get3A_29 = arith.constant 0 : index
    %get3A_30 = arith.constant 0 : index
    %get3A_31 = arith.constant 0 : index
    %get3A_32 = vector.load %arg7[%get3A_29, %get3A_30, %get3A_31] : memref<1x1x320xf32, #tpu.memory_space<vmem>>, vector<1x1x320xf32>
    %get3A_33 = vector.shape_cast %get3A_32 : vector<1x1x320xf32> to vector<1x320xf32>
    %add3A_34 = vector.broadcast %get3A_33 : vector<1x320xf32> to vector<500x320xf32>
    %add3A_35 = arith.addf %mul3A, %add3A_34 : vector<500x320xf32>
    %get3A_36 = arith.constant 0 : index
    %get3A_37 = arith.constant 0 : index
    %get3A_38 = vector.load %arg8[%get3A_36, %get3A_37] : memref<320x8xf32, #tpu.memory_space<vmem>>, vector<320x8xf32>
    %dot_general3A_39 = arith.constant dense<0.000000e+00> : vector<500x8xf32>
    %dot_general3A_40 = tpu.matmul %add3A_35, %get3A_38, %dot_general3A_39 {dimension_numbers = #tpu.dot_dimension_numbers<[1], [0], [0], [1], [0, 0, 1, 1], [], []>, transpose_lhs_hint = false} : vector<500x320xf32>, vector<320x8xf32>, vector<500x8xf32> -> vector<500x8xf32>
    %get3A_41 = arith.constant 0 : index
    %get3A_42 = arith.constant 0 : index
    %get3A_43 = vector.load %arg9[%get3A_41, %get3A_42] : memref<8x320xf32, #tpu.memory_space<vmem>>, vector<8x320xf32>
    %dot_general3A_44 = arith.constant dense<0.000000e+00> : vector<500x320xf32>
    %dot_general3A_45 = tpu.matmul %dot_general3A_40, %get3A_43, %dot_general3A_44 {dimension_numbers = #tpu.dot_dimension_numbers<[1], [0], [0], [1], [0, 0, 1, 1], [], []>, transpose_lhs_hint = false} : vector<500x8xf32>, vector<8x320xf32>, vector<500x320xf32> -> vector<500x320xf32>
    %sub3A = arith.subf %add3A_35, %dot_general3A_45 : vector<500x320xf32>
    %exp3A = math.exp %sub3A : vector<500x320xf32>
    %get3A_46 = arith.constant 0 : index
    %get3A_47 = arith.constant 0 : index
    %get3A_48 = vector.load %arg10[%get3A_46, %get3A_47] : memref<320x320xf32, #tpu.memory_space<vmem>>, vector<320x320xf32>
    %dot_general3A_49 = arith.constant dense<0.000000e+00> : vector<500x320xf32>
    %dot_general3A_50 = tpu.matmul %exp3A, %get3A_48, %dot_general3A_49 {dimension_numbers = #tpu.dot_dimension_numbers<[1], [0], [0], [1], [0, 0, 1, 1], [], []>, precision = #tpu.contract_precision<fp32>, transpose_lhs_hint = false} : vector<500x320xf32>, vector<320x320xf32>, vector<500x320xf32> -> vector<500x320xf32>
    %log3A = math.log %dot_general3A_50 : vector<500x320xf32>
    %sub3A_51 = arith.subf %sub3A, %log3A : vector<500x320xf32>
    %swap3A = arith.constant 0 : index
    %swap3A_52 = arith.constant 0 : index
    %swap3A_53 = arith.constant 0 : index
    %swap3A_54 = vector.load %arg11[%swap3A, %swap3A_52, %swap3A_53] : memref<1x500x320xf32, #tpu.memory_space<vmem>>, vector<1x500x320xf32>
    %swap3A_55 = vector.shape_cast %swap3A_54 : vector<1x500x320xf32> to vector<500x320xf32>
    %swap3A_56 = vector.shape_cast %sub3A_51 : vector<500x320xf32> to vector<1x500x320xf32>
    tpu.vector_store %arg11[%swap3A, %swap3A_52, %swap3A_53], %swap3A_56 {strides = array<i32>} : memref<1x500x320xf32, #tpu.memory_space<vmem>>, vector<1x500x320xf32>,
    return
  }
  func.func @transform_0(%arg0: i32) -> (i32, i32, i32) {
    %c0_i32 = arith.constant 0 : i32
    %c0_i32_0 = arith.constant 0 : i32
    %c0_i32_1 = arith.constant 0 : i32
    return %arg0, %c0_i32, %c0_i32_0 : i32, i32, i32
  }
  func.func @transform_1(%arg0: i32) -> (i32, i32, i32) {
    %c0_i32 = arith.constant 0 : i32
    %c0_i32_0 = arith.constant 0 : i32
    %c0_i32_1 = arith.constant 0 : i32
    return %arg0, %c0_i32, %c0_i32_0 : i32, i32, i32
  }
  func.func @transform_2(%arg0: i32) -> (i32, i32, i32) {
    %c0_i32 = arith.constant 0 : i32
    %c0_i32_0 = arith.constant 0 : i32
    %c0_i32_1 = arith.constant 0 : i32
    return %arg0, %c0_i32, %c0_i32_0 : i32, i32, i32
  }
  func.func @transform_3(%arg0: i32) -> (i32, i32, i32) {
    %c0_i32 = arith.constant 0 : i32
    %c0_i32_0 = arith.constant 0 : i32
    %c0_i32_1 = arith.constant 0 : i32
    return %arg0, %c0_i32, %c0_i32_0 : i32, i32, i32
  }
  func.func @transform_4(%arg0: i32) -> (i32, i32) {
    %c0_i32 = arith.constant 0 : i32
    %c0_i32_0 = arith.constant 0 : i32
    %c0_i32_1 = arith.constant 0 : i32
    return %c0_i32, %c0_i32_0 : i32, i32
  }
  func.func @transform_5(%arg0: i32) -> (i32, i32) {
    %c0_i32 = arith.constant 0 : i32
    %c0_i32_0 = arith.constant 0 : i32
    %c0_i32_1 = arith.constant 0 : i32
    return %c0_i32, %c0_i32_0 : i32, i32
  }
  func.func @transform_6(%arg0: i32) -> (i32, i32, i32) {
    %c0_i32 = arith.constant 0 : i32
    %c0_i32_0 = arith.constant 0 : i32
    %c0_i32_1 = arith.constant 0 : i32
    %c0_i32_2 = arith.constant 0 : i32
    return %c0_i32, %c0_i32_0, %c0_i32_1 : i32, i32, i32
  }
  func.func @transform_7(%arg0: i32) -> (i32, i32) {
    %c0_i32 = arith.constant 0 : i32
    %c0_i32_0 = arith.constant 0 : i32
    %c0_i32_1 = arith.constant 0 : i32
    return %c0_i32, %c0_i32_0 : i32, i32
  }
  func.func @transform_8(%arg0: i32) -> (i32, i32) {
    %c0_i32 = arith.constant 0 : i32
    %c0_i32_0 = arith.constant 0 : i32
    %c0_i32_1 = arith.constant 0 : i32
    return %c0_i32, %c0_i32_0 : i32, i32
  }
  func.func @transform_9(%arg0: i32) -> (i32, i32) {
    %c0_i32 = arith.constant 0 : i32
    %c0_i32_0 = arith.constant 0 : i32
    %c0_i32_1 = arith.constant 0 : i32
    return %c0_i32, %c0_i32_0 : i32, i32
  }
  func.func @transform_10(%arg0: i32) -> (i32, i32, i32) {
    %c0_i32 = arith.constant 0 : i32
    %c0_i32_0 = arith.constant 0 : i32
    %c0_i32_1 = arith.constant 0 : i32
    return %arg0, %c0_i32, %c0_i32_0 : i32, i32, i32
  }
}

</mosaic_0001>

<sc_bundles>
// kernel: kernel.12.cloned.1.call-start
scs
__scs_entry_jumppad:
0x0: {  	(pc) =	sbr.rel $0x88, $3  }
0x1: {  	(tag) =	ssettag $0x0;
	lr =	simm.s32 $0x1  }
0x2: {  	[smem:$0x3F9B] =	sst lr;
	_ =	strace $0xD0000000  }
0x3: {  	_ = 	snop  }
0x4: {  	_ = 	snop  }
0x5: {  	_ = 	snop  }
0x6: {  	_ = 	snop  }
0x7: {  	_ = 	snop  }
__scs_overlays_trampoline_lowered:
0x8: {  	[smem:$0x3FAA] =	sst s0  }
0x9: {  	[smem:$0x3FAB] =	sst s1  }
0xa: {  	[smem:$0x3FAC] =	sst s2  }
0xb: {  	[smem:$0x3FAD] =	sst s3  }
0xc: {  	[smem:$0x3FAE] =	sst s4  }
0xd: {  	[smem:$0x3FAF] =	sst s5  }
0xe: {  	[smem:$0x3FB0] =	sst s6  }
0xf: {  	[smem:$0x3FB1] =	sst s7  }
0x10: {  	[smem:$0x3FB2] =	sst s8  }
0x11: {  	[smem:$0x3FB3] =	sst s9;
	s0 =	simm.s32 @!p0 $0x0  }
0x12: {  	s1 =	sld [smem:$0x3F99];
	s0 =	simm.s32 @p0 $0x1  }
0x13: {  	[smem:$0x3FB4] =	sst s0;
	s0 =	simm.s32 @!p1 $0x0  }
0x14: {  	s2 =	sld [smem:$0x3F98];
	s0 =	simm.s32 @p1 $0x1  }
0x15: {  	[smem:$0x3FB5] =	sst s0;
	s0 =	simm.s32 @!p2 $0x0  }
0x16: {  	s3 =	sld [smem:$0x3FDB];
	s0 =	simm.s32 @p2 $0x1  }
0x17: {  	s4 =	simm.s32 $0x1BF5;
	[smem:$0x3FB7] =	sst s0  }
0x18: {  	s0 =	sld [smem:$0x3F9A];
	_ =	swait.ge [sflag:s4], $0x0  }
0x19: {  	s7 =	sld [smem:$0x3F9B]  }
0x1a: {  	s8 =	sadd.s32 $0xFFFFE003, lr  }
0x1b: {  	s9 =	sadd.s32 $0xFFFFFEF7, lr;
	s5 =	simm.s32 $0xFFFFFFFF;
	p2 =	slt.u32 s8, $0xFFFFF086  }
0x1c: {  	p1 =	slt.u32 s9, $0xF7A;
	s5 =	simm.s32 @!p2 $0x0  }
0x1d: {  	s5 =	simm.s32 @p1 $0x1;
	p0 =	seq.s32 s7, s2  }
0x1e: {  	s7 =	smul.u32 @!p0 $0xF7A, s2;
	p2 =	seq.s32 @!p0 s5, $0x0  }
0x1f: {  	s9 =	smul.u32 $0xF7A, s1;
	s8 =	simm.s32 @!p0 $0x1BF5;
	p2 =	por !p2, p0  }
0x20: {  	[sflag:s8] =	ssyncset.s32 @!p0 $0xFFFFF086;
	s6 =	sadd.s32 @!p0 s3, s7;
	s7 =	simm.s32 @!p0 $0x108  }
0x21: {  	s3 =	sadd.s32 s3, s9;
	s6 =	sadd.s32 @!p0 $0x88, s6;
	s7 =	simm.s32 @p2 $0x1082  }
0x22: {  	[simem:s7], [sflag:s8] =	dma.local @!p0 [hbm:s6], $0xF7A  }
0x23: {  	s9 =	sor.u32 $0xD0000000, s2;
	s6 =	simm.s32 $0x108;
	_ =	swait.ge @!p0 [sflag:s8], $0x0  }
0x24: {  	s3 =	sadd.s32 $0x88, s3;
	s6 =	simm.s32 @!p1 $0x1082;
	[sflag:s4] =	ssyncset.s32 $0xFFFFF086  }
0x25: {  	[simem:s6], [sflag:s4] =	dma.local [hbm:s3], $0xF7A  }
0x26: {  	[smem:$0x3F9B] =	sst s1;
	(tag) =	ssettag s2;
	_ =	strace s9  }
0x27: {  	s1 =	sld [smem:$0x3FAB]  }
0x28: {  	s2 =	sld [smem:$0x3FAC]  }
0x29: {  	s4 =	sld [smem:$0x3FAE]  }
0x2a: {  	p0 =	seq.s32 s5, $0x0;
	s5 =	sld [smem:$0x3FAF]  }
0x2b: {  	s6 =	sld [smem:$0x3FB0]  }
0x2c: {  	s7 =	sld [smem:$0x3FB1]  }
0x2d: {  	s3 =	simm.s32 $0x108;
	s8 =	sld [smem:$0x3FB2]  }
0x2e: {  	s3 =	simm.s32 @!p0 $0x1082;
	s9 =	sld [smem:$0x3FB3]  }
0x2f: {  	lr =	sadd.s32 s0, s3;
	s0 =	sld [smem:$0x3FAA]  }
0x30: {  	s3 =	sld [smem:$0x3FAD]  }
0x31: {  	[smem:$0x3FB6] =	sst s10  }
0x32: {  	s10 =	sld [smem:$0x3FB4];
	_ =	sdelay $0x3  }
0x33: {  	p0 =	seq.s32 s10, $0x1;
	s10 =	sld [smem:$0x3FB6];
	_ =	sdelay $0x3  }
0x34: {  	[smem:$0x3FB6] =	sst s10  }
0x35: {  	s10 =	sld [smem:$0x3FB5];
	_ =	sdelay $0x3  }
0x36: {  	p1 =	seq.s32 s10, $0x1;
	s10 =	sld [smem:$0x3FB6];
	_ =	sdelay $0x3  }
0x37: {  	[smem:$0x3FB6] =	sst s10  }
0x38: {  	s10 =	sld [smem:$0x3FB7]  }
0x39: {  	_ = 	snop;
	(pc) =	sbr.ind lr, $3  }
0x3a: {  	_ = 	snop  }
0x3b: {  	_ = 	snop  }
0x3c: {  	p2 =	seq.s32 s10, $0x1;
	s10 =	sld [smem:$0x3FB6]  }
0x3d: {  	_ =	shalt  }
0x3e: {  	_ =	shalt  }
0x3f: {  	_ =	shalt  }
0x40: {  	_ =	shalt  }
0x41: {  	_ =	shalt  }
0x42: {  	_ =	shalt  }
0x43: {  	_ =	shalt  }
0x44: {  	_ =	shalt  }
0x45: {  	_ =	shalt  }
0x46: {  	_ =	shalt  }
0x47: {  	_ =	shalt  }
0x48: {  	_ =	shalt  }
0x49: {  	_ =	shalt  }
0x4a: {  	_ =	shalt  }
0x4b: {  	_ =	shalt  }
0x4c: {  	_ =	shalt  }
0x4d: {  	_ =	shalt  }
0x4e: {  	_ =	shalt  }
0x4f: {  	_ =	shalt  }
0x50: {  	_ =	shalt  }
0x51: {  	_ =	shalt  }
0x52: {  	_ =	shalt  }
0x53: {  	_ =	shalt  }
0x54: {  	_ =	shalt  }
0x55: {  	_ =	shalt  }
0x56: {  	_ =	shalt  }
0x57: {  	_ =	shalt  }
0x58: {  	_ =	shalt  }
0x59: {  	_ =	shalt  }
0x5a: {  	_ =	shalt  }
0x5b: {  	_ =	shalt  }
0x5c: {  	_ =	shalt  }
0x5d: {  	_ =	shalt  }
0x5e: {  	_ =	shalt  }
0x5f: {  	_ =	shalt  }
0x60: {  	_ =	shalt  }
0x61: {  	_ =	shalt  }
0x62: {  	_ =	shalt  }
0x63: {  	_ =	shalt  }
0x64: {  	_ =	shalt  }
0x65: {  	_ =	shalt  }
0x66: {  	_ =	shalt  }
0x67: {  	_ =	shalt  }
0x68: {  	_ =	shalt  }
0x69: {  	_ =	shalt  }
0x6a: {  	_ =	shalt  }
0x6b: {  	_ =	shalt  }
0x6c: {  	_ =	shalt  }
0x6d: {  	_ =	shalt  }
0x6e: {  	_ =	shalt  }
0x6f: {  	_ =	shalt  }
0x70: {  	_ =	shalt  }
0x71: {  	_ =	shalt  }
0x72: {  	_ =	shalt  }
0x73: {  	_ =	shalt  }
0x74: {  	_ =	shalt  }
0x75: {  	_ =	shalt  }
0x76: {  	_ =	shalt  }
0x77: {  	_ =	shalt  }
0x78: {  	_ =	shalt  }
0x79: {  	_ =	shalt  }
0x7a: {  	_ =	shalt  }
0x7b: {  	_ =	shalt  }
0x7c: {  	_ =	shalt  }
0x7d: {  	_ =	shalt  }
0x7e: {  	_ =	shalt  }
0x7f: {  	_ =	shalt  }
0x80: {  	_ =	shalt  }
0x81: {  	_ =	shalt  }
0x82: {  	_ =	shalt  }
0x83: {  	_ =	shalt  }
0x84: {  	_ =	shalt  }
0x85: {  	_ =	shalt  }
0x86: {  	_ =	shalt  }
0x87: {  	_ =	shalt  }
.Lfunc_end0:
.L_simem_size_0:
called_computation.1_lowered:
.L_overlay_start_0:
0x88: {  	s2 =	sld [smem:$0x3FD9]  }
0x89: {  	s3 =	sld [smem:$0x3FFE];
	_ =	sdelay $0x1  }
0x8a: {  	s1 =	srdreg.scid  }
0x8b: {  	s0 =	sand.u32 $0x1, s1  }
0x8c: {  	s17 =	sshll.u32 s0, $0xA;
	s2 =	sadd.s32 s3, s2  }
0x8d: {  	s2 =	sadd.s32 s2, s17  }
0x8e: {  	[smem:$0x3FC2] =	sst s2  }
0x8f: {  	_ = 	snop  }
0x90: {  	s2 =	sld [smem:$0x3FD0];
	(tm) =	ssettm $0x1  }
0x91: {  	s18 =	sld [smem:$0x3FFB];
	_ =	sdelay $0x3  }
0x92: {  	_ =	strace s18  }
0x93: {  	s3 =	sld [smem:$0x3FFC];
	_ =	sdelay $0x3  }
0x94: {  	_ =	strace s3  }
0x95: {  	s3 =	sld [smem:$0x3FFD];
	_ =	sdelay $0x3  }
0x96: {  	_ =	strace s3  }
0x97: {  	_ =	strace $0x8FFFFFFF  }
0x98: {  	s19 =	sld [smem:$0x3FDB];
	_ =	sdelay $0x1  }
0x99: {  	s4 =	simm.s32 $_scs_section_size  }
0x9a: {  	s5 =	simm.s32 $_size__tile_overlayer_lowered;
	s6 =	simm.s32 $_tile_overlayer_lowered  }
0x9b: {  	s22 =	simm.s32 $0x1BFF;
	s21 =	sshll.u32 s6, $0x1;
	s3 =	sadd.s32 s4, s19  }
0x9c: {  	s7 =	simm.s32 $0x0;
	s20 =	sshll.u32 s5, $0x1;
	s5 =	sadd.s32 s21, s3  }
0x9d: {  	[timem:s7], [sflag:s22] =	dma.local [hbm:s5], s20  }
0x9e: {  	_ =	swait.ge [sflag:s22], s20  }
0x9f: {  	s4 =	ssub.s32 $0x0, s20;
	[sflag:s22] =	ssyncset.done $0x0  }
0xa0: {  	[sflag:s22] =	ssyncadd.s32 s4;
	_ =	sdelay $0x1  }
0xa1: {  	s23 =	simm.s32 $0x1B8B  }
0xa2: {  	_ =	swait.ge [sflag:s23], $0x1  }
0xa3: {  	[sflag:s23] =	ssyncset.done $0x0  }
0xa4: {  	s25 =	simm.s32 $0x1B8E;
	s24 =	sld [smem:$0x3FFE];
	[sflag:s23] =	ssyncadd.s32 $0xFFFFFFFF  }
0xa5: {  	s26 =	simm.s32 $execute0_lowered;
	[smem:$0x3FD2] =	sst s25  }
0xa6: {  	s5 =	sshll.u32 s26, $0x1;
	_ =	strace $0x80000049;
	[dreg:$0x1] =	wrdreg $0xFFFFFFFF  }
0xa7: {  	s28 =	simm.s32 $_size_execute0_lowered;
	s3 =	sadd.s32 s3, s5;
	[dreg:$0x0] =	wrdreg $0x0  }
0xa8: {  	s5 =	sshll.u32 s28, $0x1;
	[dreg:$0x2] =	wrdreg s3  }
0xa9: {  	[dreg:$0x3] =	wrdreg s5  }
0xaa: {  	[dreg:$0x4] =	wrdreg $0xC0  }
0xab: {  	_ =	task [dreg:s7], $0x5FFFF  }
0xac: {  	[dreg:$0x1] =	wrdreg $0xFFFFFFFF  }
0xad: {  	[dreg:$0x0] =	wrdreg $0x60  }
0xae: {  	[dreg:$0x2] =	wrdreg s24  }
0xaf: {  	[dreg:$0x3] =	wrdreg s2  }
0xb0: {  	[dreg:$0x4] =	wrdreg $0x48000  }
0xb1: {  	[dreg:$0x5] =	wrdreg $0x9  }
0xb2: {  	_ =	task.clear_ibuf [dreg:s7], $0x6FFFF;
	_ =	strace $0x90000049  }
0xb3: {  	s29 =	simm.s32 $0x9;
	_ =	strace $0x8000004B  }
0xb4: {  	_ =	swait.ge [sflag:s29], $0x1  }
0xb5: {  	[sflag:s29] =	ssyncadd.s32 $0xFFFFFFFF  }
0xb6: {  	_ =	strace $0x9000004B  }
0xb7: {  	_ =	sfence  }
0xb8: {  	s30 =	sld [smem:$0x0];
	_ =	sdelay $0x2  }
0xb9: {  	s31 =	sshll.u32 s1, $0xD;
	s1 =	sshrl.u32 s1, $0x2  }
0xba: {  	s3 =	sand.u32 $0x4000, s31;
	s1 =	sadd.s32 s1, s30  }
0xbb: {  	s0 =	sor.u32 s3, s0;
	s1 =	sshll.u32 s1, $0x11  }
0xbc: {  	s0 =	sor.u32 s1, s0  }
0xbd: {  	s0 =	sadd.s32 $0x8F2B, s0  }
0xbe: {  	[sflag:s0] =	ssyncadd.remote.s32 $0x1  }
0xbf: {  	_ =	sfence.sel $0xFFFF  }
0xc0: {  	[dreg:$0x0] =	wrdreg $0xFFFFFFFF;
	(pc) =	sbr.abs _section_cstart, $3  }
0xc1: {  	[dreg:$0x1] =	wrdreg $0xFFFFFFFF  }
0xc2: {  	_ =	task.clear_ibuf [dreg:s7], $0x2FFFF;
	_ =	strace $0x9FFFFFFF  }
0xc3: {  	(tm) =	ssettm $0x7FFFFFFF  }
tec
execute0_lowered:
.L_overlay_start_1:
0x0: {  	(tag) =	ssettag $0x1  }
0x1: {  	s0 =	rddreg [dreg:$0x0]  }
0x2: {  	s11 =	rddreg [dreg:$0x1]  }
0x3: {  	s2 =	rddreg [dreg:$0x2];
	s4 =	simm.s32 $0x0  }
0x4: {  	s1 =	srdreg.scid;
	s12 =	stileid.u32;
	s28 =	simm.s32 $0x4700  }
0x5: {  	s29 =	simm.s32 $0x3800;
	s30 =	simm.s32 $0x4;
	s31 =	simm.s32 $0x4480  }
0x6: {  	[smem:$0x7FF] =	sst s4;
	s1 =	sand.u32 $0x1, s1;
	s3 =	smul.u32 $0x18700, s12  }
0x7: {  	s5 =	sadd.s32 $0x65E00, s0;
	s7 =	sadd.s32 $0x3200, s0;
	s21 =	smul.u32 $0x61E80, s12  }
0x8: {  	s24 =	sadd.s32 $0xC4920, s0;
	s25 =	sadd.s32 $0x16E900, s2;
	s26 =	smul.u32 $0x18800, s12  }
0x9: {  	_ =	strace $0x8000004A;
	s6 =	sshll.u32 s1, $0x4;
	[dreg:$0x4] =	wrdreg s7  }
0xa: {  	s9 =	ssub.s32 $0x2, s1;
	p3 =	seq.s32 s1, $0x1;
	[dreg:$0xb] =	wrdreg s24  }
0xb: {  	s1 =	smul.u32 $0x188000, s1;
	[dreg:$0xc] =	wrdreg s25;
	s6 =	sor.u32 s12, s6  }
0xc: {  	s8 =	sshrl.u32 s3, $0x3;
	s10 =	sshrl.u32 s9, $0x1;
	s7 =	sshrl.u32 s21, $0x2  }
0xd: {  	s3 =	sadd.s32 s3, s2;
	p1 =	seq.s32 @p3 s12, $0xF;
	p4 =	seq.s32 @!p3 s12, $0xF  }
0xe: {  	s8 =	sadd.s32 s8, s0;
	[dreg:$0xa] =	wrdreg s3;
	s0 =	sadd.s32 $0xF5720, s0  }
0xf: {  	s12 =	simm.s32 $0x4780;
	s7 =	sadd.s32 s7, s2;
	[dreg:$0xe] =	wrdreg s0  }
0x10: {  	s6 =	smul.u32 $0x3100, s6;
	s22 =	sadd.s32 $0x167A0, s7;
	[dreg:$0x5] =	wrdreg s7  }
0x11: {  	s9 =	ssub.s32 s9, s10;
	s23 =	sadd.s32 $0x96C00, s8;
	[dreg:$0x7] =	wrdreg s22  }
0x12: {  	s15 =	sadd.s32 s26, s1;
	s8 =	sadd.s32 $0xC7A00, s8;
	[dreg:$0x9] =	wrdreg s23  }
0x13: {  	p0 =	por !p1, !p3;
	s10 =	smax.u32 s9, $0x1;
	[dreg:$0xd] =	wrdreg s8  }
0x14: {  	p1 =	por p1, !p3;
	s13 =	sadd.s32 $0x2000, s7;
	[dreg:$0xf] =	wrdreg s10  }
0x15: {  	p2 =	por !p4, p3;
	s14 =	sadd.s32 $0x4000, s7;
	[dreg:$0x10] =	wrdreg s13  }
0x16: {  	p3 =	por p4, p3;
	s16 =	sadd.s32 $0x6000, s7;
	[dreg:$0x11] =	wrdreg s14  }
0x17: {  	s17 =	sadd.s32 $0x8000, s7;
	s18 =	sadd.s32 $0xC00, s15;
	[dreg:$0x12] =	wrdreg s16  }
0x18: {  	s19 =	sadd.s32 $0xA000, s7;
	s20 =	sadd.s32 $0xC000, s7;
	[dreg:$0x13] =	wrdreg s17  }
0x19: {  	s0 =	sadd.s32 $0x800, s15;
	s21 =	sadd.s32 $0xE000, s7;
	[dreg:$0x14] =	wrdreg s19  }
0x1a: {  	s25 =	sadd.s32 $0x14000, s7;
	s26 =	sadd.s32 $0x16000, s7;
	[dreg:$0x15] =	wrdreg s20  }
0x1b: {  	s9 =	simm.s32 $0x4400;
	s15 =	simm.s32 $0x3;
	[dreg:$0x16] =	wrdreg s0  }
0x1c: {  	s6 =	sadd.s32 s11, s6;
	s1 =	sshrl.u32 s18, $0x3;
	[dreg:$0x17] =	wrdreg s21  }
0x1d: {  	s22 =	sadd.s32 $0x10000, s7;
	s23 =	sadd.s32 $0x12000, s7;
	[dreg:$0x1a] =	wrdreg s25  }
0x1e: {  	[dreg:$0x1b] =	wrdreg s26;
	s0 =	simm.s32 $0x7;
	s13 =	simm.s32 $0x1000  }
0x1f: {  	s8 =	simm.s32 $0x1800;
	s19 =	simm.s32 $0x4380;
	s20 =	simm.s32 $0x2  }
0x20: {  	s21 =	simm.s32 $0x2000;
	s25 =	simm.s32 $0x4600;
	s26 =	simm.s32 $0x3000  }
.Ltmp0:
0x21: {  	s7 =	simm.s32 $0x4580;
	s10 =	simm.s32 $0x4680;
	(pc) =	sbr.rel .LBB2_1-.Ltmp0, $4  }
0x22: {  	s14 =	simm.s32 $0x6;
	s17 =	simm.s32 $0x0;
	[dreg:$0x6] =	wrdreg s6  }
0x23: {  	s6 =	sadd.s32 $0x80, s6;
	s24 =	sadd.s32 s1, s11;
	[dreg:$0x18] =	wrdreg s22  }
0x24: {  	[dreg:$0x19] =	wrdreg s23;
	s11 =	simm.s32 $0x80;
	s22 =	simm.s32 $0x4500  }
0x25: {  	s23 =	simm.s32 $0x2800;
	[dreg:$0x8] =	wrdreg s6;
	s6 =	simm.s32 $0x5  }
.LBB2_4:
0x26: {  	[bflag:$0x0] =	sbarrier.arrive $0xFFFF  }
0x27: {  	s16 =	rddreg [dreg:$0xc]  }
0x28: {  	s3 =	simm.s32 @!p0 $0x1FC7;
	s17 =	rddreg [dreg:$0xe];
	s1 =	sshrl.u32 @!p0 s16, $0x3  }
0x29: {  	[hbm:s17], [sflag:s3] =	dma.local @!p0 [spmem:s1], $0x3020  }
0x2a: {  	s1 =	simm.s32 @!p0 $0x7  }
0x2b: {  	_ =	swait.ge @!p0 [sflag:s1], $0x3020  }
0x2c: {  	s3 =	stileid.u32;
	s18 =	rddreg [dreg:$0xa]  }
0x2d: {  	s3 =	sshll.u32 @!p1 s3, $0x6;
	[sflag:s1] =	ssyncset.done @!p0 $0x0;
	s17 =	rddreg [dreg:$0xd]  }
0x2e: {  	[sflag:s1] =	ssyncadd.s32 @!p0 $0xFFFFCFE0;
	s1 =	sor.u32 @!p1 $0x1C07, s3;
	s3 =	sshrl.u32 @!p1 s18, $0x3  }
0x2f: {  	[hbm:s17], [sflag:s1] =	dma.local @!p1 [spmem:s3], $0x30E0  }
0x30: {  	s1 =	simm.s32 @!p1 $0x7  }
0x31: {  	_ =	swait.ge @!p1 [sflag:s1], $0x30E0  }
0x32: {  	s3 =	simm.s32 @!p2 $0x1FC7;
	[sflag:s1] =	ssyncset.done @!p1 $0x0  }
0x33: {  	[sflag:s1] =	ssyncadd.s32 @!p1 $0xFFFFCF20;
	s1 =	sshrl.u32 @!p2 s16, $0x3;
	s16 =	rddreg [dreg:$0xb]  }
0x34: {  	[hbm:s16], [sflag:s3] =	dma.local @!p2 [spmem:s1], $0x3020  }
0x35: {  	s1 =	simm.s32 @!p2 $0x7  }
0x36: {  	s3 =	stileid.u32;
	_ =	swait.ge @!p2 [sflag:s1], $0x3020  }
0x37: {  	s3 =	sshll.u32 @!p3 s3, $0x6;
	[sflag:s1] =	ssyncset.done @!p2 $0x0;
	s17 =	rddreg [dreg:$0x9]  }
0x38: {  	[sflag:s1] =	ssyncadd.s32 @!p2 $0xFFFFCFE0;
	s1 =	sor.u32 @!p3 $0x1C07, s3;
	s3 =	sshrl.u32 @!p3 s18, $0x3  }
0x39: {  	[hbm:s17], [sflag:s1] =	dma.local @!p3 [spmem:s3], $0x30E0  }
0x3a: {  	s1 =	simm.s32 @!p3 $0x7  }
0x3b: {  	_ =	swait.ge @!p3 [sflag:s1], $0x30E0  }
0x3c: {  	s3 =	rddreg [dreg:$0x1c]  }
0x3d: {  	s18 =	rddreg [dreg:$0xf];
	s17 =	sadd.s32 $0x1, s3  }
0x3e: {  	p4 =	sne.s32 s17, s18  }
.Ltmp1:
0x3f: {  	_ = 	snop;
	(pc) =	sbr.rel @!p4 .LBB2_5-.Ltmp1, $3  }
0x40: {  	_ =	sdelay $0x1  }
0x41: {  	[sflag:s1] =	ssyncset.done @!p3 $0x0  }
0x42: {  	s16 =	stileid.u32;
	[sflag:s1] =	ssyncadd.s32 @!p3 $0xFFFFCF20  }
.LBB2_1:
0x43: {  	[dreg:$0x1c] =	wrdreg s17  }
0x44: {  	s1 =	rddreg [dreg:$0x4]  }
0x45: {  	[tilespmem:s4], [sflag:$0x7] =	stream.linear.gather [hbm4b:s1+s4], $0x2000, $0x38;
	[tilespmem:$0x1CFA0] =	vst v63  }
0x46: {  	_ =	swait.ge [sflag:s0], $0x2000  }
0x47: {  	[sflag:s0] =	ssyncset.done $0x0  }
0x48: {  	s3 =	rddreg [dreg:$0x5];
	[sflag:s0] =	ssyncadd.s32 $0xFFFFE000  }
0x49: {  	[spmem:s3] =	stream.linear.scatter [tilespmem:s4], [sflag:$0x7], $0x2000, $0x38;
	[tilespmem:$0x1CFA0] =	vst v63  }
0x4a: {  	_ =	swait.ge [sflag:s0], $0x2000  }
0x4b: {  	[sflag:s0] =	ssyncset.done $0x0  }
0x4c: {  	s16 =	rddreg [dreg:$0x10];
	[sflag:s0] =	ssyncadd.s32 $0xFFFFE000  }
0x4d: {  	[spmem:s16] =	stream.linear.scatter [tilespmem:s4], [sflag:$0x7], $0x2000, $0x38;
	[tilespmem:$0x1CFA0] =	vst v63  }
0x4e: {  	_ =	swait.ge [sflag:s0], $0x2000  }
0x4f: {  	[sflag:s0] =	ssyncset.done $0x0  }
0x50: {  	s17 =	rddreg [dreg:$0x11];
	[sflag:s0] =	ssyncadd.s32 $0xFFFFE000  }
0x51: {  	[spmem:s17] =	stream.linear.scatter [tilespmem:s4], [sflag:$0x7], $0x2000, $0x38;
	[tilespmem:$0x1CFA0] =	vst v63  }
0x52: {  	_ =	swait.ge [sflag:s0], $0x2000  }
0x53: {  	[sflag:s0] =	ssyncset.done $0x0  }
0x54: {  	s18 =	rddreg [dreg:$0x12];
	[sflag:s0] =	ssyncadd.s32 $0xFFFFE000  }
0x55: {  	[spmem:s18] =	stream.linear.scatter [tilespmem:s4], [sflag:$0x7], $0x2000, $0x38;
	[tilespmem:$0x1CFA0] =	vst v63  }
0x56: {  	_ =	swait.ge [sflag:s0], $0x2000  }
0x57: {  	[sflag:s0] =	ssyncset.done $0x0  }
0x58: {  	s3 =	rddreg [dreg:$0x13];
	[sflag:s0] =	ssyncadd.s32 $0xFFFFE000  }
0x59: {  	[spmem:s3] =	stream.linear.scatter [tilespmem:s4], [sflag:$0x7], $0x2000, $0x38;
	[tilespmem:$0x1CFA0] =	vst v63  }
0x5a: {  	_ =	swait.ge [sflag:s0], $0x2000  }
0x5b: {  	[sflag:s0] =	ssyncset.done $0x0  }
0x5c: {  	s16 =	rddreg [dreg:$0x14];
	[sflag:s0] =	ssyncadd.s32 $0xFFFFE000  }
0x5d: {  	[spmem:s16] =	stream.linear.scatter [tilespmem:s4], [sflag:$0x7], $0x2000, $0x38;
	[tilespmem:$0x1CFA0] =	vst v63  }
0x5e: {  	_ =	swait.ge [sflag:s0], $0x2000  }
0x5f: {  	[sflag:s0] =	ssyncset.done $0x0  }
0x60: {  	s17 =	rddreg [dreg:$0x15];
	[sflag:s0] =	ssyncadd.s32 $0xFFFFE000  }
0x61: {  	[spmem:s17] =	stream.linear.scatter [tilespmem:s4], [sflag:$0x7], $0x2000, $0x38;
	[tilespmem:$0x1CFA0] =	vst v63  }
0x62: {  	_ =	swait.ge [sflag:s0], $0x2000  }
0x63: {  	[sflag:s0] =	ssyncset.done $0x0  }
0x64: {  	s18 =	rddreg [dreg:$0x17];
	[sflag:s0] =	ssyncadd.s32 $0xFFFFE000  }
0x65: {  	[spmem:s18] =	stream.linear.scatter [tilespmem:s4], [sflag:$0x7], $0x2000, $0x38;
	[tilespmem:$0x1CFA0] =	vst v63  }
0x66: {  	_ =	swait.ge [sflag:s0], $0x2000  }
0x67: {  	[sflag:s0] =	ssyncset.done $0x0  }
0x68: {  	s3 =	rddreg [dreg:$0x18];
	[sflag:s0] =	ssyncadd.s32 $0xFFFFE000  }
0x69: {  	[spmem:s3] =	stream.linear.scatter [tilespmem:s4], [sflag:$0x7], $0x2000, $0x38;
	[tilespmem:$0x1CFA0] =	vst v63  }
0x6a: {  	_ =	swait.ge [sflag:s0], $0x2000  }
0x6b: {  	[sflag:s0] =	ssyncset.done $0x0  }
0x6c: {  	s16 =	rddreg [dreg:$0x19];
	[sflag:s0] =	ssyncadd.s32 $0xFFFFE000  }
0x6d: {  	[spmem:s16] =	stream.linear.scatter [tilespmem:s4], [sflag:$0x7], $0x2000, $0x38;
	[tilespmem:$0x1CFA0] =	vst v63  }
0x6e: {  	_ =	swait.ge [sflag:s0], $0x2000  }
0x6f: {  	[sflag:s0] =	ssyncset.done $0x0  }
0x70: {  	s17 =	rddreg [dreg:$0x1a];
	[sflag:s0] =	ssyncadd.s32 $0xFFFFE000  }
0x71: {  	[spmem:s17] =	stream.linear.scatter [tilespmem:s4], [sflag:$0x7], $0x2000, $0x38;
	[tilespmem:$0x1CFA0] =	vst v63  }
0x72: {  	_ =	swait.ge [sflag:s0], $0x2000  }
0x73: {  	[sflag:s0] =	ssyncset.done $0x0  }
0x74: {  	s18 =	rddreg [dreg:$0x1b];
	[sflag:s0] =	ssyncadd.s32 $0xFFFFE000  }
0x75: {  	[spmem:s18] =	stream.linear.scatter [tilespmem:s4], [sflag:$0x7], $0x2000, $0x38;
	[tilespmem:$0x1CFA0] =	vst v63  }
0x76: {  	_ =	swait.ge [sflag:s0], $0x2000  }
0x77: {  	[sflag:s0] =	ssyncset.done $0x0  }
0x78: {  	s3 =	rddreg [dreg:$0x7];
	[sflag:s0] =	ssyncadd.s32 $0xFFFFE000  }
0x79: {  	[spmem:s3] =	stream.linear.scatter [tilespmem:s4], [sflag:$0x7], $0x2000, $0x38;
	[tilespmem:$0x1CFA0] =	vst v63  }
0x7a: {  	_ =	swait.ge [sflag:s0], $0x2000  }
0x7b: {  	[sflag:s0] =	ssyncset.done $0x0  }
0x7c: {  	[sflag:s0] =	ssyncadd.s32 $0xFFFFE000  }
0x7d: {  	[bflag:$0x0] =	sbarrier.arrive $0xFFFF  }
0x7e: {  	s3 =	simm.s32 $0x4000;
	s16 =	rddreg [dreg:$0x6]  }
0x7f: {  	[tilespmem:s3], [sflag:$0x1] =	stream.linear.gather [hbm4b:s16+s4], $0x400, $0x38;
	[tilespmem:$0x1CFA0] =	vst v63  }
0x80: {  	s18 =	simm.s32 $0x1;
	s17 =	rddreg [dreg:$0x8]  }
0x81: {  	[tilespmem:s9], [sflag:$0x2] =	stream.linear.gather [hbm4b:s17+s4], $0x400, $0x38;
	[tilespmem:$0x1CFA0] =	vst v63  }
0x82: {  	_ =	swait.ge [sflag:s18], $0x400  }
0x83: {  	[sflag:s18] =	ssyncset.done $0x0  }
0x84: {  	[sflag:s18] =	ssyncadd.s32 $0xFFFFFC00  }
0x85: {  	[tilespmem:s4], [sflag:$0x3] =	stream.indirect.gather [hbm4b:s5+s11], $0x10, s3, s11, $0xb8;
	[tilespmem:$0x1CFA0] =	vst v63  }
0x86: {  	s16 =	simm.s32 $0x800;
	s3 =	simm.s32 $0x4100  }
0x87: {  	[tilespmem:s16], [sflag:$0x3] =	stream.indirect.gather [hbm4b:s5+s11], $0x10, s3, s11, $0xb8;
	[tilespmem:$0x1CFA0] =	vst v63  }
0x88: {  	s17 =	simm.s32 $0x4200  }
0x89: {  	[tilespmem:s13], [sflag:$0x3] =	stream.indirect.gather [hbm4b:s5+s11], $0x10, s17, s11, $0xb8;
	[tilespmem:$0x1CFA0] =	vst v63  }
0x8a: {  	s1 =	rddreg [dreg:$0x16];
	s18 =	simm.s32 $0x4300;
	s16 =	simm.s32 $0x0  }
0x8b: {  	[tilespmem:s8], [sflag:$0x3] =	stream.indirect.gather [hbm4b:s5+s11], $0x10, s18, s11, $0xb8;
	[tilespmem:$0x1CFA0] =	vst v63  }
.LBB2_2:
0x8c: {  	_ =	swait.ge [sflag:s15], $0x800  }
0x8d: {  	[sflag:s15] =	ssyncset.done $0x0  }
0x8e: {  	[sflag:s15] =	ssyncadd.s32 $0xFFFFF800  }
0x8f: {  	_ =	swait.ge [sflag:s15], $0x800  }
0x90: {  	[sflag:s15] =	ssyncset.done $0x0  }
0x91: {  	[sflag:s15] =	ssyncadd.s32 $0xFFFFF800  }
0x92: {  	_ =	swait.ge [sflag:s15], $0x800  }
0x93: {  	[sflag:s15] =	ssyncset.done $0x0  }
0x94: {  	[sflag:s15] =	ssyncadd.s32 $0xFFFFF800  }
0x95: {  	_ =	swait.ge [sflag:s15], $0x800  }
0x96: {  	[sflag:s15] =	ssyncset.done $0x0  }
0x97: {  	s3 =	simm.s32 $0x4080;
	[sflag:s15] =	ssyncadd.s32 $0xFFFFF800  }
0x98: {  	[spmem:s2] =	stream.indirect.scatter.add.f32 [tilespmem:s4], [sflag:$0x5], $0x10, s3, s11, $0xb8;
	[tilespmem:$0x1CFA0] =	vst v63  }
0x99: {  	s18 =	simm.s32 $0x800;
	s17 =	simm.s32 $0x4180  }
0x9a: {  	[spmem:s2] =	stream.indirect.scatter.add.f32 [tilespmem:s18], [sflag:$0x5], $0x10, s17, s11, $0xb8;
	[tilespmem:$0x1CFA0] =	vst v63  }
0x9b: {  	s18 =	simm.s32 $0x4280  }
0x9c: {  	[spmem:s2] =	stream.indirect.scatter.add.f32 [tilespmem:s13], [sflag:$0x5], $0x10, s18, s11, $0xb8;
	[tilespmem:$0x1CFA0] =	vst v63  }
0x9d: {  	_ = 	snop  }
0x9e: {  	[spmem:s2] =	stream.indirect.scatter.add.f32 [tilespmem:s8], [sflag:$0x5], $0x10, s19, s11, $0xb8;
	[tilespmem:$0x1CFA0] =	vst v63  }
0x9f: {  	_ =	swait.ge [sflag:s20], $0x400  }
0xa0: {  	[sflag:s20] =	ssyncset.done $0x0  }
0xa1: {  	[sflag:s20] =	ssyncadd.s32 $0xFFFFFC00  }
0xa2: {  	[tilespmem:s21], [sflag:$0x4] =	stream.indirect.gather [hbm4b:s5+s11], $0x10, s9, s11, $0xb8;
	[tilespmem:$0x1CFA0] =	vst v63  }
0xa3: {  	_ = 	snop  }
0xa4: {  	[tilespmem:s23], [sflag:$0x4] =	stream.indirect.gather [hbm4b:s5+s11], $0x10, s22, s11, $0xb8;
	[tilespmem:$0x1CFA0] =	vst v63  }
0xa5: {  	_ = 	snop  }
0xa6: {  	[tilespmem:s26], [sflag:$0x4] =	stream.indirect.gather [hbm4b:s5+s11], $0x10, s25, s11, $0xb8;
	[tilespmem:$0x1CFA0] =	vst v63  }
0xa7: {  	_ = 	snop  }
0xa8: {  	[tilespmem:s29], [sflag:$0x4] =	stream.indirect.gather [hbm4b:s5+s11], $0x10, s28, s11, $0xb8;
	[tilespmem:$0x1CFA0] =	vst v63  }
0xa9: {  	_ =	swait.ge [sflag:s6], $0x800  }
0xaa: {  	[sflag:s6] =	ssyncset.done $0x0  }
0xab: {  	[sflag:s6] =	ssyncadd.s32 $0xFFFFF800  }
0xac: {  	_ =	swait.ge [sflag:s6], $0x800  }
0xad: {  	[sflag:s6] =	ssyncset.done $0x0  }
0xae: {  	[sflag:s6] =	ssyncadd.s32 $0xFFFFF800  }
0xaf: {  	_ =	swait.ge [sflag:s6], $0x800  }
0xb0: {  	[sflag:s6] =	ssyncset.done $0x0  }
0xb1: {  	[sflag:s6] =	ssyncadd.s32 $0xFFFFF800  }
0xb2: {  	_ =	swait.ge [sflag:s6], $0x800  }
0xb3: {  	[sflag:s6] =	ssyncset.done $0x0  }
0xb4: {  	p4 =	seq.s32 s16, $0x3000;
	[sflag:s6] =	ssyncadd.s32 $0xFFFFF800  }
0xb5: {  	s17 =	sshrl.u32 @!p4 s1, $0x3;
	s3 =	rddreg [dreg:$0x1]  }
0xb6: {  	s18 =	simm.s32 @!p4 $0x4000;
	s17 =	sadd.s32 @!p4 s3, s17;
	s3 =	simm.s32 @!p4 $0x0  }
0xb7: {  	[tilespmem:s18], [sflag:$0x1] =	stream.linear.gather @!p4 [hbm4b:s17+s3], $0x400, $0x38;
	[tilespmem:$0x1CFA0] =	vst v63  }
0xb8: {  	_ =	swait.ge [sflag:s30], $0x800  }
0xb9: {  	[sflag:s30] =	ssyncset.done $0x0  }
0xba: {  	[sflag:s30] =	ssyncadd.s32 $0xFFFFF800  }
0xbb: {  	_ =	swait.ge [sflag:s30], $0x800  }
0xbc: {  	[sflag:s30] =	ssyncset.done $0x0  }
0xbd: {  	[sflag:s30] =	ssyncadd.s32 $0xFFFFF800  }
0xbe: {  	_ =	swait.ge [sflag:s30], $0x800  }
0xbf: {  	[sflag:s30] =	ssyncset.done $0x0  }
0xc0: {  	[sflag:s30] =	ssyncadd.s32 $0xFFFFF800  }
0xc1: {  	_ =	swait.ge [sflag:s30], $0x800  }
0xc2: {  	[sflag:s30] =	ssyncset.done $0x0  }
0xc3: {  	[sflag:s30] =	ssyncadd.s32 $0xFFFFF800  }
0xc4: {  	[spmem:s2] =	stream.indirect.scatter.add.f32 [tilespmem:s21], [sflag:$0x6], $0x10, s31, s11, $0xb8;
	[tilespmem:$0x1CFA0] =	vst v63  }
0xc5: {  	_ = 	snop  }
0xc6: {  	[spmem:s2] =	stream.indirect.scatter.add.f32 [tilespmem:s23], [sflag:$0x6], $0x10, s7, s11, $0xb8;
	[tilespmem:$0x1CFA0] =	vst v63  }
0xc7: {  	_ = 	snop  }
0xc8: {  	[spmem:s2] =	stream.indirect.scatter.add.f32 [tilespmem:s26], [sflag:$0x6], $0x10, s10, s11, $0xb8;
	[tilespmem:$0x1CFA0] =	vst v63  }
0xc9: {  	s17 =	simm.s32 @!p4 $0x1  }
0xca: {  	[spmem:s2] =	stream.indirect.scatter.add.f32 [tilespmem:s29], [sflag:$0x6], $0x10, s12, s11, $0xb8;
	[tilespmem:$0x1CFA0] =	vst v63  }
0xcb: {  	_ =	swait.ge @!p4 [sflag:s17], $0x400  }
0xcc: {  	[sflag:s17] =	ssyncset.done @!p4 $0x0  }
0xcd: {  	[sflag:s17] =	ssyncadd.s32 @!p4 $0xFFFFFC00;
	s17 =	simm.s32 @!p4 $0x80  }
0xce: {  	[tilespmem:s3], [sflag:$0x3] =	stream.indirect.gather @!p4 [hbm4b:s5+s17], $0x10, s18, s17, $0xb8;
	[tilespmem:$0x1CFA0] =	vst v63  }
0xcf: {  	s3 =	simm.s32 @!p4 $0x4100;
	s18 =	simm.s32 @!p4 $0x800  }
0xd0: {  	[tilespmem:s18], [sflag:$0x3] =	stream.indirect.gather @!p4 [hbm4b:s5+s17], $0x10, s3, s17, $0xb8;
	[tilespmem:$0x1CFA0] =	vst v63  }
0xd1: {  	s3 =	simm.s32 @!p4 $0x4200;
	s18 =	simm.s32 @!p4 $0x1000  }
0xd2: {  	[tilespmem:s18], [sflag:$0x3] =	stream.indirect.gather @!p4 [hbm4b:s5+s17], $0x10, s3, s17, $0xb8;
	[tilespmem:$0x1CFA0] =	vst v63  }
0xd3: {  	s3 =	simm.s32 @!p4 $0x4300;
	s18 =	simm.s32 @!p4 $0x1800  }
0xd4: {  	[tilespmem:s18], [sflag:$0x3] =	stream.indirect.gather @!p4 [hbm4b:s5+s17], $0x10, s3, s17, $0xb8;
	[tilespmem:$0x1CFA0] =	vst v63  }
0xd5: {  	_ =	swait.ge [sflag:s14], $0x800  }
0xd6: {  	[sflag:s14] =	ssyncset.done $0x0  }
0xd7: {  	[sflag:s14] =	ssyncadd.s32 $0xFFFFF800  }
0xd8: {  	_ =	swait.ge [sflag:s14], $0x800  }
0xd9: {  	[sflag:s14] =	ssyncset.done $0x0  }
0xda: {  	[sflag:s14] =	ssyncadd.s32 $0xFFFFF800  }
0xdb: {  	_ =	swait.ge [sflag:s14], $0x800  }
.Ltmp2:
0xdc: {  	[sflag:s14] =	ssyncset.done $0x0;
	(pc) =	sbr.rel @p4 .LBB2_4-.Ltmp2, $4  }
0xdd: {  	[sflag:s14] =	ssyncadd.s32 $0xFFFFF800  }
0xde: {  	_ =	swait.ge [sflag:s14], $0x800  }
0xdf: {  	[sflag:s14] =	ssyncset.done $0x0  }
0xe0: {  	[sflag:s14] =	ssyncadd.s32 $0xFFFFF800  }
.Ltmp3:
0xe1: {  	(pc) =	sbr.rel .LBB2_2-.Ltmp3, $3  }
0xe2: {  	_ =	sdelay $0x1  }
0xe3: {  	s3 =	sadd.s32 s16, s24;
	s16 =	sadd.s32 $0x100, s16;
	s1 =	sadd.s32 $0x800, s1  }
0xe4: {  	[tilespmem:s9], [sflag:$0x2] =	stream.linear.gather [hbm4b:s3+s4], $0x400, $0x38;
	[tilespmem:$0x1CFA0] =	vst v63  }
.LBB2_5:
0xe5: {  	_ =	sfence.sel $0x180000  }
0xe6: {  	[bflag:$0x0] =	sbarrier.arrive $0xFFFF  }
0xe7: {  	_ =	strace $0x9000004A  }
0xe8: {  	[bflag:$0x2] =	sbarrier.arrive $0xFFFF  }
0xe9: {  	p0 =	sne.s32 s16, $0x0;
	s0 =	rddreg [dreg:$0x3]  }
0xea: {  	s0 =	sadd.s32 @!p0 $0x100000, s0  }
0xeb: {  	[sflag:s0] =	ssyncadd.tile.s32 @!p0 $0x1;
	_ =	shalt  }
.Lfunc_end2:
_tile_overlayer_lowered:
.L_overlay_start_2:
0xec: {  	(tag) =	ssettag $0x2  }
0xed: {  	s0 =	rddreg [dreg:$0x0];
	s2 =	stileid.u32  }
0xee: {  	s1 =	rddreg [dreg:$0x1];
	p0 =	sne.s32 s2, $0x0  }
0xef: {  	s3 =	rddreg [dreg:$0x2];
	[bflag:$0x3] =	sbarrier.arrive $0xFFFF;
	s2 =	simm.s32 @!p0 $0x1C07  }
0xf0: {  	[timem:s3], [sflag:s2] =	dma.local @!p0 [hbm:s0], s1  }
0xf1: {  	s0 =	simm.s32 @!p0 $0x7  }
0xf2: {  	_ =	swait.ge @!p0 [sflag:s0], s1  }
0xf3: {  	s1 =	ssub.s32 @!p0 $0x0, s1;
	[sflag:s0] =	ssyncset.done @!p0 $0x0  }
0xf4: {  	[sflag:s0] =	ssyncadd.s32 @!p0 s1  }
0xf5: {  	[bflag:$0x3] =	sbarrier.arrive $0xFFFF  }
0xf6: {  	_ =	shalt  }

// kernel: kernel.15.cloned.1.call-start
scs
__scs_entry_jumppad:
0x0: {  	(pc) =	sbr.rel $0x88, $3  }
0x1: {  	(tag) =	ssettag $0x0;
	lr =	simm.s32 $0x1  }
0x2: {  	[smem:$0x3F9B] =	sst lr;
	_ =	strace $0xD0000000  }
0x3: {  	_ = 	snop  }
0x4: {  	_ = 	snop  }
0x5: {  	_ = 	snop  }
0x6: {  	_ = 	snop  }
0x7: {  	_ = 	snop  }
__scs_overlays_trampoline_lowered:
0x8: {  	[smem:$0x3FAA] =	sst s0  }
0x9: {  	[smem:$0x3FAB] =	sst s1  }
0xa: {  	[smem:$0x3FAC] =	sst s2  }
0xb: {  	[smem:$0x3FAD] =	sst s3  }
0xc: {  	[smem:$0x3FAE] =	sst s4  }
0xd: {  	[smem:$0x3FAF] =	sst s5  }
0xe: {  	[smem:$0x3FB0] =	sst s6  }
0xf: {  	[smem:$0x3FB1] =	sst s7  }
0x10: {  	[smem:$0x3FB2] =	sst s8  }
0x11: {  	[smem:$0x3FB3] =	sst s9;
	s0 =	simm.s32 @!p0 $0x0  }
0x12: {  	s1 =	sld [smem:$0x3F99];
	s0 =	simm.s32 @p0 $0x1  }
0x13: {  	[smem:$0x3FB4] =	sst s0;
	s0 =	simm.s32 @!p1 $0x0  }
0x14: {  	s2 =	sld [smem:$0x3F98];
	s0 =	simm.s32 @p1 $0x1  }
0x15: {  	[smem:$0x3FB5] =	sst s0;
	s0 =	simm.s32 @!p2 $0x0  }
0x16: {  	s3 =	sld [smem:$0x3FDB];
	s0 =	simm.s32 @p2 $0x1  }
0x17: {  	s4 =	simm.s32 $0x1BF5;
	[smem:$0x3FB7] =	sst s0  }
0x18: {  	s0 =	sld [smem:$0x3F9A];
	_ =	swait.ge [sflag:s4], $0x0  }
0x19: {  	s7 =	sld [smem:$0x3F9B]  }
0x1a: {  	s8 =	sadd.s32 $0xFFFFE003, lr  }
0x1b: {  	s9 =	sadd.s32 $0xFFFFFEF7, lr;
	s5 =	simm.s32 $0xFFFFFFFF;
	p2 =	slt.u32 s8, $0xFFFFF086  }
0x1c: {  	p1 =	slt.u32 s9, $0xF7A;
	s5 =	simm.s32 @!p2 $0x0  }
0x1d: {  	s5 =	simm.s32 @p1 $0x1;
	p0 =	seq.s32 s7, s2  }
0x1e: {  	s7 =	smul.u32 @!p0 $0xF7A, s2;
	p2 =	seq.s32 @!p0 s5, $0x0  }
0x1f: {  	s9 =	smul.u32 $0xF7A, s1;
	s8 =	simm.s32 @!p0 $0x1BF5;
	p2 =	por !p2, p0  }
0x20: {  	[sflag:s8] =	ssyncset.s32 @!p0 $0xFFFFF086;
	s6 =	sadd.s32 @!p0 s3, s7;
	s7 =	simm.s32 @!p0 $0x108  }
0x21: {  	s3 =	sadd.s32 s3, s9;
	s6 =	sadd.s32 @!p0 $0x88, s6;
	s7 =	simm.s32 @p2 $0x1082  }
0x22: {  	[simem:s7], [sflag:s8] =	dma.local @!p0 [hbm:s6], $0xF7A  }
0x23: {  	s9 =	sor.u32 $0xD0000000, s2;
	s6 =	simm.s32 $0x108;
	_ =	swait.ge @!p0 [sflag:s8], $0x0  }
0x24: {  	s3 =	sadd.s32 $0x88, s3;
	s6 =	simm.s32 @!p1 $0x1082;
	[sflag:s4] =	ssyncset.s32 $0xFFFFF086  }
0x25: {  	[simem:s6], [sflag:s4] =	dma.local [hbm:s3], $0xF7A  }
0x26: {  	[smem:$0x3F9B] =	sst s1;
	(tag) =	ssettag s2;
	_ =	strace s9  }
0x27: {  	s1 =	sld [smem:$0x3FAB]  }
0x28: {  	s2 =	sld [smem:$0x3FAC]  }
0x29: {  	s4 =	sld [smem:$0x3FAE]  }
0x2a: {  	p0 =	seq.s32 s5, $0x0;
	s5 =	sld [smem:$0x3FAF]  }
0x2b: {  	s6 =	sld [smem:$0x3FB0]  }
0x2c: {  	s7 =	sld [smem:$0x3FB1]  }
0x2d: {  	s3 =	simm.s32 $0x108;
	s8 =	sld [smem:$0x3FB2]  }
0x2e: {  	s3 =	simm.s32 @!p0 $0x1082;
	s9 =	sld [smem:$0x3FB3]  }
0x2f: {  	lr =	sadd.s32 s0, s3;
	s0 =	sld [smem:$0x3FAA]  }
0x30: {  	s3 =	sld [smem:$0x3FAD]  }
0x31: {  	[smem:$0x3FB6] =	sst s10  }
0x32: {  	s10 =	sld [smem:$0x3FB4];
	_ =	sdelay $0x3  }
0x33: {  	p0 =	seq.s32 s10, $0x1;
	s10 =	sld [smem:$0x3FB6];
	_ =	sdelay $0x3  }
0x34: {  	[smem:$0x3FB6] =	sst s10  }
0x35: {  	s10 =	sld [smem:$0x3FB5];
	_ =	sdelay $0x3  }
0x36: {  	p1 =	seq.s32 s10, $0x1;
	s10 =	sld [smem:$0x3FB6];
	_ =	sdelay $0x3  }
0x37: {  	[smem:$0x3FB6] =	sst s10  }
0x38: {  	s10 =	sld [smem:$0x3FB7]  }
0x39: {  	_ = 	snop;
	(pc) =	sbr.ind lr, $3  }
0x3a: {  	_ = 	snop  }
0x3b: {  	_ = 	snop  }
0x3c: {  	p2 =	seq.s32 s10, $0x1;
	s10 =	sld [smem:$0x3FB6]  }
0x3d: {  	_ =	shalt  }
0x3e: {  	_ =	shalt  }
0x3f: {  	_ =	shalt  }
0x40: {  	_ =	shalt  }
0x41: {  	_ =	shalt  }
0x42: {  	_ =	shalt  }
0x43: {  	_ =	shalt  }
0x44: {  	_ =	shalt  }
0x45: {  	_ =	shalt  }
0x46: {  	_ =	shalt  }
0x47: {  	_ =	shalt  }
0x48: {  	_ =	shalt  }
0x49: {  	_ =	shalt  }
0x4a: {  	_ =	shalt  }
0x4b: {  	_ =	shalt  }
0x4c: {  	_ =	shalt  }
0x4d: {  	_ =	shalt  }
0x4e: {  	_ =	shalt  }
0x4f: {  	_ =	shalt  }
0x50: {  	_ =	shalt  }
0x51: {  	_ =	shalt  }
0x52: {  	_ =	shalt  }
0x53: {  	_ =	shalt  }
0x54: {  	_ =	shalt  }
0x55: {  	_ =	shalt  }
0x56: {  	_ =	shalt  }
0x57: {  	_ =	shalt  }
0x58: {  	_ =	shalt  }
0x59: {  	_ =	shalt  }
0x5a: {  	_ =	shalt  }
0x5b: {  	_ =	shalt  }
0x5c: {  	_ =	shalt  }
0x5d: {  	_ =	shalt  }
0x5e: {  	_ =	shalt  }
0x5f: {  	_ =	shalt  }
0x60: {  	_ =	shalt  }
0x61: {  	_ =	shalt  }
0x62: {  	_ =	shalt  }
0x63: {  	_ =	shalt  }
0x64: {  	_ =	shalt  }
0x65: {  	_ =	shalt  }
0x66: {  	_ =	shalt  }
0x67: {  	_ =	shalt  }
0x68: {  	_ =	shalt  }
0x69: {  	_ =	shalt  }
0x6a: {  	_ =	shalt  }
0x6b: {  	_ =	shalt  }
0x6c: {  	_ =	shalt  }
0x6d: {  	_ =	shalt  }
0x6e: {  	_ =	shalt  }
0x6f: {  	_ =	shalt  }
0x70: {  	_ =	shalt  }
0x71: {  	_ =	shalt  }
0x72: {  	_ =	shalt  }
0x73: {  	_ =	shalt  }
0x74: {  	_ =	shalt  }
0x75: {  	_ =	shalt  }
0x76: {  	_ =	shalt  }
0x77: {  	_ =	shalt  }
0x78: {  	_ =	shalt  }
0x79: {  	_ =	shalt  }
0x7a: {  	_ =	shalt  }
0x7b: {  	_ =	shalt  }
0x7c: {  	_ =	shalt  }
0x7d: {  	_ =	shalt  }
0x7e: {  	_ =	shalt  }
0x7f: {  	_ =	shalt  }
0x80: {  	_ =	shalt  }
0x81: {  	_ =	shalt  }
0x82: {  	_ =	shalt  }
0x83: {  	_ =	shalt  }
0x84: {  	_ =	shalt  }
0x85: {  	_ =	shalt  }
0x86: {  	_ =	shalt  }
0x87: {  	_ =	shalt  }
.Lfunc_end0:
.L_simem_size_0:
called_computation.2_lowered:
.L_overlay_start_0:
0x88: {  	s2 =	sld [smem:$0x3FD9]  }
0x89: {  	s3 =	sld [smem:$0x3FFE];
	_ =	sdelay $0x1  }
0x8a: {  	s1 =	srdreg.scid  }
0x8b: {  	s0 =	sand.u32 $0x1, s1  }
0x8c: {  	s17 =	sshll.u32 s0, $0xA;
	s2 =	sadd.s32 s3, s2  }
0x8d: {  	s2 =	sadd.s32 s2, s17  }
0x8e: {  	[smem:$0x3FC2] =	sst s2  }
0x8f: {  	_ = 	snop  }
0x90: {  	s2 =	sld [smem:$0x3FD0];
	(tm) =	ssettm $0x1  }
0x91: {  	s18 =	sld [smem:$0x3FFB];
	_ =	sdelay $0x3  }
0x92: {  	_ =	strace s18  }
0x93: {  	s3 =	sld [smem:$0x3FFC];
	_ =	sdelay $0x3  }
0x94: {  	_ =	strace s3  }
0x95: {  	s3 =	sld [smem:$0x3FFD];
	_ =	sdelay $0x3  }
0x96: {  	_ =	strace s3  }
0x97: {  	_ =	strace $0x8FFFFFFF  }
0x98: {  	s19 =	sld [smem:$0x3FDB];
	_ =	sdelay $0x1  }
0x99: {  	s4 =	simm.s32 $_scs_section_size  }
0x9a: {  	s5 =	simm.s32 $_size__tile_overlayer_lowered;
	s6 =	simm.s32 $_tile_overlayer_lowered  }
0x9b: {  	s22 =	simm.s32 $0x1BFF;
	s21 =	sshll.u32 s6, $0x1;
	s3 =	sadd.s32 s4, s19  }
0x9c: {  	s7 =	simm.s32 $0x0;
	s20 =	sshll.u32 s5, $0x1;
	s5 =	sadd.s32 s21, s3  }
0x9d: {  	[timem:s7], [sflag:s22] =	dma.local [hbm:s5], s20  }
0x9e: {  	_ =	swait.ge [sflag:s22], s20  }
0x9f: {  	s4 =	ssub.s32 $0x0, s20;
	[sflag:s22] =	ssyncset.done $0x0  }
0xa0: {  	[sflag:s22] =	ssyncadd.s32 s4;
	_ =	sdelay $0x1  }
0xa1: {  	s23 =	simm.s32 $0x1B8B  }
0xa2: {  	_ =	swait.ge [sflag:s23], $0x1  }
0xa3: {  	[sflag:s23] =	ssyncset.done $0x0  }
0xa4: {  	s25 =	simm.s32 $0x1B8E;
	s24 =	sld [smem:$0x3FFE];
	[sflag:s23] =	ssyncadd.s32 $0xFFFFFFFF  }
0xa5: {  	s26 =	simm.s32 $execute0_lowered;
	[smem:$0x3FD2] =	sst s25  }
0xa6: {  	s5 =	sshll.u32 s26, $0x1;
	_ =	strace $0x8000004C;
	[dreg:$0x1] =	wrdreg $0xFFFFFFFF  }
0xa7: {  	s28 =	simm.s32 $_size_execute0_lowered;
	s3 =	sadd.s32 s3, s5;
	[dreg:$0x0] =	wrdreg $0x0  }
0xa8: {  	s5 =	sshll.u32 s28, $0x1;
	[dreg:$0x2] =	wrdreg s3  }
0xa9: {  	[dreg:$0x3] =	wrdreg s5  }
0xaa: {  	[dreg:$0x4] =	wrdreg $0xC0  }
0xab: {  	_ =	task [dreg:s7], $0x5FFFF  }
0xac: {  	[dreg:$0x1] =	wrdreg $0xFFFFFFFF  }
0xad: {  	[dreg:$0x0] =	wrdreg $0x60  }
0xae: {  	[dreg:$0x2] =	wrdreg s24  }
0xaf: {  	[dreg:$0x3] =	wrdreg s2  }
0xb0: {  	[dreg:$0x4] =	wrdreg $0x48000  }
0xb1: {  	[dreg:$0x5] =	wrdreg $0x9  }
0xb2: {  	_ =	task.clear_ibuf [dreg:s7], $0x6FFFF;
	_ =	strace $0x9000004C  }
0xb3: {  	s29 =	simm.s32 $0x9;
	_ =	strace $0x8000004E  }
0xb4: {  	_ =	swait.ge [sflag:s29], $0x1  }
0xb5: {  	[sflag:s29] =	ssyncadd.s32 $0xFFFFFFFF  }
0xb6: {  	_ =	strace $0x9000004E  }
0xb7: {  	_ =	sfence  }
0xb8: {  	s30 =	sld [smem:$0x0];
	_ =	sdelay $0x2  }
0xb9: {  	s31 =	sshll.u32 s1, $0xD;
	s1 =	sshrl.u32 s1, $0x2  }
0xba: {  	s3 =	sand.u32 $0x4000, s31;
	s1 =	sadd.s32 s1, s30  }
0xbb: {  	s0 =	sor.u32 s3, s0;
	s1 =	sshll.u32 s1, $0x11  }
0xbc: {  	s0 =	sor.u32 s1, s0  }
0xbd: {  	s0 =	sadd.s32 $0x8F2B, s0  }
0xbe: {  	[sflag:s0] =	ssyncadd.remote.s32 $0x1  }
0xbf: {  	_ =	sfence.sel $0xFFFF  }
0xc0: {  	[dreg:$0x0] =	wrdreg $0xFFFFFFFF;
	(pc) =	sbr.abs _section_cstart, $3  }
0xc1: {  	[dreg:$0x1] =	wrdreg $0xFFFFFFFF  }
0xc2: {  	_ =	task.clear_ibuf [dreg:s7], $0x2FFFF;
	_ =	strace $0x9FFFFFFF  }
0xc3: {  	(tm) =	ssettm $0x7FFFFFFF  }
tec
execute0_lowered:
.L_overlay_start_1:
0x0: {  	(tag) =	ssettag $0x1  }
0x1: {  	s0 =	rddreg [dreg:$0x0]  }
0x2: {  	s11 =	rddreg [dreg:$0x1]  }
0x3: {  	s2 =	rddreg [dreg:$0x2];
	s4 =	simm.s32 $0x0  }
0x4: {  	s1 =	srdreg.scid;
	s12 =	stileid.u32;
	s28 =	simm.s32 $0x4700  }
0x5: {  	s29 =	simm.s32 $0x3800;
	s30 =	simm.s32 $0x4;
	s31 =	simm.s32 $0x4480  }
0x6: {  	[smem:$0x7FF] =	sst s4;
	s1 =	sand.u32 $0x1, s1;
	s3 =	smul.u32 $0x18700, s12  }
0x7: {  	s5 =	sadd.s32 $0x34A00, s0;
	s7 =	sadd.s32 $0x3200, s0;
	s21 =	smul.u32 $0x61E80, s12  }
0x8: {  	s24 =	sadd.s32 $0x93520, s0;
	s25 =	sadd.s32 $0x16E900, s2;
	s26 =	smul.u32 $0x18800, s12  }
0x9: {  	_ =	strace $0x8000004D;
	s6 =	sshll.u32 s1, $0x4;
	[dreg:$0x4] =	wrdreg s7  }
0xa: {  	s9 =	ssub.s32 $0x2, s1;
	p3 =	seq.s32 s1, $0x1;
	[dreg:$0xb] =	wrdreg s24  }
0xb: {  	s1 =	smul.u32 $0x188000, s1;
	[dreg:$0xc] =	wrdreg s25;
	s6 =	sor.u32 s12, s6  }
0xc: {  	s8 =	sshrl.u32 s3, $0x3;
	s10 =	sshrl.u32 s9, $0x1;
	s7 =	sshrl.u32 s21, $0x2  }
0xd: {  	s3 =	sadd.s32 s3, s2;
	p1 =	seq.s32 @p3 s12, $0xF;
	p4 =	seq.s32 @!p3 s12, $0xF  }
0xe: {  	s8 =	sadd.s32 s8, s0;
	[dreg:$0xa] =	wrdreg s3;
	s0 =	sadd.s32 $0xC4320, s0  }
0xf: {  	s12 =	simm.s32 $0x4780;
	s7 =	sadd.s32 s7, s2;
	[dreg:$0xe] =	wrdreg s0  }
0x10: {  	s6 =	smul.u32 $0x3100, s6;
	s22 =	sadd.s32 $0x167A0, s7;
	[dreg:$0x5] =	wrdreg s7  }
0x11: {  	s9 =	ssub.s32 s9, s10;
	s23 =	sadd.s32 $0x65800, s8;
	[dreg:$0x7] =	wrdreg s22  }
0x12: {  	s15 =	sadd.s32 s26, s1;
	s8 =	sadd.s32 $0x96600, s8;
	[dreg:$0x9] =	wrdreg s23  }
0x13: {  	p0 =	por !p1, !p3;
	s10 =	smax.u32 s9, $0x1;
	[dreg:$0xd] =	wrdreg s8  }
0x14: {  	p1 =	por p1, !p3;
	s13 =	sadd.s32 $0x2000, s7;
	[dreg:$0xf] =	wrdreg s10  }
0x15: {  	p2 =	por !p4, p3;
	s14 =	sadd.s32 $0x4000, s7;
	[dreg:$0x10] =	wrdreg s13  }
0x16: {  	p3 =	por p4, p3;
	s16 =	sadd.s32 $0x6000, s7;
	[dreg:$0x11] =	wrdreg s14  }
0x17: {  	s17 =	sadd.s32 $0x8000, s7;
	s18 =	sadd.s32 $0xC00, s15;
	[dreg:$0x12] =	wrdreg s16  }
0x18: {  	s19 =	sadd.s32 $0xA000, s7;
	s20 =	sadd.s32 $0xC000, s7;
	[dreg:$0x13] =	wrdreg s17  }
0x19: {  	s0 =	sadd.s32 $0x800, s15;
	s21 =	sadd.s32 $0xE000, s7;
	[dreg:$0x14] =	wrdreg s19  }
0x1a: {  	s25 =	sadd.s32 $0x14000, s7;
	s26 =	sadd.s32 $0x16000, s7;
	[dreg:$0x15] =	wrdreg s20  }
0x1b: {  	s9 =	simm.s32 $0x4400;
	s15 =	simm.s32 $0x3;
	[dreg:$0x16] =	wrdreg s0  }
0x1c: {  	s6 =	sadd.s32 s11, s6;
	s1 =	sshrl.u32 s18, $0x3;
	[dreg:$0x17] =	wrdreg s21  }
0x1d: {  	s22 =	sadd.s32 $0x10000, s7;
	s23 =	sadd.s32 $0x12000, s7;
	[dreg:$0x1a] =	wrdreg s25  }
0x1e: {  	[dreg:$0x1b] =	wrdreg s26;
	s0 =	simm.s32 $0x7;
	s13 =	simm.s32 $0x1000  }
0x1f: {  	s8 =	simm.s32 $0x1800;
	s19 =	simm.s32 $0x4380;
	s20 =	simm.s32 $0x2  }
0x20: {  	s21 =	simm.s32 $0x2000;
	s25 =	simm.s32 $0x4600;
	s26 =	simm.s32 $0x3000  }
.Ltmp0:
0x21: {  	s7 =	simm.s32 $0x4580;
	s10 =	simm.s32 $0x4680;
	(pc) =	sbr.rel .LBB2_1-.Ltmp0, $4  }
0x22: {  	s14 =	simm.s32 $0x6;
	s17 =	simm.s32 $0x0;
	[dreg:$0x6] =	wrdreg s6  }
0x23: {  	s6 =	sadd.s32 $0x80, s6;
	s24 =	sadd.s32 s1, s11;
	[dreg:$0x18] =	wrdreg s22  }
0x24: {  	[dreg:$0x19] =	wrdreg s23;
	s11 =	simm.s32 $0x80;
	s22 =	simm.s32 $0x4500  }
0x25: {  	s23 =	simm.s32 $0x2800;
	[dreg:$0x8] =	wrdreg s6;
	s6 =	simm.s32 $0x5  }
.LBB2_4:
0x26: {  	[bflag:$0x0] =	sbarrier.arrive $0xFFFF  }
0x27: {  	s16 =	rddreg [dreg:$0xc]  }
0x28: {  	s3 =	simm.s32 @!p0 $0x1FC7;
	s17 =	rddreg [dreg:$0xe];
	s1 =	sshrl.u32 @!p0 s16, $0x3  }
0x29: {  	[hbm:s17], [sflag:s3] =	dma.local @!p0 [spmem:s1], $0x3020  }
0x2a: {  	s1 =	simm.s32 @!p0 $0x7  }
0x2b: {  	_ =	swait.ge @!p0 [sflag:s1], $0x3020  }
0x2c: {  	s3 =	stileid.u32;
	s18 =	rddreg [dreg:$0xa]  }
0x2d: {  	s3 =	sshll.u32 @!p1 s3, $0x6;
	[sflag:s1] =	ssyncset.done @!p0 $0x0;
	s17 =	rddreg [dreg:$0xd]  }
0x2e: {  	[sflag:s1] =	ssyncadd.s32 @!p0 $0xFFFFCFE0;
	s1 =	sor.u32 @!p1 $0x1C07, s3;
	s3 =	sshrl.u32 @!p1 s18, $0x3  }
0x2f: {  	[hbm:s17], [sflag:s1] =	dma.local @!p1 [spmem:s3], $0x30E0  }
0x30: {  	s1 =	simm.s32 @!p1 $0x7  }
0x31: {  	_ =	swait.ge @!p1 [sflag:s1], $0x30E0  }
0x32: {  	s3 =	simm.s32 @!p2 $0x1FC7;
	[sflag:s1] =	ssyncset.done @!p1 $0x0  }
0x33: {  	[sflag:s1] =	ssyncadd.s32 @!p1 $0xFFFFCF20;
	s1 =	sshrl.u32 @!p2 s16, $0x3;
	s16 =	rddreg [dreg:$0xb]  }
0x34: {  	[hbm:s16], [sflag:s3] =	dma.local @!p2 [spmem:s1], $0x3020  }
0x35: {  	s1 =	simm.s32 @!p2 $0x7  }
0x36: {  	s3 =	stileid.u32;
	_ =	swait.ge @!p2 [sflag:s1], $0x3020  }
0x37: {  	s3 =	sshll.u32 @!p3 s3, $0x6;
	[sflag:s1] =	ssyncset.done @!p2 $0x0;
	s17 =	rddreg [dreg:$0x9]  }
0x38: {  	[sflag:s1] =	ssyncadd.s32 @!p2 $0xFFFFCFE0;
	s1 =	sor.u32 @!p3 $0x1C07, s3;
	s3 =	sshrl.u32 @!p3 s18, $0x3  }
0x39: {  	[hbm:s17], [sflag:s1] =	dma.local @!p3 [spmem:s3], $0x30E0  }
0x3a: {  	s1 =	simm.s32 @!p3 $0x7  }
0x3b: {  	_ =	swait.ge @!p3 [sflag:s1], $0x30E0  }
0x3c: {  	s3 =	rddreg [dreg:$0x1c]  }
0x3d: {  	s18 =	rddreg [dreg:$0xf];
	s17 =	sadd.s32 $0x1, s3  }
0x3e: {  	p4 =	sne.s32 s17, s18  }
.Ltmp1:
0x3f: {  	_ = 	snop;
	(pc) =	sbr.rel @!p4 .LBB2_5-.Ltmp1, $3  }
0x40: {  	_ =	sdelay $0x1  }
0x41: {  	[sflag:s1] =	ssyncset.done @!p3 $0x0  }
0x42: {  	s16 =	stileid.u32;
	[sflag:s1] =	ssyncadd.s32 @!p3 $0xFFFFCF20  }
.LBB2_1:
0x43: {  	[dreg:$0x1c] =	wrdreg s17  }
0x44: {  	s1 =	rddreg [dreg:$0x4]  }
0x45: {  	[tilespmem:s4], [sflag:$0x7] =	stream.linear.gather [hbm4b:s1+s4], $0x2000, $0x38;
	[tilespmem:$0x1CFA0] =	vst v63  }
0x46: {  	_ =	swait.ge [sflag:s0], $0x2000  }
0x47: {  	[sflag:s0] =	ssyncset.done $0x0  }
0x48: {  	s3 =	rddreg [dreg:$0x5];
	[sflag:s0] =	ssyncadd.s32 $0xFFFFE000  }
0x49: {  	[spmem:s3] =	stream.linear.scatter [tilespmem:s4], [sflag:$0x7], $0x2000, $0x38;
	[tilespmem:$0x1CFA0] =	vst v63  }
0x4a: {  	_ =	swait.ge [sflag:s0], $0x2000  }
0x4b: {  	[sflag:s0] =	ssyncset.done $0x0  }
0x4c: {  	s16 =	rddreg [dreg:$0x10];
	[sflag:s0] =	ssyncadd.s32 $0xFFFFE000  }
0x4d: {  	[spmem:s16] =	stream.linear.scatter [tilespmem:s4], [sflag:$0x7], $0x2000, $0x38;
	[tilespmem:$0x1CFA0] =	vst v63  }
0x4e: {  	_ =	swait.ge [sflag:s0], $0x2000  }
0x4f: {  	[sflag:s0] =	ssyncset.done $0x0  }
0x50: {  	s17 =	rddreg [dreg:$0x11];
	[sflag:s0] =	ssyncadd.s32 $0xFFFFE000  }
0x51: {  	[spmem:s17] =	stream.linear.scatter [tilespmem:s4], [sflag:$0x7], $0x2000, $0x38;
	[tilespmem:$0x1CFA0] =	vst v63  }
0x52: {  	_ =	swait.ge [sflag:s0], $0x2000  }
0x53: {  	[sflag:s0] =	ssyncset.done $0x0  }
0x54: {  	s18 =	rddreg [dreg:$0x12];
	[sflag:s0] =	ssyncadd.s32 $0xFFFFE000  }
0x55: {  	[spmem:s18] =	stream.linear.scatter [tilespmem:s4], [sflag:$0x7], $0x2000, $0x38;
	[tilespmem:$0x1CFA0] =	vst v63  }
0x56: {  	_ =	swait.ge [sflag:s0], $0x2000  }
0x57: {  	[sflag:s0] =	ssyncset.done $0x0  }
0x58: {  	s3 =	rddreg [dreg:$0x13];
	[sflag:s0] =	ssyncadd.s32 $0xFFFFE000  }
0x59: {  	[spmem:s3] =	stream.linear.scatter [tilespmem:s4], [sflag:$0x7], $0x2000, $0x38;
	[tilespmem:$0x1CFA0] =	vst v63  }
0x5a: {  	_ =	swait.ge [sflag:s0], $0x2000  }
0x5b: {  	[sflag:s0] =	ssyncset.done $0x0  }
0x5c: {  	s16 =	rddreg [dreg:$0x14];
	[sflag:s0] =	ssyncadd.s32 $0xFFFFE000  }
0x5d: {  	[spmem:s16] =	stream.linear.scatter [tilespmem:s4], [sflag:$0x7], $0x2000, $0x38;
	[tilespmem:$0x1CFA0] =	vst v63  }
0x5e: {  	_ =	swait.ge [sflag:s0], $0x2000  }
0x5f: {  	[sflag:s0] =	ssyncset.done $0x0  }
0x60: {  	s17 =	rddreg [dreg:$0x15];
	[sflag:s0] =	ssyncadd.s32 $0xFFFFE000  }
0x61: {  	[spmem:s17] =	stream.linear.scatter [tilespmem:s4], [sflag:$0x7], $0x2000, $0x38;
	[tilespmem:$0x1CFA0] =	vst v63  }
0x62: {  	_ =	swait.ge [sflag:s0], $0x2000  }
0x63: {  	[sflag:s0] =	ssyncset.done $0x0  }
0x64: {  	s18 =	rddreg [dreg:$0x17];
	[sflag:s0] =	ssyncadd.s32 $0xFFFFE000  }
0x65: {  	[spmem:s18] =	stream.linear.scatter [tilespmem:s4], [sflag:$0x7], $0x2000, $0x38;
	[tilespmem:$0x1CFA0] =	vst v63  }
0x66: {  	_ =	swait.ge [sflag:s0], $0x2000  }
0x67: {  	[sflag:s0] =	ssyncset.done $0x0  }
0x68: {  	s3 =	rddreg [dreg:$0x18];
	[sflag:s0] =	ssyncadd.s32 $0xFFFFE000  }
0x69: {  	[spmem:s3] =	stream.linear.scatter [tilespmem:s4], [sflag:$0x7], $0x2000, $0x38;
	[tilespmem:$0x1CFA0] =	vst v63  }
0x6a: {  	_ =	swait.ge [sflag:s0], $0x2000  }
0x6b: {  	[sflag:s0] =	ssyncset.done $0x0  }
0x6c: {  	s16 =	rddreg [dreg:$0x19];
	[sflag:s0] =	ssyncadd.s32 $0xFFFFE000  }
0x6d: {  	[spmem:s16] =	stream.linear.scatter [tilespmem:s4], [sflag:$0x7], $0x2000, $0x38;
	[tilespmem:$0x1CFA0] =	vst v63  }
0x6e: {  	_ =	swait.ge [sflag:s0], $0x2000  }
0x6f: {  	[sflag:s0] =	ssyncset.done $0x0  }
0x70: {  	s17 =	rddreg [dreg:$0x1a];
	[sflag:s0] =	ssyncadd.s32 $0xFFFFE000  }
0x71: {  	[spmem:s17] =	stream.linear.scatter [tilespmem:s4], [sflag:$0x7], $0x2000, $0x38;
	[tilespmem:$0x1CFA0] =	vst v63  }
0x72: {  	_ =	swait.ge [sflag:s0], $0x2000  }
0x73: {  	[sflag:s0] =	ssyncset.done $0x0  }
0x74: {  	s18 =	rddreg [dreg:$0x1b];
	[sflag:s0] =	ssyncadd.s32 $0xFFFFE000  }
0x75: {  	[spmem:s18] =	stream.linear.scatter [tilespmem:s4], [sflag:$0x7], $0x2000, $0x38;
	[tilespmem:$0x1CFA0] =	vst v63  }
0x76: {  	_ =	swait.ge [sflag:s0], $0x2000  }
0x77: {  	[sflag:s0] =	ssyncset.done $0x0  }
0x78: {  	s3 =	rddreg [dreg:$0x7];
	[sflag:s0] =	ssyncadd.s32 $0xFFFFE000  }
0x79: {  	[spmem:s3] =	stream.linear.scatter [tilespmem:s4], [sflag:$0x7], $0x2000, $0x38;
	[tilespmem:$0x1CFA0] =	vst v63  }
0x7a: {  	_ =	swait.ge [sflag:s0], $0x2000  }
0x7b: {  	[sflag:s0] =	ssyncset.done $0x0  }
0x7c: {  	[sflag:s0] =	ssyncadd.s32 $0xFFFFE000  }
0x7d: {  	[bflag:$0x0] =	sbarrier.arrive $0xFFFF  }
0x7e: {  	s3 =	simm.s32 $0x4000;
	s16 =	rddreg [dreg:$0x6]  }
0x7f: {  	[tilespmem:s3], [sflag:$0x1] =	stream.linear.gather [hbm4b:s16+s4], $0x400, $0x38;
	[tilespmem:$0x1CFA0] =	vst v63  }
0x80: {  	s18 =	simm.s32 $0x1;
	s17 =	rddreg [dreg:$0x8]  }
0x81: {  	[tilespmem:s9], [sflag:$0x2] =	stream.linear.gather [hbm4b:s17+s4], $0x400, $0x38;
	[tilespmem:$0x1CFA0] =	vst v63  }
0x82: {  	_ =	swait.ge [sflag:s18], $0x400  }
0x83: {  	[sflag:s18] =	ssyncset.done $0x0  }
0x84: {  	[sflag:s18] =	ssyncadd.s32 $0xFFFFFC00  }
0x85: {  	[tilespmem:s4], [sflag:$0x3] =	stream.indirect.gather [hbm4b:s5+s11], $0x10, s3, s11, $0xb8;
	[tilespmem:$0x1CFA0] =	vst v63  }
0x86: {  	s16 =	simm.s32 $0x800;
	s3 =	simm.s32 $0x4100  }
0x87: {  	[tilespmem:s16], [sflag:$0x3] =	stream.indirect.gather [hbm4b:s5+s11], $0x10, s3, s11, $0xb8;
	[tilespmem:$0x1CFA0] =	vst v63  }
0x88: {  	s17 =	simm.s32 $0x4200  }
0x89: {  	[tilespmem:s13], [sflag:$0x3] =	stream.indirect.gather [hbm4b:s5+s11], $0x10, s17, s11, $0xb8;
	[tilespmem:$0x1CFA0] =	vst v63  }
0x8a: {  	s1 =	rddreg [dreg:$0x16];
	s18 =	simm.s32 $0x4300;
	s16 =	simm.s32 $0x0  }
0x8b: {  	[tilespmem:s8], [sflag:$0x3] =	stream.indirect.gather [hbm4b:s5+s11], $0x10, s18, s11, $0xb8;
	[tilespmem:$0x1CFA0] =	vst v63  }
.LBB2_2:
0x8c: {  	_ =	swait.ge [sflag:s15], $0x800  }
0x8d: {  	[sflag:s15] =	ssyncset.done $0x0  }
0x8e: {  	[sflag:s15] =	ssyncadd.s32 $0xFFFFF800  }
0x8f: {  	_ =	swait.ge [sflag:s15], $0x800  }
0x90: {  	[sflag:s15] =	ssyncset.done $0x0  }
0x91: {  	[sflag:s15] =	ssyncadd.s32 $0xFFFFF800  }
0x92: {  	_ =	swait.ge [sflag:s15], $0x800  }
0x93: {  	[sflag:s15] =	ssyncset.done $0x0  }
0x94: {  	[sflag:s15] =	ssyncadd.s32 $0xFFFFF800  }
0x95: {  	_ =	swait.ge [sflag:s15], $0x800  }
0x96: {  	[sflag:s15] =	ssyncset.done $0x0  }
0x97: {  	s3 =	simm.s32 $0x4080;
	[sflag:s15] =	ssyncadd.s32 $0xFFFFF800  }
0x98: {  	[spmem:s2] =	stream.indirect.scatter.add.f32 [tilespmem:s4], [sflag:$0x5], $0x10, s3, s11, $0xb8;
	[tilespmem:$0x1CFA0] =	vst v63  }
0x99: {  	s18 =	simm.s32 $0x800;
	s17 =	simm.s32 $0x4180  }
0x9a: {  	[spmem:s2] =	stream.indirect.scatter.add.f32 [tilespmem:s18], [sflag:$0x5], $0x10, s17, s11, $0xb8;
	[tilespmem:$0x1CFA0] =	vst v63  }
0x9b: {  	s18 =	simm.s32 $0x4280  }
0x9c: {  	[spmem:s2] =	stream.indirect.scatter.add.f32 [tilespmem:s13], [sflag:$0x5], $0x10, s18, s11, $0xb8;
	[tilespmem:$0x1CFA0] =	vst v63  }
0x9d: {  	_ = 	snop  }
0x9e: {  	[spmem:s2] =	stream.indirect.scatter.add.f32 [tilespmem:s8], [sflag:$0x5], $0x10, s19, s11, $0xb8;
	[tilespmem:$0x1CFA0] =	vst v63  }
0x9f: {  	_ =	swait.ge [sflag:s20], $0x400  }
0xa0: {  	[sflag:s20] =	ssyncset.done $0x0  }
0xa1: {  	[sflag:s20] =	ssyncadd.s32 $0xFFFFFC00  }
0xa2: {  	[tilespmem:s21], [sflag:$0x4] =	stream.indirect.gather [hbm4b:s5+s11], $0x10, s9, s11, $0xb8;
	[tilespmem:$0x1CFA0] =	vst v63  }
0xa3: {  	_ = 	snop  }
0xa4: {  	[tilespmem:s23], [sflag:$0x4] =	stream.indirect.gather [hbm4b:s5+s11], $0x10, s22, s11, $0xb8;
	[tilespmem:$0x1CFA0] =	vst v63  }
0xa5: {  	_ = 	snop  }
0xa6: {  	[tilespmem:s26], [sflag:$0x4] =	stream.indirect.gather [hbm4b:s5+s11], $0x10, s25, s11, $0xb8;
	[tilespmem:$0x1CFA0] =	vst v63  }
0xa7: {  	_ = 	snop  }
0xa8: {  	[tilespmem:s29], [sflag:$0x4] =	stream.indirect.gather [hbm4b:s5+s11], $0x10, s28, s11, $0xb8;
	[tilespmem:$0x1CFA0] =	vst v63  }
0xa9: {  	_ =	swait.ge [sflag:s6], $0x800  }
0xaa: {  	[sflag:s6] =	ssyncset.done $0x0  }
0xab: {  	[sflag:s6] =	ssyncadd.s32 $0xFFFFF800  }
0xac: {  	_ =	swait.ge [sflag:s6], $0x800  }
0xad: {  	[sflag:s6] =	ssyncset.done $0x0  }
0xae: {  	[sflag:s6] =	ssyncadd.s32 $0xFFFFF800  }
0xaf: {  	_ =	swait.ge [sflag:s6], $0x800  }
0xb0: {  	[sflag:s6] =	ssyncset.done $0x0  }
0xb1: {  	[sflag:s6] =	ssyncadd.s32 $0xFFFFF800  }
0xb2: {  	_ =	swait.ge [sflag:s6], $0x800  }
0xb3: {  	[sflag:s6] =	ssyncset.done $0x0  }
0xb4: {  	p4 =	seq.s32 s16, $0x3000;
	[sflag:s6] =	ssyncadd.s32 $0xFFFFF800  }
0xb5: {  	s17 =	sshrl.u32 @!p4 s1, $0x3;
	s3 =	rddreg [dreg:$0x1]  }
0xb6: {  	s18 =	simm.s32 @!p4 $0x4000;
	s17 =	sadd.s32 @!p4 s3, s17;
	s3 =	simm.s32 @!p4 $0x0  }
0xb7: {  	[tilespmem:s18], [sflag:$0x1] =	stream.linear.gather @!p4 [hbm4b:s17+s3], $0x400, $0x38;
	[tilespmem:$0x1CFA0] =	vst v63  }
0xb8: {  	_ =	swait.ge [sflag:s30], $0x800  }
0xb9: {  	[sflag:s30] =	ssyncset.done $0x0  }
0xba: {  	[sflag:s30] =	ssyncadd.s32 $0xFFFFF800  }
0xbb: {  	_ =	swait.ge [sflag:s30], $0x800  }
0xbc: {  	[sflag:s30] =	ssyncset.done $0x0  }
0xbd: {  	[sflag:s30] =	ssyncadd.s32 $0xFFFFF800  }
0xbe: {  	_ =	swait.ge [sflag:s30], $0x800  }
0xbf: {  	[sflag:s30] =	ssyncset.done $0x0  }
0xc0: {  	[sflag:s30] =	ssyncadd.s32 $0xFFFFF800  }
0xc1: {  	_ =	swait.ge [sflag:s30], $0x800  }
0xc2: {  	[sflag:s30] =	ssyncset.done $0x0  }
0xc3: {  	[sflag:s30] =	ssyncadd.s32 $0xFFFFF800  }
0xc4: {  	[spmem:s2] =	stream.indirect.scatter.add.f32 [tilespmem:s21], [sflag:$0x6], $0x10, s31, s11, $0xb8;
	[tilespmem:$0x1CFA0] =	vst v63  }
0xc5: {  	_ = 	snop  }
0xc6: {  	[spmem:s2] =	stream.indirect.scatter.add.f32 [tilespmem:s23], [sflag:$0x6], $0x10, s7, s11, $0xb8;
	[tilespmem:$0x1CFA0] =	vst v63  }
0xc7: {  	_ = 	snop  }
0xc8: {  	[spmem:s2] =	stream.indirect.scatter.add.f32 [tilespmem:s26], [sflag:$0x6], $0x10, s10, s11, $0xb8;
	[tilespmem:$0x1CFA0] =	vst v63  }
0xc9: {  	s17 =	simm.s32 @!p4 $0x1  }
0xca: {  	[spmem:s2] =	stream.indirect.scatter.add.f32 [tilespmem:s29], [sflag:$0x6], $0x10, s12, s11, $0xb8;
	[tilespmem:$0x1CFA0] =	vst v63  }
0xcb: {  	_ =	swait.ge @!p4 [sflag:s17], $0x400  }
0xcc: {  	[sflag:s17] =	ssyncset.done @!p4 $0x0  }
0xcd: {  	[sflag:s17] =	ssyncadd.s32 @!p4 $0xFFFFFC00;
	s17 =	simm.s32 @!p4 $0x80  }
0xce: {  	[tilespmem:s3], [sflag:$0x3] =	stream.indirect.gather @!p4 [hbm4b:s5+s17], $0x10, s18, s17, $0xb8;
	[tilespmem:$0x1CFA0] =	vst v63  }
0xcf: {  	s3 =	simm.s32 @!p4 $0x4100;
	s18 =	simm.s32 @!p4 $0x800  }
0xd0: {  	[tilespmem:s18], [sflag:$0x3] =	stream.indirect.gather @!p4 [hbm4b:s5+s17], $0x10, s3, s17, $0xb8;
	[tilespmem:$0x1CFA0] =	vst v63  }
0xd1: {  	s3 =	simm.s32 @!p4 $0x4200;
	s18 =	simm.s32 @!p4 $0x1000  }
0xd2: {  	[tilespmem:s18], [sflag:$0x3] =	stream.indirect.gather @!p4 [hbm4b:s5+s17], $0x10, s3, s17, $0xb8;
	[tilespmem:$0x1CFA0] =	vst v63  }
0xd3: {  	s3 =	simm.s32 @!p4 $0x4300;
	s18 =	simm.s32 @!p4 $0x1800  }
0xd4: {  	[tilespmem:s18], [sflag:$0x3] =	stream.indirect.gather @!p4 [hbm4b:s5+s17], $0x10, s3, s17, $0xb8;
	[tilespmem:$0x1CFA0] =	vst v63  }
0xd5: {  	_ =	swait.ge [sflag:s14], $0x800  }
0xd6: {  	[sflag:s14] =	ssyncset.done $0x0  }
0xd7: {  	[sflag:s14] =	ssyncadd.s32 $0xFFFFF800  }
0xd8: {  	_ =	swait.ge [sflag:s14], $0x800  }
0xd9: {  	[sflag:s14] =	ssyncset.done $0x0  }
0xda: {  	[sflag:s14] =	ssyncadd.s32 $0xFFFFF800  }
0xdb: {  	_ =	swait.ge [sflag:s14], $0x800  }
.Ltmp2:
0xdc: {  	[sflag:s14] =	ssyncset.done $0x0;
	(pc) =	sbr.rel @p4 .LBB2_4-.Ltmp2, $4  }
0xdd: {  	[sflag:s14] =	ssyncadd.s32 $0xFFFFF800  }
0xde: {  	_ =	swait.ge [sflag:s14], $0x800  }
0xdf: {  	[sflag:s14] =	ssyncset.done $0x0  }
0xe0: {  	[sflag:s14] =	ssyncadd.s32 $0xFFFFF800  }
.Ltmp3:
0xe1: {  	(pc) =	sbr.rel .LBB2_2-.Ltmp3, $3  }
0xe2: {  	_ =	sdelay $0x1  }
0xe3: {  	s3 =	sadd.s32 s16, s24;
	s16 =	sadd.s32 $0x100, s16;
	s1 =	sadd.s32 $0x800, s1  }
0xe4: {  	[tilespmem:s9], [sflag:$0x2] =	stream.linear.gather [hbm4b:s3+s4], $0x400, $0x38;
	[tilespmem:$0x1CFA0] =	vst v63  }
.LBB2_5:
0xe5: {  	_ =	sfence.sel $0x180000  }
0xe6: {  	[bflag:$0x0] =	sbarrier.arrive $0xFFFF  }
0xe7: {  	_ =	strace $0x9000004D  }
0xe8: {  	[bflag:$0x2] =	sbarrier.arrive $0xFFFF  }
0xe9: {  	p0 =	sne.s32 s16, $0x0;
	s0 =	rddreg [dreg:$0x3]  }
0xea: {  	s0 =	sadd.s32 @!p0 $0x100000, s0  }
0xeb: {  	[sflag:s0] =	ssyncadd.tile.s32 @!p0 $0x1;
	_ =	shalt  }
.Lfunc_end2:
_tile_overlayer_lowered:
.L_overlay_start_2:
0xec: {  	(tag) =	ssettag $0x2  }
0xed: {  	s0 =	rddreg [dreg:$0x0];
	s2 =	stileid.u32  }
0xee: {  	s1 =	rddreg [dreg:$0x1];
	p0 =	sne.s32 s2, $0x0  }
0xef: {  	s3 =	rddreg [dreg:$0x2];
	[bflag:$0x3] =	sbarrier.arrive $0xFFFF;
	s2 =	simm.s32 @!p0 $0x1C07  }
0xf0: {  	[timem:s3], [sflag:s2] =	dma.local @!p0 [hbm:s0], s1  }
0xf1: {  	s0 =	simm.s32 @!p0 $0x7  }
0xf2: {  	_ =	swait.ge @!p0 [sflag:s0], s1  }
0xf3: {  	s1 =	ssub.s32 @!p0 $0x0, s1;
	[sflag:s0] =	ssyncset.done @!p0 $0x0  }
0xf4: {  	[sflag:s0] =	ssyncadd.s32 @!p0 s1  }
0xf5: {  	[bflag:$0x3] =	sbarrier.arrive $0xFFFF  }
0xf6: {  	_ =	shalt  }

// kernel: kernel.9.cloned.1.call-start
scs
__scs_entry_jumppad:
0x0: {  	(pc) =	sbr.rel $0x88, $3  }
0x1: {  	(tag) =	ssettag $0x0;
	lr =	simm.s32 $0x1  }
0x2: {  	[smem:$0x3F9B] =	sst lr;
	_ =	strace $0xD0000000  }
0x3: {  	_ = 	snop  }
0x4: {  	_ = 	snop  }
0x5: {  	_ = 	snop  }
0x6: {  	_ = 	snop  }
0x7: {  	_ = 	snop  }
__scs_overlays_trampoline_lowered:
0x8: {  	[smem:$0x3FAA] =	sst s0  }
0x9: {  	[smem:$0x3FAB] =	sst s1  }
0xa: {  	[smem:$0x3FAC] =	sst s2  }
0xb: {  	[smem:$0x3FAD] =	sst s3  }
0xc: {  	[smem:$0x3FAE] =	sst s4  }
0xd: {  	[smem:$0x3FAF] =	sst s5  }
0xe: {  	[smem:$0x3FB0] =	sst s6  }
0xf: {  	[smem:$0x3FB1] =	sst s7  }
0x10: {  	[smem:$0x3FB2] =	sst s8  }
0x11: {  	[smem:$0x3FB3] =	sst s9;
	s0 =	simm.s32 @!p0 $0x0  }
0x12: {  	s1 =	sld [smem:$0x3F99];
	s0 =	simm.s32 @p0 $0x1  }
0x13: {  	[smem:$0x3FB4] =	sst s0;
	s0 =	simm.s32 @!p1 $0x0  }
0x14: {  	s2 =	sld [smem:$0x3F98];
	s0 =	simm.s32 @p1 $0x1  }
0x15: {  	[smem:$0x3FB5] =	sst s0;
	s0 =	simm.s32 @!p2 $0x0  }
0x16: {  	s3 =	sld [smem:$0x3FDB];
	s0 =	simm.s32 @p2 $0x1  }
0x17: {  	s4 =	simm.s32 $0x1BF5;
	[smem:$0x3FB7] =	sst s0  }
0x18: {  	s0 =	sld [smem:$0x3F9A];
	_ =	swait.ge [sflag:s4], $0x0  }
0x19: {  	s7 =	sld [smem:$0x3F9B]  }
0x1a: {  	s8 =	sadd.s32 $0xFFFFE003, lr  }
0x1b: {  	s9 =	sadd.s32 $0xFFFFFEF7, lr;
	s5 =	simm.s32 $0xFFFFFFFF;
	p2 =	slt.u32 s8, $0xFFFFF086  }
0x1c: {  	p1 =	slt.u32 s9, $0xF7A;
	s5 =	simm.s32 @!p2 $0x0  }
0x1d: {  	s5 =	simm.s32 @p1 $0x1;
	p0 =	seq.s32 s7, s2  }
0x1e: {  	s7 =	smul.u32 @!p0 $0xF7A, s2;
	p2 =	seq.s32 @!p0 s5, $0x0  }
0x1f: {  	s9 =	smul.u32 $0xF7A, s1;
	s8 =	simm.s32 @!p0 $0x1BF5;
	p2 =	por !p2, p0  }
0x20: {  	[sflag:s8] =	ssyncset.s32 @!p0 $0xFFFFF086;
	s6 =	sadd.s32 @!p0 s3, s7;
	s7 =	simm.s32 @!p0 $0x108  }
0x21: {  	s3 =	sadd.s32 s3, s9;
	s6 =	sadd.s32 @!p0 $0x88, s6;
	s7 =	simm.s32 @p2 $0x1082  }
0x22: {  	[simem:s7], [sflag:s8] =	dma.local @!p0 [hbm:s6], $0xF7A  }
0x23: {  	s9 =	sor.u32 $0xD0000000, s2;
	s6 =	simm.s32 $0x108;
	_ =	swait.ge @!p0 [sflag:s8], $0x0  }
0x24: {  	s3 =	sadd.s32 $0x88, s3;
	s6 =	simm.s32 @!p1 $0x1082;
	[sflag:s4] =	ssyncset.s32 $0xFFFFF086  }
0x25: {  	[simem:s6], [sflag:s4] =	dma.local [hbm:s3], $0xF7A  }
0x26: {  	[smem:$0x3F9B] =	sst s1;
	(tag) =	ssettag s2;
	_ =	strace s9  }
0x27: {  	s1 =	sld [smem:$0x3FAB]  }
0x28: {  	s2 =	sld [smem:$0x3FAC]  }
0x29: {  	s4 =	sld [smem:$0x3FAE]  }
0x2a: {  	p0 =	seq.s32 s5, $0x0;
	s5 =	sld [smem:$0x3FAF]  }
0x2b: {  	s6 =	sld [smem:$0x3FB0]  }
0x2c: {  	s7 =	sld [smem:$0x3FB1]  }
0x2d: {  	s3 =	simm.s32 $0x108;
	s8 =	sld [smem:$0x3FB2]  }
0x2e: {  	s3 =	simm.s32 @!p0 $0x1082;
	s9 =	sld [smem:$0x3FB3]  }
0x2f: {  	lr =	sadd.s32 s0, s3;
	s0 =	sld [smem:$0x3FAA]  }
0x30: {  	s3 =	sld [smem:$0x3FAD]  }
0x31: {  	[smem:$0x3FB6] =	sst s10  }
0x32: {  	s10 =	sld [smem:$0x3FB4];
	_ =	sdelay $0x3  }
0x33: {  	p0 =	seq.s32 s10, $0x1;
	s10 =	sld [smem:$0x3FB6];
	_ =	sdelay $0x3  }
0x34: {  	[smem:$0x3FB6] =	sst s10  }
0x35: {  	s10 =	sld [smem:$0x3FB5];
	_ =	sdelay $0x3  }
0x36: {  	p1 =	seq.s32 s10, $0x1;
	s10 =	sld [smem:$0x3FB6];
	_ =	sdelay $0x3  }
0x37: {  	[smem:$0x3FB6] =	sst s10  }
0x38: {  	s10 =	sld [smem:$0x3FB7]  }
0x39: {  	_ = 	snop;
	(pc) =	sbr.ind lr, $3  }
0x3a: {  	_ = 	snop  }
0x3b: {  	_ = 	snop  }
0x3c: {  	p2 =	seq.s32 s10, $0x1;
	s10 =	sld [smem:$0x3FB6]  }
0x3d: {  	_ =	shalt  }
0x3e: {  	_ =	shalt  }
0x3f: {  	_ =	shalt  }
0x40: {  	_ =	shalt  }
0x41: {  	_ =	shalt  }
0x42: {  	_ =	shalt  }
0x43: {  	_ =	shalt  }
0x44: {  	_ =	shalt  }
0x45: {  	_ =	shalt  }
0x46: {  	_ =	shalt  }
0x47: {  	_ =	shalt  }
0x48: {  	_ =	shalt  }
0x49: {  	_ =	shalt  }
0x4a: {  	_ =	shalt  }
0x4b: {  	_ =	shalt  }
0x4c: {  	_ =	shalt  }
0x4d: {  	_ =	shalt  }
0x4e: {  	_ =	shalt  }
0x4f: {  	_ =	shalt  }
0x50: {  	_ =	shalt  }
0x51: {  	_ =	shalt  }
0x52: {  	_ =	shalt  }
0x53: {  	_ =	shalt  }
0x54: {  	_ =	shalt  }
0x55: {  	_ =	shalt  }
0x56: {  	_ =	shalt  }
0x57: {  	_ =	shalt  }
0x58: {  	_ =	shalt  }
0x59: {  	_ =	shalt  }
0x5a: {  	_ =	shalt  }
0x5b: {  	_ =	shalt  }
0x5c: {  	_ =	shalt  }
0x5d: {  	_ =	shalt  }
0x5e: {  	_ =	shalt  }
0x5f: {  	_ =	shalt  }
0x60: {  	_ =	shalt  }
0x61: {  	_ =	shalt  }
0x62: {  	_ =	shalt  }
0x63: {  	_ =	shalt  }
0x64: {  	_ =	shalt  }
0x65: {  	_ =	shalt  }
0x66: {  	_ =	shalt  }
0x67: {  	_ =	shalt  }
0x68: {  	_ =	shalt  }
0x69: {  	_ =	shalt  }
0x6a: {  	_ =	shalt  }
0x6b: {  	_ =	shalt  }
0x6c: {  	_ =	shalt  }
0x6d: {  	_ =	shalt  }
0x6e: {  	_ =	shalt  }
0x6f: {  	_ =	shalt  }
0x70: {  	_ =	shalt  }
0x71: {  	_ =	shalt  }
0x72: {  	_ =	shalt  }
0x73: {  	_ =	shalt  }
0x74: {  	_ =	shalt  }
0x75: {  	_ =	shalt  }
0x76: {  	_ =	shalt  }
0x77: {  	_ =	shalt  }
0x78: {  	_ =	shalt  }
0x79: {  	_ =	shalt  }
0x7a: {  	_ =	shalt  }
0x7b: {  	_ =	shalt  }
0x7c: {  	_ =	shalt  }
0x7d: {  	_ =	shalt  }
0x7e: {  	_ =	shalt  }
0x7f: {  	_ =	shalt  }
0x80: {  	_ =	shalt  }
0x81: {  	_ =	shalt  }
0x82: {  	_ =	shalt  }
0x83: {  	_ =	shalt  }
0x84: {  	_ =	shalt  }
0x85: {  	_ =	shalt  }
0x86: {  	_ =	shalt  }
0x87: {  	_ =	shalt  }
.Lfunc_end0:
.L_simem_size_0:
called_computation_lowered:
.L_overlay_start_0:
0x88: {  	s2 =	sld [smem:$0x3FD9]  }
0x89: {  	s3 =	sld [smem:$0x3FFE];
	_ =	sdelay $0x1  }
0x8a: {  	s1 =	srdreg.scid  }
0x8b: {  	s0 =	sand.u32 $0x1, s1  }
0x8c: {  	s17 =	sshll.u32 s0, $0xA;
	s2 =	sadd.s32 s3, s2  }
0x8d: {  	s2 =	sadd.s32 s2, s17  }
0x8e: {  	[smem:$0x3FC2] =	sst s2  }
0x8f: {  	_ = 	snop  }
0x90: {  	s2 =	sld [smem:$0x3FD0];
	(tm) =	ssettm $0x1  }
0x91: {  	s18 =	sld [smem:$0x3FFB];
	_ =	sdelay $0x3  }
0x92: {  	_ =	strace s18  }
0x93: {  	s3 =	sld [smem:$0x3FFC];
	_ =	sdelay $0x3  }
0x94: {  	_ =	strace s3  }
0x95: {  	s3 =	sld [smem:$0x3FFD];
	_ =	sdelay $0x3  }
0x96: {  	_ =	strace s3  }
0x97: {  	_ =	strace $0x8FFFFFFF  }
0x98: {  	s19 =	sld [smem:$0x3FDB];
	_ =	sdelay $0x1  }
0x99: {  	s4 =	simm.s32 $_scs_section_size  }
0x9a: {  	s5 =	simm.s32 $_size__tile_overlayer_lowered;
	s6 =	simm.s32 $_tile_overlayer_lowered  }
0x9b: {  	s22 =	simm.s32 $0x1BFF;
	s21 =	sshll.u32 s6, $0x1;
	s3 =	sadd.s32 s4, s19  }
0x9c: {  	s7 =	simm.s32 $0x0;
	s20 =	sshll.u32 s5, $0x1;
	s5 =	sadd.s32 s21, s3  }
0x9d: {  	[timem:s7], [sflag:s22] =	dma.local [hbm:s5], s20  }
0x9e: {  	_ =	swait.ge [sflag:s22], s20  }
0x9f: {  	s4 =	ssub.s32 $0x0, s20;
	[sflag:s22] =	ssyncset.done $0x0  }
0xa0: {  	[sflag:s22] =	ssyncadd.s32 s4;
	_ =	sdelay $0x1  }
0xa1: {  	s23 =	simm.s32 $0x1B8B  }
0xa2: {  	_ =	swait.ge [sflag:s23], $0x1  }
0xa3: {  	[sflag:s23] =	ssyncset.done $0x0  }
0xa4: {  	s25 =	simm.s32 $0x1B8E;
	s24 =	sld [smem:$0x3FFE];
	[sflag:s23] =	ssyncadd.s32 $0xFFFFFFFF  }
0xa5: {  	s26 =	simm.s32 $execute0_lowered;
	[smem:$0x3FD2] =	sst s25  }
0xa6: {  	s5 =	sshll.u32 s26, $0x1;
	_ =	strace $0x80000046;
	[dreg:$0x1] =	wrdreg $0xFFFFFFFF  }
0xa7: {  	s28 =	simm.s32 $_size_execute0_lowered;
	s3 =	sadd.s32 s3, s5;
	[dreg:$0x0] =	wrdreg $0x0  }
0xa8: {  	s5 =	sshll.u32 s28, $0x1;
	[dreg:$0x2] =	wrdreg s3  }
0xa9: {  	[dreg:$0x3] =	wrdreg s5  }
0xaa: {  	[dreg:$0x4] =	wrdreg $0xC0  }
0xab: {  	_ =	task [dreg:s7], $0x5FFFF  }
0xac: {  	[dreg:$0x1] =	wrdreg $0xFFFFFFFF  }
0xad: {  	[dreg:$0x0] =	wrdreg $0x60  }
0xae: {  	[dreg:$0x2] =	wrdreg s2  }
0xaf: {  	[dreg:$0x3] =	wrdreg s24  }
0xb0: {  	[dreg:$0x4] =	wrdreg $0x30000  }
0xb1: {  	[dreg:$0x5] =	wrdreg $0x9  }
0xb2: {  	_ =	task.clear_ibuf [dreg:s7], $0x6FFFF;
	_ =	strace $0x90000046  }
0xb3: {  	s29 =	simm.s32 $0x9;
	_ =	strace $0x80000048  }
0xb4: {  	_ =	swait.ge [sflag:s29], $0x1  }
0xb5: {  	[sflag:s29] =	ssyncadd.s32 $0xFFFFFFFF  }
0xb6: {  	_ =	strace $0x90000048  }
0xb7: {  	_ =	sfence  }
0xb8: {  	s30 =	sld [smem:$0x0];
	_ =	sdelay $0x2  }
0xb9: {  	s31 =	sshll.u32 s1, $0xD;
	s1 =	sshrl.u32 s1, $0x2  }
0xba: {  	s3 =	sand.u32 $0x4000, s31;
	s1 =	sadd.s32 s1, s30  }
0xbb: {  	s0 =	sor.u32 s3, s0;
	s1 =	sshll.u32 s1, $0x11  }
0xbc: {  	s0 =	sor.u32 s1, s0  }
0xbd: {  	s0 =	sadd.s32 $0x8F2B, s0  }
0xbe: {  	[sflag:s0] =	ssyncadd.remote.s32 $0x1  }
0xbf: {  	_ =	sfence.sel $0xFFFF  }
0xc0: {  	[dreg:$0x0] =	wrdreg $0xFFFFFFFF;
	(pc) =	sbr.abs _section_cstart, $3  }
0xc1: {  	[dreg:$0x1] =	wrdreg $0xFFFFFFFF  }
0xc2: {  	_ =	task.clear_ibuf [dreg:s7], $0x2FFFF;
	_ =	strace $0x9FFFFFFF  }
0xc3: {  	(tm) =	ssettm $0x7FFFFFFF  }
tec
execute0_lowered:
.L_overlay_start_1:
0x0: {  	(tag) =	ssettag $0x1  }
0x1: {  	s1 =	rddreg [dreg:$0x0]  }
0x2: {  	s0 =	rddreg [dreg:$0x1]  }
0x3: {  	s3 =	rddreg [dreg:$0x2]  }
0x4: {  	s4 =	simm.s32 $0x0;
	s13 =	stileid.u32;
	s2 =	srdreg.scid  }
0x5: {  	[smem:$0x7FF] =	sst s4;
	s5 =	smul.u32 $0x18700, s13;
	s2 =	sand.u32 $0x1, s2  }
0x6: {  	s6 =	sadd.s32 $0x3000, s0;
	s28 =	smul.u32 $0x61E80, s13;
	s8 =	sadd.s32 $0x3200, s0  }
0x7: {  	s15 =	smul.u32 $0x18800, s13;
	_ =	strace $0x80000047;
	[dreg:$0x4] =	wrdreg s6  }
0x8: {  	s16 =	sadd.s32 $0x31320, s0;
	s7 =	sshll.u32 s2, $0x4;
	[dreg:$0x5] =	wrdreg s8  }
0x9: {  	s9 =	ssub.s32 $0x2, s2;
	p3 =	seq.s32 s2, $0x1;
	s2 =	smul.u32 $0x188000, s2  }
0xa: {  	[dreg:$0xa] =	wrdreg s16;
	s16 =	simm.s32 $0x2B80;
	s29 =	sshrl.u32 s5, $0x3  }
0xb: {  	s7 =	sor.u32 s13, s7;
	s6 =	sshrl.u32 s28, $0x2;
	s11 =	sshrl.u32 s9, $0x1  }
0xc: {  	p1 =	seq.s32 @p3 s13, $0xF;
	p4 =	seq.s32 @!p3 s13, $0xF;
	s10 =	smul.u32 $0x3100, s7  }
0xd: {  	s8 =	sadd.s32 s29, s0;
	s7 =	sadd.s32 s6, s3;
	s0 =	sadd.s32 $0x62120, s0  }
0xe: {  	s30 =	ssub.s32 s9, s11;
	s11 =	sadd.s32 $0x167A0, s7;
	[dreg:$0xc] =	wrdreg s0  }
0xf: {  	s13 =	simm.s32 $0x2880;
	s14 =	sadd.s32 $0x3600, s8;
	[dreg:$0x6] =	wrdreg s11  }
0x10: {  	s18 =	sadd.s32 s15, s2;
	s8 =	sadd.s32 $0x34400, s8;
	[dreg:$0x9] =	wrdreg s14  }
0x11: {  	p0 =	por !p1, !p3;
	s17 =	smax.u32 s30, $0x1;
	[dreg:$0xb] =	wrdreg s8  }
0x12: {  	p1 =	por p1, !p3;
	s19 =	sadd.s32 $0x2000, s7;
	[dreg:$0xd] =	wrdreg s17  }
0x13: {  	p2 =	por !p4, p3;
	s20 =	sadd.s32 $0x4000, s7;
	[dreg:$0xe] =	wrdreg s19  }
0x14: {  	p3 =	por p4, p3;
	s22 =	sadd.s32 $0x6000, s7;
	[dreg:$0xf] =	wrdreg s20  }
0x15: {  	s6 =	simm.s32 $0x2800;
	s23 =	sadd.s32 $0x8000, s7;
	[dreg:$0x10] =	wrdreg s22  }
0x16: {  	s15 =	simm.s32 $0x2A80;
	s24 =	sadd.s32 $0xA000, s7;
	[dreg:$0x11] =	wrdreg s23  }
0x17: {  	s21 =	sadd.s32 $0xC00, s18;
	s25 =	sadd.s32 $0xC000, s7;
	[dreg:$0x12] =	wrdreg s24  }
0x18: {  	s26 =	sadd.s32 $0xE000, s7;
	s28 =	sadd.s32 $0x10000, s7;
	[dreg:$0x13] =	wrdreg s25  }
0x19: {  	s29 =	sadd.s32 $0x12000, s7;
	s30 =	sadd.s32 $0x14000, s7;
	[dreg:$0x14] =	wrdreg s26  }
0x1a: {  	s31 =	sadd.s32 $0x16000, s7;
	s0 =	simm.s32 $0x5;
	[dreg:$0x15] =	wrdreg s28  }
0x1b: {  	s12 =	sadd.s32 s1, s10;
	s14 =	sadd.s32 $0x16E900, s3;
	[dreg:$0x16] =	wrdreg s29  }
0x1c: {  	s2 =	sshrl.u32 s21, $0x3;
	s25 =	sadd.s32 $0x800, s18;
	[dreg:$0x17] =	wrdreg s30  }
0x1d: {  	s8 =	simm.s32 $0x2C00;
	s10 =	simm.s32 $0x1;
	s11 =	simm.s32 $0x80  }
0x1e: {  	s17 =	simm.s32 $0x2;
	s18 =	simm.s32 $0x2C80;
	s19 =	simm.s32 $0x2D80  }
0x1f: {  	s20 =	simm.s32 $0x2E80;
	s21 =	simm.s32 $0x2F80;
	s22 =	simm.s32 $0x4  }
0x20: {  	s23 =	simm.s32 $0x0;
	[dreg:$0x7] =	wrdreg s12;
	s9 =	sadd.s32 $0x80, s12  }
0x21: {  	s12 =	sadd.s32 s5, s3;
	s24 =	sadd.s32 s2, s1;
	s5 =	simm.s32 $0x2000  }
0x22: {  	s2 =	simm.s32 $0x2980;
	[dreg:$0x8] =	wrdreg s9;
	s9 =	simm.s32 $0x3  }
.LBB2_1:
0x23: {  	s26 =	rddreg [dreg:$0x5]  }
0x24: {  	[tilespmem:s4], [sflag:$0x5] =	stream.linear.gather [hbm4b:s26+s4], $0x2000, $0x38;
	[tilespmem:$0x1B7A0] =	vst v63  }
0x25: {  	_ =	swait.ge [sflag:s0], $0x2000  }
0x26: {  	[sflag:s0] =	ssyncset.done $0x0  }
0x27: {  	s30 =	rddreg [dreg:$0x4];
	[sflag:s0] =	ssyncadd.s32 $0xFFFFE000  }
0x28: {  	[tilespmem:s5], [sflag:$0x5] =	stream.linear.gather [hbm4b:s30+s4], $0x800, $0x38;
	[tilespmem:$0x1B7A0] =	vst v63  }
0x29: {  	_ =	swait.ge [sflag:s0], $0x800  }
0x2a: {  	[sflag:s0] =	ssyncset.done $0x0  }
0x2b: {  	[sflag:s0] =	ssyncadd.s32 $0xFFFFF800  }
0x2c: {  	[spmem:s7] =	stream.linear.scatter [tilespmem:s4], [sflag:$0x5], $0x2000, $0x38;
	[tilespmem:$0x1B7A0] =	vst v63  }
0x2d: {  	_ =	swait.ge [sflag:s0], $0x2000  }
0x2e: {  	[sflag:s0] =	ssyncset.done $0x0  }
0x2f: {  	s30 =	rddreg [dreg:$0xe];
	[sflag:s0] =	ssyncadd.s32 $0xFFFFE000  }
0x30: {  	[spmem:s30] =	stream.linear.scatter [tilespmem:s4], [sflag:$0x5], $0x2000, $0x38;
	[tilespmem:$0x1B7A0] =	vst v63  }
0x31: {  	_ =	swait.ge [sflag:s0], $0x2000  }
0x32: {  	[sflag:s0] =	ssyncset.done $0x0  }
0x33: {  	s30 =	rddreg [dreg:$0xf];
	[sflag:s0] =	ssyncadd.s32 $0xFFFFE000  }
0x34: {  	[spmem:s30] =	stream.linear.scatter [tilespmem:s4], [sflag:$0x5], $0x2000, $0x38;
	[tilespmem:$0x1B7A0] =	vst v63  }
0x35: {  	_ =	swait.ge [sflag:s0], $0x2000  }
0x36: {  	[sflag:s0] =	ssyncset.done $0x0  }
0x37: {  	s30 =	rddreg [dreg:$0x10];
	[sflag:s0] =	ssyncadd.s32 $0xFFFFE000  }
0x38: {  	[spmem:s30] =	stream.linear.scatter [tilespmem:s4], [sflag:$0x5], $0x2000, $0x38;
	[tilespmem:$0x1B7A0] =	vst v63  }
0x39: {  	_ =	swait.ge [sflag:s0], $0x2000  }
0x3a: {  	[sflag:s0] =	ssyncset.done $0x0  }
0x3b: {  	s30 =	rddreg [dreg:$0x11];
	[sflag:s0] =	ssyncadd.s32 $0xFFFFE000  }
0x3c: {  	[spmem:s30] =	stream.linear.scatter [tilespmem:s4], [sflag:$0x5], $0x2000, $0x38;
	[tilespmem:$0x1B7A0] =	vst v63  }
0x3d: {  	_ =	swait.ge [sflag:s0], $0x2000  }
0x3e: {  	[sflag:s0] =	ssyncset.done $0x0  }
0x3f: {  	s30 =	rddreg [dreg:$0x12];
	[sflag:s0] =	ssyncadd.s32 $0xFFFFE000  }
0x40: {  	[spmem:s30] =	stream.linear.scatter [tilespmem:s4], [sflag:$0x5], $0x2000, $0x38;
	[tilespmem:$0x1B7A0] =	vst v63  }
0x41: {  	_ =	swait.ge [sflag:s0], $0x2000  }
0x42: {  	[sflag:s0] =	ssyncset.done $0x0  }
0x43: {  	s30 =	rddreg [dreg:$0x13];
	[sflag:s0] =	ssyncadd.s32 $0xFFFFE000  }
0x44: {  	[spmem:s30] =	stream.linear.scatter [tilespmem:s4], [sflag:$0x5], $0x2000, $0x38;
	[tilespmem:$0x1B7A0] =	vst v63  }
0x45: {  	_ =	swait.ge [sflag:s0], $0x2000  }
0x46: {  	[sflag:s0] =	ssyncset.done $0x0  }
0x47: {  	s30 =	rddreg [dreg:$0x14];
	[sflag:s0] =	ssyncadd.s32 $0xFFFFE000  }
0x48: {  	[spmem:s30] =	stream.linear.scatter [tilespmem:s4], [sflag:$0x5], $0x2000, $0x38;
	[tilespmem:$0x1B7A0] =	vst v63  }
0x49: {  	_ =	swait.ge [sflag:s0], $0x2000  }
0x4a: {  	[sflag:s0] =	ssyncset.done $0x0  }
0x4b: {  	s30 =	rddreg [dreg:$0x15];
	[sflag:s0] =	ssyncadd.s32 $0xFFFFE000  }
0x4c: {  	[spmem:s30] =	stream.linear.scatter [tilespmem:s4], [sflag:$0x5], $0x2000, $0x38;
	[tilespmem:$0x1B7A0] =	vst v63  }
0x4d: {  	_ =	swait.ge [sflag:s0], $0x2000  }
0x4e: {  	[sflag:s0] =	ssyncset.done $0x0  }
0x4f: {  	s30 =	rddreg [dreg:$0x16];
	[sflag:s0] =	ssyncadd.s32 $0xFFFFE000  }
0x50: {  	[spmem:s30] =	stream.linear.scatter [tilespmem:s4], [sflag:$0x5], $0x2000, $0x38;
	[tilespmem:$0x1B7A0] =	vst v63  }
0x51: {  	_ =	swait.ge [sflag:s0], $0x2000  }
0x52: {  	[sflag:s0] =	ssyncset.done $0x0  }
0x53: {  	s30 =	rddreg [dreg:$0x17];
	[sflag:s0] =	ssyncadd.s32 $0xFFFFE000  }
0x54: {  	[spmem:s30] =	stream.linear.scatter [tilespmem:s4], [sflag:$0x5], $0x2000, $0x38;
	[tilespmem:$0x1B7A0] =	vst v63  }
0x55: {  	_ =	swait.ge [sflag:s0], $0x2000  }
0x56: {  	[sflag:s0] =	ssyncset.done $0x0  }
0x57: {  	[sflag:s0] =	ssyncadd.s32 $0xFFFFE000  }
0x58: {  	[spmem:s31] =	stream.linear.scatter [tilespmem:s4], [sflag:$0x5], $0x2000, $0x38;
	[tilespmem:$0x1B7A0] =	vst v63  }
0x59: {  	_ =	swait.ge [sflag:s0], $0x2000  }
0x5a: {  	[sflag:s0] =	ssyncset.done $0x0  }
0x5b: {  	s30 =	rddreg [dreg:$0x6];
	[sflag:s0] =	ssyncadd.s32 $0xFFFFE000  }
0x5c: {  	[spmem:s30] =	stream.linear.scatter [tilespmem:s4], [sflag:$0x5], $0x2000, $0x38;
	[tilespmem:$0x1B7A0] =	vst v63  }
0x5d: {  	_ =	swait.ge [sflag:s0], $0x2000  }
0x5e: {  	[sflag:s0] =	ssyncset.done $0x0  }
0x5f: {  	[sflag:s0] =	ssyncadd.s32 $0xFFFFE000  }
0x60: {  	[bflag:$0x0] =	sbarrier.arrive $0xFFFF  }
0x61: {  	s30 =	rddreg [dreg:$0x7]  }
0x62: {  	[tilespmem:s6], [sflag:$0x1] =	stream.linear.gather [hbm4b:s30+s4], $0x400, $0x38;
	[tilespmem:$0x1B7A0] =	vst v63  }
0x63: {  	s30 =	rddreg [dreg:$0x8]  }
0x64: {  	[tilespmem:s8], [sflag:$0x2] =	stream.linear.gather [hbm4b:s30+s4], $0x400, $0x38;
	[tilespmem:$0x1B7A0] =	vst v63  }
0x65: {  	_ =	swait.ge [sflag:s10], $0x400  }
0x66: {  	[sflag:s10] =	ssyncset.done $0x0  }
0x67: {  	[sflag:s10] =	ssyncadd.s32 $0xFFFFFC00  }
0x68: {  	[spmem:s3] =	stream.indirect.scatter.add.f32 [tilespmem:s5], [sflag:$0x3], $0x10, s13, s11, $0xb8;
	[tilespmem:$0x1B7A0] =	vst v63  }
0x69: {  	_ = 	snop  }
0x6a: {  	[spmem:s3] =	stream.indirect.scatter.add.f32 [tilespmem:s5], [sflag:$0x3], $0x10, s2, s11, $0xb8;
	[tilespmem:$0x1B7A0] =	vst v63  }
0x6b: {  	_ = 	snop  }
0x6c: {  	[spmem:s3] =	stream.indirect.scatter.add.f32 [tilespmem:s5], [sflag:$0x3], $0x10, s15, s11, $0xb8;
	[tilespmem:$0x1B7A0] =	vst v63  }
0x6d: {  	_ = 	snop  }
0x6e: {  	[spmem:s3] =	stream.indirect.scatter.add.f32 [tilespmem:s5], [sflag:$0x3], $0x10, s16, s11, $0xb8;
	[tilespmem:$0x1B7A0] =	vst v63  }
0x6f: {  	_ =	swait.ge [sflag:s9], $0x800  }
0x70: {  	[sflag:s9] =	ssyncset.done $0x0  }
0x71: {  	[sflag:s9] =	ssyncadd.s32 $0xFFFFF800  }
0x72: {  	_ =	swait.ge [sflag:s9], $0x800  }
0x73: {  	[sflag:s9] =	ssyncset.done $0x0  }
0x74: {  	[sflag:s9] =	ssyncadd.s32 $0xFFFFF800  }
0x75: {  	_ =	swait.ge [sflag:s9], $0x800  }
0x76: {  	[sflag:s9] =	ssyncset.done $0x0  }
0x77: {  	[sflag:s9] =	ssyncadd.s32 $0xFFFFF800  }
0x78: {  	_ =	swait.ge [sflag:s9], $0x800  }
0x79: {  	s30 =	sshrl.u32 s25, $0x3;
	[sflag:s9] =	ssyncset.done $0x0  }
0x7a: {  	s26 =	sadd.s32 s1, s30;
	[sflag:s9] =	ssyncadd.s32 $0xFFFFF800  }
0x7b: {  	[tilespmem:s6], [sflag:$0x1] =	stream.linear.gather [hbm4b:s26+s4], $0x400, $0x38;
	[tilespmem:$0x1B7A0] =	vst v63  }
0x7c: {  	_ =	swait.ge [sflag:s17], $0x400  }
0x7d: {  	[sflag:s17] =	ssyncset.done $0x0  }
0x7e: {  	[sflag:s17] =	ssyncadd.s32 $0xFFFFFC00  }
0x7f: {  	[spmem:s3] =	stream.indirect.scatter.add.f32 [tilespmem:s5], [sflag:$0x4], $0x10, s18, s11, $0xb8;
	[tilespmem:$0x1B7A0] =	vst v63  }
0x80: {  	_ = 	snop  }
0x81: {  	[spmem:s3] =	stream.indirect.scatter.add.f32 [tilespmem:s5], [sflag:$0x4], $0x10, s19, s11, $0xb8;
	[tilespmem:$0x1B7A0] =	vst v63  }
0x82: {  	_ = 	snop  }
0x83: {  	[spmem:s3] =	stream.indirect.scatter.add.f32 [tilespmem:s5], [sflag:$0x4], $0x10, s20, s11, $0xb8;
	[tilespmem:$0x1B7A0] =	vst v63  }
0x84: {  	_ = 	snop  }
0x85: {  	[spmem:s3] =	stream.indirect.scatter.add.f32 [tilespmem:s5], [sflag:$0x4], $0x10, s21, s11, $0xb8;
	[tilespmem:$0x1B7A0] =	vst v63  }
0x86: {  	_ =	swait.ge [sflag:s22], $0x800  }
0x87: {  	[sflag:s22] =	ssyncset.done $0x0  }
0x88: {  	[sflag:s22] =	ssyncadd.s32 $0xFFFFF800  }
0x89: {  	_ =	swait.ge [sflag:s22], $0x800  }
0x8a: {  	[sflag:s22] =	ssyncset.done $0x0  }
0x8b: {  	[sflag:s22] =	ssyncadd.s32 $0xFFFFF800  }
0x8c: {  	_ =	swait.ge [sflag:s22], $0x800  }
0x8d: {  	[sflag:s22] =	ssyncset.done $0x0  }
0x8e: {  	[sflag:s22] =	ssyncadd.s32 $0xFFFFF800  }
0x8f: {  	_ =	swait.ge [sflag:s22], $0x800  }
0x90: {  	s29 =	sadd.s32 $0x0, s24;
	[sflag:s22] =	ssyncset.done $0x0  }
0x91: {  	s28 =	sadd.s32 $0x800, s25;
	s26 =	simm.s32 $0x100;
	[sflag:s22] =	ssyncadd.s32 $0xFFFFF800  }
.LBB2_2:
0x92: {  	[tilespmem:s8], [sflag:$0x2] =	stream.linear.gather [hbm4b:s29+s4], $0x400, $0x38;
	[tilespmem:$0x1B7A0] =	vst v63  }
0x93: {  	s29 =	smov.u32 s26  }
0x94: {  	p4 =	sne.s32 s26, $0x2F00;
	s26 =	sadd.s32 $0x100, s26;
	_ =	swait.ge [sflag:s10], $0x400  }
0x95: {  	[sflag:s10] =	ssyncset.done $0x0  }
0x96: {  	[sflag:s10] =	ssyncadd.s32 $0xFFFFFC00  }
0x97: {  	[spmem:s3] =	stream.indirect.scatter.add.f32 [tilespmem:s5], [sflag:$0x3], $0x10, s13, s11, $0xb8;
	[tilespmem:$0x1B7A0] =	vst v63  }
0x98: {  	_ = 	snop  }
0x99: {  	[spmem:s3] =	stream.indirect.scatter.add.f32 [tilespmem:s5], [sflag:$0x3], $0x10, s2, s11, $0xb8;
	[tilespmem:$0x1B7A0] =	vst v63  }
0x9a: {  	_ = 	snop  }
0x9b: {  	[spmem:s3] =	stream.indirect.scatter.add.f32 [tilespmem:s5], [sflag:$0x3], $0x10, s15, s11, $0xb8;
	[tilespmem:$0x1B7A0] =	vst v63  }
0x9c: {  	_ = 	snop  }
0x9d: {  	[spmem:s3] =	stream.indirect.scatter.add.f32 [tilespmem:s5], [sflag:$0x3], $0x10, s16, s11, $0xb8;
	[tilespmem:$0x1B7A0] =	vst v63  }
0x9e: {  	_ =	swait.ge [sflag:s9], $0x800  }
0x9f: {  	[sflag:s9] =	ssyncset.done $0x0  }
0xa0: {  	[sflag:s9] =	ssyncadd.s32 $0xFFFFF800  }
0xa1: {  	_ =	swait.ge [sflag:s9], $0x800  }
0xa2: {  	[sflag:s9] =	ssyncset.done $0x0  }
0xa3: {  	[sflag:s9] =	ssyncadd.s32 $0xFFFFF800  }
0xa4: {  	_ =	swait.ge [sflag:s9], $0x800  }
0xa5: {  	[sflag:s9] =	ssyncset.done $0x0  }
0xa6: {  	[sflag:s9] =	ssyncadd.s32 $0xFFFFF800  }
0xa7: {  	_ =	swait.ge [sflag:s9], $0x800  }
0xa8: {  	s30 =	sshrl.u32 s28, $0x3;
	[sflag:s9] =	ssyncset.done $0x0  }
0xa9: {  	s30 =	sadd.s32 s1, s30;
	[sflag:s9] =	ssyncadd.s32 $0xFFFFF800  }
0xaa: {  	[tilespmem:s6], [sflag:$0x1] =	stream.linear.gather [hbm4b:s30+s4], $0x400, $0x38;
	[tilespmem:$0x1B7A0] =	vst v63  }
0xab: {  	_ =	swait.ge [sflag:s17], $0x400  }
0xac: {  	[sflag:s17] =	ssyncset.done $0x0  }
0xad: {  	[sflag:s17] =	ssyncadd.s32 $0xFFFFFC00  }
0xae: {  	[spmem:s3] =	stream.indirect.scatter.add.f32 [tilespmem:s5], [sflag:$0x4], $0x10, s18, s11, $0xb8;
	[tilespmem:$0x1B7A0] =	vst v63  }
0xaf: {  	_ = 	snop  }
0xb0: {  	[spmem:s3] =	stream.indirect.scatter.add.f32 [tilespmem:s5], [sflag:$0x4], $0x10, s19, s11, $0xb8;
	[tilespmem:$0x1B7A0] =	vst v63  }
0xb1: {  	_ = 	snop  }
0xb2: {  	[spmem:s3] =	stream.indirect.scatter.add.f32 [tilespmem:s5], [sflag:$0x4], $0x10, s20, s11, $0xb8;
	[tilespmem:$0x1B7A0] =	vst v63  }
0xb3: {  	_ = 	snop  }
0xb4: {  	[spmem:s3] =	stream.indirect.scatter.add.f32 [tilespmem:s5], [sflag:$0x4], $0x10, s21, s11, $0xb8;
	[tilespmem:$0x1B7A0] =	vst v63  }
0xb5: {  	_ =	swait.ge [sflag:s22], $0x800  }
0xb6: {  	[sflag:s22] =	ssyncset.done $0x0  }
0xb7: {  	[sflag:s22] =	ssyncadd.s32 $0xFFFFF800  }
0xb8: {  	_ =	swait.ge [sflag:s22], $0x800  }
0xb9: {  	[sflag:s22] =	ssyncset.done $0x0  }
0xba: {  	[sflag:s22] =	ssyncadd.s32 $0xFFFFF800  }
0xbb: {  	_ =	swait.ge [sflag:s22], $0x800  }
.Ltmp0:
0xbc: {  	[sflag:s22] =	ssyncset.done $0x0;
	(pc) =	sbr.rel @p4 .LBB2_2-.Ltmp0, $4  }
0xbd: {  	[sflag:s22] =	ssyncadd.s32 $0xFFFFF800  }
0xbe: {  	_ =	swait.ge [sflag:s22], $0x800  }
0xbf: {  	[sflag:s22] =	ssyncset.done $0x0  }
0xc0: {  	s28 =	sadd.s32 $0x800, s28;
	s29 =	sadd.s32 s29, s24;
	[sflag:s22] =	ssyncadd.s32 $0xFFFFF800  }
0xc1: {  	[tilespmem:s8], [sflag:$0x2] =	stream.linear.gather [hbm4b:s29+s4], $0x400, $0x38;
	[tilespmem:$0x1B7A0] =	vst v63  }
0xc2: {  	_ =	swait.ge [sflag:s10], $0x400  }
0xc3: {  	[sflag:s10] =	ssyncset.done $0x0  }
0xc4: {  	[sflag:s10] =	ssyncadd.s32 $0xFFFFFC00  }
0xc5: {  	[spmem:s3] =	stream.indirect.scatter.add.f32 [tilespmem:s5], [sflag:$0x3], $0x10, s13, s11, $0xb8;
	[tilespmem:$0x1B7A0] =	vst v63  }
0xc6: {  	_ = 	snop  }
0xc7: {  	[spmem:s3] =	stream.indirect.scatter.add.f32 [tilespmem:s5], [sflag:$0x3], $0x10, s2, s11, $0xb8;
	[tilespmem:$0x1B7A0] =	vst v63  }
0xc8: {  	_ = 	snop  }
0xc9: {  	[spmem:s3] =	stream.indirect.scatter.add.f32 [tilespmem:s5], [sflag:$0x3], $0x10, s15, s11, $0xb8;
	[tilespmem:$0x1B7A0] =	vst v63  }
0xca: {  	_ = 	snop  }
0xcb: {  	[spmem:s3] =	stream.indirect.scatter.add.f32 [tilespmem:s5], [sflag:$0x3], $0x10, s16, s11, $0xb8;
	[tilespmem:$0x1B7A0] =	vst v63  }
0xcc: {  	_ =	swait.ge [sflag:s9], $0x800  }
0xcd: {  	[sflag:s9] =	ssyncset.done $0x0  }
0xce: {  	[sflag:s9] =	ssyncadd.s32 $0xFFFFF800  }
0xcf: {  	_ =	swait.ge [sflag:s9], $0x800  }
0xd0: {  	[sflag:s9] =	ssyncset.done $0x0  }
0xd1: {  	[sflag:s9] =	ssyncadd.s32 $0xFFFFF800  }
0xd2: {  	_ =	swait.ge [sflag:s9], $0x800  }
0xd3: {  	[sflag:s9] =	ssyncset.done $0x0  }
0xd4: {  	[sflag:s9] =	ssyncadd.s32 $0xFFFFF800  }
0xd5: {  	_ =	swait.ge [sflag:s9], $0x800  }
0xd6: {  	[sflag:s9] =	ssyncset.done $0x0  }
0xd7: {  	[sflag:s9] =	ssyncadd.s32 $0xFFFFF800  }
0xd8: {  	_ =	swait.ge [sflag:s17], $0x400  }
0xd9: {  	[sflag:s17] =	ssyncset.done $0x0  }
0xda: {  	[sflag:s17] =	ssyncadd.s32 $0xFFFFFC00  }
0xdb: {  	[spmem:s3] =	stream.indirect.scatter.add.f32 [tilespmem:s5], [sflag:$0x4], $0x10, s18, s11, $0xb8;
	[tilespmem:$0x1B7A0] =	vst v63  }
0xdc: {  	_ = 	snop  }
0xdd: {  	[spmem:s3] =	stream.indirect.scatter.add.f32 [tilespmem:s5], [sflag:$0x4], $0x10, s19, s11, $0xb8;
	[tilespmem:$0x1B7A0] =	vst v63  }
0xde: {  	_ = 	snop  }
0xdf: {  	[spmem:s3] =	stream.indirect.scatter.add.f32 [tilespmem:s5], [sflag:$0x4], $0x10, s20, s11, $0xb8;
	[tilespmem:$0x1B7A0] =	vst v63  }
0xe0: {  	_ = 	snop  }
0xe1: {  	[spmem:s3] =	stream.indirect.scatter.add.f32 [tilespmem:s5], [sflag:$0x4], $0x10, s21, s11, $0xb8;
	[tilespmem:$0x1B7A0] =	vst v63  }
0xe2: {  	_ =	swait.ge [sflag:s22], $0x800  }
0xe3: {  	[sflag:s22] =	ssyncset.done $0x0  }
0xe4: {  	[sflag:s22] =	ssyncadd.s32 $0xFFFFF800  }
0xe5: {  	_ =	swait.ge [sflag:s22], $0x800  }
0xe6: {  	[sflag:s22] =	ssyncset.done $0x0  }
0xe7: {  	[sflag:s22] =	ssyncadd.s32 $0xFFFFF800  }
0xe8: {  	_ =	swait.ge [sflag:s22], $0x800  }
0xe9: {  	[sflag:s22] =	ssyncset.done $0x0  }
0xea: {  	[sflag:s22] =	ssyncadd.s32 $0xFFFFF800  }
0xeb: {  	_ =	swait.ge [sflag:s22], $0x800  }
0xec: {  	[sflag:s22] =	ssyncset.done $0x0  }
0xed: {  	[sflag:s22] =	ssyncadd.s32 $0xFFFFF800  }
0xee: {  	[bflag:$0x0] =	sbarrier.arrive $0xFFFF  }
0xef: {  	s26 =	sshrl.u32 @!p0 s14, $0x3;
	s28 =	simm.s32 @!p0 $0x1FC5;
	s29 =	rddreg [dreg:$0xc]  }
0xf0: {  	[hbm:s29], [sflag:s28] =	dma.local @!p0 [spmem:s26], $0x3020  }
0xf1: {  	s26 =	simm.s32 @!p0 $0x5  }
0xf2: {  	s30 =	stileid.u32;
	_ =	swait.ge @!p0 [sflag:s26], $0x3020  }
0xf3: {  	s28 =	sshll.u32 @!p1 s30, $0x6;
	[sflag:s26] =	ssyncset.done @!p0 $0x0;
	s29 =	rddreg [dreg:$0xb]  }
0xf4: {  	[sflag:s26] =	ssyncadd.s32 @!p0 $0xFFFFCFE0;
	s26 =	sor.u32 @!p1 $0x1C05, s28;
	s28 =	sshrl.u32 @!p1 s12, $0x3  }
0xf5: {  	[hbm:s29], [sflag:s26] =	dma.local @!p1 [spmem:s28], $0x30E0  }
0xf6: {  	s26 =	simm.s32 @!p1 $0x5  }
0xf7: {  	_ =	swait.ge @!p1 [sflag:s26], $0x30E0  }
0xf8: {  	s28 =	simm.s32 @!p2 $0x1FC5;
	[sflag:s26] =	ssyncset.done @!p1 $0x0  }
0xf9: {  	s29 =	rddreg [dreg:$0xa];
	[sflag:s26] =	ssyncadd.s32 @!p1 $0xFFFFCF20;
	s26 =	sshrl.u32 @!p2 s14, $0x3  }
0xfa: {  	[hbm:s29], [sflag:s28] =	dma.local @!p2 [spmem:s26], $0x3020  }
0xfb: {  	s26 =	simm.s32 @!p2 $0x5  }
0xfc: {  	_ =	swait.ge @!p2 [sflag:s26], $0x3020  }
0xfd: {  	s28 =	sshll.u32 @!p3 s30, $0x6;
	[sflag:s26] =	ssyncset.done @!p2 $0x0;
	s30 =	rddreg [dreg:$0x9]  }
0xfe: {  	[sflag:s26] =	ssyncadd.s32 @!p2 $0xFFFFCFE0;
	s26 =	sor.u32 @!p3 $0x1C05, s28;
	s28 =	sshrl.u32 @!p3 s12, $0x3  }
0xff: {  	[hbm:s30], [sflag:s26] =	dma.local @!p3 [spmem:s28], $0x30E0  }
0x100: {  	s26 =	simm.s32 @!p3 $0x5  }
0x101: {  	_ =	swait.ge @!p3 [sflag:s26], $0x30E0  }
0x102: {  	s23 =	sadd.s32 $0x1, s23;
	s30 =	rddreg [dreg:$0xd]  }
0x103: {  	p4 =	sne.s32 s23, s30  }
.Ltmp1:
0x104: {  	_ = 	snop;
	(pc) =	sbr.rel @p4 .LBB2_1-.Ltmp1, $3  }
0x105: {  	_ =	sdelay $0x1  }
0x106: {  	[sflag:s26] =	ssyncset.done @!p3 $0x0  }
0x107: {  	s29 =	stileid.u32;
	[sflag:s26] =	ssyncadd.s32 @!p3 $0xFFFFCF20  }
0x108: {  	_ =	sfence.sel $0x180000  }
0x109: {  	[bflag:$0x0] =	sbarrier.arrive $0xFFFF  }
0x10a: {  	_ =	strace $0x90000047  }
0x10b: {  	[bflag:$0x2] =	sbarrier.arrive $0xFFFF  }
0x10c: {  	p0 =	sne.s32 s29, $0x0;
	s0 =	rddreg [dreg:$0x3]  }
0x10d: {  	s0 =	sadd.s32 @!p0 $0x100000, s0  }
0x10e: {  	[sflag:s0] =	ssyncadd.tile.s32 @!p0 $0x1;
	_ =	shalt  }
.Lfunc_end2:
_tile_overlayer_lowered:
.L_overlay_start_2:
0x10f: {  	(tag) =	ssettag $0x2  }
0x110: {  	s0 =	rddreg [dreg:$0x0];
	s2 =	stileid.u32  }
0x111: {  	s1 =	rddreg [dreg:$0x1];
	p0 =	sne.s32 s2, $0x0  }
0x112: {  	s3 =	rddreg [dreg:$0x2];
	[bflag:$0x3] =	sbarrier.arrive $0xFFFF;
	s2 =	simm.s32 @!p0 $0x1C05  }
0x113: {  	[timem:s3], [sflag:s2] =	dma.local @!p0 [hbm:s0], s1  }
0x114: {  	s0 =	simm.s32 @!p0 $0x5  }
0x115: {  	_ =	swait.ge @!p0 [sflag:s0], s1  }
0x116: {  	s1 =	ssub.s32 @!p0 $0x0, s1;
	[sflag:s0] =	ssyncset.done @!p0 $0x0  }
0x117: {  	[sflag:s0] =	ssyncadd.s32 @!p0 s1  }
0x118: {  	[bflag:$0x3] =	sbarrier.arrive $0xFFFF  }
0x119: {  	_ =	shalt  }

</sc_bundles>
